<compile_context>
chip_gen: v7x
topology: tpu7x:2x2x1
jax: 0.10.2.dev20260603
libtpu: 0.0.44.dev20260713+nightly
codegen_flags: <defaults>
</compile_context>

<pallas_src>
import functools

import jax
import jax.numpy as jnp
from jax import lax
from jax.experimental import pallas as pl
from jax.experimental.pallas import tpu as pltpu
from jax.experimental.pallas import tpu_sc as plsc

N_EDGES = 320000
N_NODES = 10000
D = 128
NC = 2
NS = 16
NW = NC * NS
B_PER_W = N_EDGES // NW
C = 16
CHUNKS = B_PER_W // C
NBUF = 3
LANES = 16


def _edge_sym_body(tbl, src, dst, out, stbl, sidx, didx,
                   ti0, ti1, ti2, tj0, tj1, tj2, ob0, ob1, ob2,
                   gs0, gs1, gs2, ss0, ss1, ss2):
    ti = [ti0, ti1, ti2]
    tj = [tj0, tj1, tj2]
    ob = [ob0, ob1, ob2]
    gsem = [gs0, gs1, gs2]
    ssem = [ss0, ss1, ss2]

    sid = lax.axis_index("s")
    wid = sid * NC + lax.axis_index("c")
    base = wid * B_PER_W
    pltpu.sync_copy(src.at[pl.ds(base, B_PER_W)], sidx)
    pltpu.sync_copy(dst.at[pl.ds(base, B_PER_W)], didx)

    row0 = sid * 624
    pltpu.sync_copy(tbl.at[pl.ds(row0, 624)], stbl.at[pl.ds(row0, 624)])

    @pl.when(sid == NS - 1)
    def _():
        pltpu.sync_copy(tbl.at[pl.ds(624 * NS, N_NODES - 624 * NS)],
                        stbl.at[pl.ds(624 * NS, N_NODES - 624 * NS)])

    plsc.subcore_barrier()

    def gather_copies(b, g):
        lo = g * C
        c1 = pltpu.make_async_copy(stbl.at[sidx.at[pl.ds(lo, C)]], ti[b], gsem[b])
        c2 = pltpu.make_async_copy(stbl.at[didx.at[pl.ds(lo, C)]], tj[b], gsem[b])
        return c1, c2

    def issue_gathers(b, g):
        c1, c2 = gather_copies(b, g)
        c1.start()
        c2.start()

    def wait_gathers(b, g):
        c1, c2 = gather_copies(b, g)
        c1.wait()
        c2.wait()

    def issue_store(b, g):
        off = base + g * C
        pltpu.make_async_copy(ob[b], out.at[pl.ds(off, C)], ssem[b]).start()

    def wait_store(b):
        pltpu.make_async_copy(ob[b], out.at[pl.ds(base, C)], ssem[b]).wait()

    for b0 in range(NBUF):
        issue_gathers(b0, b0)

    def outer(g2, carry):
        for b in range(NBUF):
            g = g2 * NBUF + b

            @pl.when(g < CHUNKS)
            def _process():
                wait_gathers(b, g)

                @pl.when(g >= NBUF)
                def _():
                    wait_store(b)

                @plsc.parallel_loop(0, C, unroll=4)
                def _rows(i):
                    for j in range(D // LANES):
                        a = ti[b][i, pl.ds(j * LANES, LANES)]
                        bb = tj[b][i, pl.ds(j * LANES, LANES)]
                        ob[b][i, pl.ds(j * LANES, LANES)] = a + bb
                        ob[b][i, pl.ds(D + j * LANES, LANES)] = a - bb
                issue_store(b, g)

                @pl.when(g + NBUF < CHUNKS)
                def _():
                    issue_gathers(b, g + NBUF)
        return carry

    lax.fori_loop(0, (CHUNKS + NBUF - 1) // NBUF, outer, 0)
    for b in range(NBUF):
        wait_store(b)


_edge_sym = functools.partial(
    pl.kernel,
    mesh=plsc.VectorSubcoreMesh(core_axis_name="c", subcore_axis_name="s"),
    out_type=jax.ShapeDtypeStruct((N_EDGES, 2 * D), jnp.float32),
    scratch_types=[
        pltpu.VMEM_SHARED((N_NODES, D), jnp.float32),
        pltpu.VMEM((B_PER_W,), jnp.int32),
        pltpu.VMEM((B_PER_W,), jnp.int32),
        *([pltpu.VMEM((C, D), jnp.float32)] * 6),
        *([pltpu.VMEM((C, 2 * D), jnp.float32)] * 3),
        *([pltpu.SemaphoreType.DMA] * 6),
    ],
)(_edge_sym_body)


def kernel(node_attrs, edge_index):
    ei = edge_index.astype(jnp.int32)
    return _edge_sym(node_attrs, ei[0], ei[1])

# --- scband reference (transcript-rebuilt; emitter-appended) ---
"""Pipeline reference for scband-edge-symmetric-embedding-72662256714332 (READ-ONLY COPY).

The authoritative reference and input builder live on the scoring server;
editing this copy changes nothing except your own understanding.
"""

import jax, jax.numpy as jnp
import numpy as np

N_NODES = 10000
NUM_TYPES = 128
N_EDGES = 320000


def setup_inputs(seed: int = 0) -> dict:
    key = jax.random.key(seed)
    k1, k2 = jax.random.split(key)
    node_attrs = jax.random.normal(k1, (N_NODES, NUM_TYPES), dtype=jnp.float32)
    edge_index = jax.random.randint(k2, (2, N_EDGES), 0, N_NODES, dtype=jnp.int64)
    return {"node_attrs": node_attrs, "edge_index": edge_index}


def reference(node_attrs, edge_index):
    # EdgeSymmetricEmbedding.forward: gather node attrs at both edge endpoints,
    # emit concat(ti + tj, ti - tj) as edge attrs of width 2 * num_types.
    ti = jnp.take(node_attrs, edge_index[0], axis=0)
    tj = jnp.take(node_attrs, edge_index[1], axis=0)
    plus = ti + tj
    minus = ti - tj
    edge_attrs = jnp.concatenate([plus, minus], axis=-1)
    return edge_attrs

if __name__ == "__main__":
    import jax
    _d = setup_inputs()
    print(jax.jit(kernel)(*tuple(_d.values())))

</pallas_src>

<mosaic_0001>
#map = affine_map<(d0, d1) -> (0, 0)>
#map1 = affine_map<(d0, d1) -> (0)>
module attributes {stable_mosaic.version = 14 : i64} {
  func.func @_edge_sym_body(%arg0: i32, %arg1: i32, %arg2: memref<10000x128xf32, #tpu.memory_space<hbm>>, %arg3: memref<320000xi32, #tpu.memory_space<hbm>>, %arg4: memref<320000xi32, #tpu.memory_space<hbm>>, %arg5: memref<320000x256xf32, #tpu.memory_space<hbm>>, %arg6: memref<10000x128xf32, #tpu.memory_space<vmem_shared>>, %arg7: memref<10000xi32, #tpu.memory_space<vmem>>, %arg8: memref<10000xi32, #tpu.memory_space<vmem>>, %arg9: memref<16x128xf32, #tpu.memory_space<vmem>>, %arg10: memref<16x128xf32, #tpu.memory_space<vmem>>, %arg11: memref<16x128xf32, #tpu.memory_space<vmem>>, %arg12: memref<16x128xf32, #tpu.memory_space<vmem>>, %arg13: memref<16x128xf32, #tpu.memory_space<vmem>>, %arg14: memref<16x128xf32, #tpu.memory_space<vmem>>, %arg15: memref<16x256xf32, #tpu.memory_space<vmem>>, %arg16: memref<16x256xf32, #tpu.memory_space<vmem>>, %arg17: memref<16x256xf32, #tpu.memory_space<vmem>>, %arg18: memref<!tpu.dma_semaphore, #tpu.memory_space<semaphore_mem>>, %arg19: memref<!tpu.dma_semaphore, #tpu.memory_space<semaphore_mem>>, %arg20: memref<!tpu.dma_semaphore, #tpu.memory_space<semaphore_mem>>, %arg21: memref<!tpu.dma_semaphore, #tpu.memory_space<semaphore_mem>>, %arg22: memref<!tpu.dma_semaphore, #tpu.memory_space<semaphore_mem>>, %arg23: memref<!tpu.dma_semaphore, #tpu.memory_space<semaphore_mem>>) attributes {dimension_semantics = [#tpu.dimension_semantics<core_parallel>, #tpu.dimension_semantics<subcore_parallel>], iteration_bounds = array<i64: 2, 16>, scalar_prefetch = 0 : i64, scratch_operands = 18 : i64, tpu.core_type = #tpu.core_type<sc_vector_subcore>, window_params = [{transform_indices = #map}, {transform_indices = #map1}, {transform_indices = #map1}, {transform_indices = #map}]} {
    %mul3A = arith.constant 2 : i32
    %mul3A_0 = arith.muli %arg1, %mul3A : i32
    %add3A = arith.addi %mul3A_0, %arg0 : i32
    %mul3A_1 = arith.constant 10000 : i32
    %mul3A_2 = arith.muli %add3A, %mul3A_1 : i32
    "tpu.region"() ({
      %run_scoped3A = tpu.sem_alloc : memref<!tpu.dma_semaphore, #tpu.memory_space<semaphore_mem>>
      %dma_start3A_52 = tpu.memref_slice %arg3[%mul3A_2] : memref<320000xi32, #tpu.memory_space<hbm>> -> memref<10000xi32, #tpu.memory_space<hbm>>
      %dma_start3A_53 = tpu.memref_slice %arg3[%mul3A_2] : memref<320000xi32, #tpu.memory_space<hbm>> -> memref<10000xi32, #tpu.memory_space<hbm>>
      tpu.enqueue_dma source(%dma_start3A_53 : memref<10000xi32, #tpu.memory_space<hbm>>) target(%arg7 : memref<10000xi32, #tpu.memory_space<vmem>>) target_semaphore(%run_scoped3A : memref<!tpu.dma_semaphore, #tpu.memory_space<semaphore_mem>>)
      %dma_wait3A_54 = tpu.memref_slice %arg3[%mul3A_2] : memref<320000xi32, #tpu.memory_space<hbm>> -> memref<10000xi32, #tpu.memory_space<hbm>>
      %dma_wait3A_55 = tpu.memref_slice %arg3[%mul3A_2] : memref<320000xi32, #tpu.memory_space<hbm>> -> memref<10000xi32, #tpu.memory_space<hbm>>
      tpu.wait_dma2 semaphore(%run_scoped3A : memref<!tpu.dma_semaphore, #tpu.memory_space<semaphore_mem>>) src(%dma_wait3A_55 : memref<10000xi32, #tpu.memory_space<hbm>>) dst(%arg7 : memref<10000xi32, #tpu.memory_space<vmem>>)
      tpu.yield
    }) : () -> ()
    "tpu.region"() ({
      %run_scoped3A = tpu.sem_alloc : memref<!tpu.dma_semaphore, #tpu.memory_space<semaphore_mem>>
      %dma_start3A_52 = tpu.memref_slice %arg4[%mul3A_2] : memref<320000xi32, #tpu.memory_space<hbm>> -> memref<10000xi32, #tpu.memory_space<hbm>>
      %dma_start3A_53 = tpu.memref_slice %arg4[%mul3A_2] : memref<320000xi32, #tpu.memory_space<hbm>> -> memref<10000xi32, #tpu.memory_space<hbm>>
      tpu.enqueue_dma source(%dma_start3A_53 : memref<10000xi32, #tpu.memory_space<hbm>>) target(%arg8 : memref<10000xi32, #tpu.memory_space<vmem>>) target_semaphore(%run_scoped3A : memref<!tpu.dma_semaphore, #tpu.memory_space<semaphore_mem>>)
      %dma_wait3A_54 = tpu.memref_slice %arg4[%mul3A_2] : memref<320000xi32, #tpu.memory_space<hbm>> -> memref<10000xi32, #tpu.memory_space<hbm>>
      %dma_wait3A_55 = tpu.memref_slice %arg4[%mul3A_2] : memref<320000xi32, #tpu.memory_space<hbm>> -> memref<10000xi32, #tpu.memory_space<hbm>>
      tpu.wait_dma2 semaphore(%run_scoped3A : memref<!tpu.dma_semaphore, #tpu.memory_space<semaphore_mem>>) src(%dma_wait3A_55 : memref<10000xi32, #tpu.memory_space<hbm>>) dst(%arg8 : memref<10000xi32, #tpu.memory_space<vmem>>)
      tpu.yield
    }) : () -> ()
    %mul3A_3 = arith.constant 624 : i32
    %mul3A_4 = arith.muli %arg1, %mul3A_3 : i32
    "tpu.region"() ({
      %run_scoped3A = tpu.sem_alloc : memref<!tpu.dma_semaphore, #tpu.memory_space<semaphore_mem>>
      %dma_start3A_52 = arith.constant 0 : i32
      %dma_start3A_53 = tpu.memref_slice %arg6[%mul3A_4, %dma_start3A_52] : memref<10000x128xf32, #tpu.memory_space<vmem_shared>> -> memref<624x128xf32, #tpu.memory_space<vmem_shared>>
      %dma_start3A_54 = arith.constant 0 : i32
      %dma_start3A_55 = tpu.memref_slice %arg2[%mul3A_4, %dma_start3A_54] : memref<10000x128xf32, #tpu.memory_space<hbm>> -> memref<624x128xf32, #tpu.memory_space<hbm>>
      tpu.enqueue_dma source(%dma_start3A_55 : memref<624x128xf32, #tpu.memory_space<hbm>>) target(%dma_start3A_53 : memref<624x128xf32, #tpu.memory_space<vmem_shared>>) target_semaphore(%run_scoped3A : memref<!tpu.dma_semaphore, #tpu.memory_space<semaphore_mem>>)
      %dma_wait3A_56 = arith.constant 0 : i32
      %dma_wait3A_57 = tpu.memref_slice %arg6[%mul3A_4, %dma_wait3A_56] : memref<10000x128xf32, #tpu.memory_space<vmem_shared>> -> memref<624x128xf32, #tpu.memory_space<vmem_shared>>
      %dma_wait3A_58 = arith.constant 0 : i32
      %dma_wait3A_59 = tpu.memref_slice %arg2[%mul3A_4, %dma_wait3A_58] : memref<10000x128xf32, #tpu.memory_space<hbm>> -> memref<624x128xf32, #tpu.memory_space<hbm>>
      tpu.wait_dma2 semaphore(%run_scoped3A : memref<!tpu.dma_semaphore, #tpu.memory_space<semaphore_mem>>) src(%dma_wait3A_59 : memref<624x128xf32, #tpu.memory_space<hbm>>) dst(%dma_wait3A_57 : memref<624x128xf32, #tpu.memory_space<vmem_shared>>)
      tpu.yield
    }) : () -> ()
    %eq3A = arith.constant 15 : i32
    %eq3A_5 = arith.cmpi eq, %arg1, %eq3A : i32
    %convert_element_type3A = arith.extui %eq3A_5 : i1 to i32
    %cond3A = arith.constant 0 : i32
    %cond3A_6 = arith.cmpi ne, %convert_element_type3A, %cond3A : i32
    scf.if %cond3A_6 {
      "tpu.region"() ({
        %run_scoped3A = tpu.sem_alloc : memref<!tpu.dma_semaphore, #tpu.memory_space<semaphore_mem>>
        %dma_start3A_52 = arith.constant 9984 : i32
        %dma_start3A_53 = arith.constant 0 : i32
        %dma_start3A_54 = tpu.memref_slice %arg6[%dma_start3A_52, %dma_start3A_53] : memref<10000x128xf32, #tpu.memory_space<vmem_shared>> -> memref<16x128xf32, #tpu.memory_space<vmem_shared>>
        %dma_start3A_55 = arith.constant 9984 : i32
        %dma_start3A_56 = arith.constant 0 : i32
        %dma_start3A_57 = tpu.memref_slice %arg2[%dma_start3A_55, %dma_start3A_56] : memref<10000x128xf32, #tpu.memory_space<hbm>> -> memref<16x128xf32, #tpu.memory_space<hbm>>
        tpu.enqueue_dma source(%dma_start3A_57 : memref<16x128xf32, #tpu.memory_space<hbm>>) target(%dma_start3A_54 : memref<16x128xf32, #tpu.memory_space<vmem_shared>>) target_semaphore(%run_scoped3A : memref<!tpu.dma_semaphore, #tpu.memory_space<semaphore_mem>>)
        %dma_wait3A_58 = arith.constant 9984 : i32
        %dma_wait3A_59 = arith.constant 0 : i32
        %dma_wait3A_60 = tpu.memref_slice %arg6[%dma_wait3A_58, %dma_wait3A_59] : memref<10000x128xf32, #tpu.memory_space<vmem_shared>> -> memref<16x128xf32, #tpu.memory_space<vmem_shared>>
        %dma_wait3A_61 = arith.constant 9984 : i32
        %dma_wait3A_62 = arith.constant 0 : i32
        %dma_wait3A_63 = tpu.memref_slice %arg2[%dma_wait3A_61, %dma_wait3A_62] : memref<10000x128xf32, #tpu.memory_space<hbm>> -> memref<16x128xf32, #tpu.memory_space<hbm>>
        tpu.wait_dma2 semaphore(%run_scoped3A : memref<!tpu.dma_semaphore, #tpu.memory_space<semaphore_mem>>) src(%dma_wait3A_63 : memref<16x128xf32, #tpu.memory_space<hbm>>) dst(%dma_wait3A_60 : memref<16x128xf32, #tpu.memory_space<vmem_shared>>)
        tpu.yield
      }) : () -> ()
    } else {
    }
    %barrier3A = arith.constant 0 : index
    tpu.barrier barrier_id(%barrier3A)
    %dma_start3A = arith.constant 0 : i32
    %dma_start3A_7 = tpu.memref_slice %arg7[%dma_start3A] : memref<10000xi32, #tpu.memory_space<vmem>> -> memref<16xi32, #tpu.memory_space<vmem>>
    %dma_start3A_8 = arith.constant 0 : i32
    %dma_start3A_9 = arith.constant 0 : i32
    %dma_start3A_10 = tpu.memref_slice %arg6[%dma_start3A_8, %dma_start3A_9] : memref<10000x128xf32, #tpu.memory_space<vmem_shared>> -> memref<10000x128xf32, #tpu.memory_space<vmem_shared>>
    tpu.enqueue_indirect_dma source(%dma_start3A_10 : memref<10000x128xf32, #tpu.memory_space<vmem_shared>>) target(%arg9 : memref<16x128xf32, #tpu.memory_space<vmem>>) offsets(%dma_start3A_7 : memref<16xi32, #tpu.memory_space<vmem>>) semaphore(%arg18 : memref<!tpu.dma_semaphore, #tpu.memory_space<semaphore_mem>>)
    %dma_start3A_11 = arith.constant 0 : i32
    %dma_start3A_12 = tpu.memref_slice %arg8[%dma_start3A_11] : memref<10000xi32, #tpu.memory_space<vmem>> -> memref<16xi32, #tpu.memory_space<vmem>>
    %dma_start3A_13 = arith.constant 0 : i32
    %dma_start3A_14 = arith.constant 0 : i32
    %dma_start3A_15 = tpu.memref_slice %arg6[%dma_start3A_13, %dma_start3A_14] : memref<10000x128xf32, #tpu.memory_space<vmem_shared>> -> memref<10000x128xf32, #tpu.memory_space<vmem_shared>>
    tpu.enqueue_indirect_dma source(%dma_start3A_15 : memref<10000x128xf32, #tpu.memory_space<vmem_shared>>) target(%arg12 : memref<16x128xf32, #tpu.memory_space<vmem>>) offsets(%dma_start3A_12 : memref<16xi32, #tpu.memory_space<vmem>>) semaphore(%arg18 : memref<!tpu.dma_semaphore, #tpu.memory_space<semaphore_mem>>)
    %dma_start3A_16 = arith.constant 16 : i32
    %dma_start3A_17 = tpu.memref_slice %arg7[%dma_start3A_16] : memref<10000xi32, #tpu.memory_space<vmem>> -> memref<16xi32, #tpu.memory_space<vmem>>
    %dma_start3A_18 = arith.constant 0 : i32
    %dma_start3A_19 = arith.constant 0 : i32
    %dma_start3A_20 = tpu.memref_slice %arg6[%dma_start3A_18, %dma_start3A_19] : memref<10000x128xf32, #tpu.memory_space<vmem_shared>> -> memref<10000x128xf32, #tpu.memory_space<vmem_shared>>
    tpu.enqueue_indirect_dma source(%dma_start3A_20 : memref<10000x128xf32, #tpu.memory_space<vmem_shared>>) target(%arg10 : memref<16x128xf32, #tpu.memory_space<vmem>>) offsets(%dma_start3A_17 : memref<16xi32, #tpu.memory_space<vmem>>) semaphore(%arg19 : memref<!tpu.dma_semaphore, #tpu.memory_space<semaphore_mem>>)
    %dma_start3A_21 = arith.constant 16 : i32
    %dma_start3A_22 = tpu.memref_slice %arg8[%dma_start3A_21] : memref<10000xi32, #tpu.memory_space<vmem>> -> memref<16xi32, #tpu.memory_space<vmem>>
    %dma_start3A_23 = arith.constant 0 : i32
    %dma_start3A_24 = arith.constant 0 : i32
    %dma_start3A_25 = tpu.memref_slice %arg6[%dma_start3A_23, %dma_start3A_24] : memref<10000x128xf32, #tpu.memory_space<vmem_shared>> -> memref<10000x128xf32, #tpu.memory_space<vmem_shared>>
    tpu.enqueue_indirect_dma source(%dma_start3A_25 : memref<10000x128xf32, #tpu.memory_space<vmem_shared>>) target(%arg13 : memref<16x128xf32, #tpu.memory_space<vmem>>) offsets(%dma_start3A_22 : memref<16xi32, #tpu.memory_space<vmem>>) semaphore(%arg19 : memref<!tpu.dma_semaphore, #tpu.memory_space<semaphore_mem>>)
    %dma_start3A_26 = arith.constant 32 : i32
    %dma_start3A_27 = tpu.memref_slice %arg7[%dma_start3A_26] : memref<10000xi32, #tpu.memory_space<vmem>> -> memref<16xi32, #tpu.memory_space<vmem>>
    %dma_start3A_28 = arith.constant 0 : i32
    %dma_start3A_29 = arith.constant 0 : i32
    %dma_start3A_30 = tpu.memref_slice %arg6[%dma_start3A_28, %dma_start3A_29] : memref<10000x128xf32, #tpu.memory_space<vmem_shared>> -> memref<10000x128xf32, #tpu.memory_space<vmem_shared>>
    tpu.enqueue_indirect_dma source(%dma_start3A_30 : memref<10000x128xf32, #tpu.memory_space<vmem_shared>>) target(%arg11 : memref<16x128xf32, #tpu.memory_space<vmem>>) offsets(%dma_start3A_27 : memref<16xi32, #tpu.memory_space<vmem>>) semaphore(%arg20 : memref<!tpu.dma_semaphore, #tpu.memory_space<semaphore_mem>>)
    %dma_start3A_31 = arith.constant 32 : i32
    %dma_start3A_32 = tpu.memref_slice %arg8[%dma_start3A_31] : memref<10000xi32, #tpu.memory_space<vmem>> -> memref<16xi32, #tpu.memory_space<vmem>>
    %dma_start3A_33 = arith.constant 0 : i32
    %dma_start3A_34 = arith.constant 0 : i32
    %dma_start3A_35 = tpu.memref_slice %arg6[%dma_start3A_33, %dma_start3A_34] : memref<10000x128xf32, #tpu.memory_space<vmem_shared>> -> memref<10000x128xf32, #tpu.memory_space<vmem_shared>>
    tpu.enqueue_indirect_dma source(%dma_start3A_35 : memref<10000x128xf32, #tpu.memory_space<vmem_shared>>) target(%arg14 : memref<16x128xf32, #tpu.memory_space<vmem>>) offsets(%dma_start3A_32 : memref<16xi32, #tpu.memory_space<vmem>>) semaphore(%arg20 : memref<!tpu.dma_semaphore, #tpu.memory_space<semaphore_mem>>)
    %scan3A = arith.constant 0 : i32
    %scan3A_36 = arith.constant 0 : i32
    %scan3A_37 = arith.constant 209 : i32
    %scan3A_38 = arith.addi %scan3A_36, %scan3A_37 : i32
    %scan3A_39 = arith.constant 1 : i32
    scf.for %scan3A_52 = %scan3A_36 to %scan3A_38 step %scan3A_39  : i32 {
      %mul3A_53 = arith.constant 3 : i32
      %mul3A_54 = arith.muli %scan3A_52, %mul3A_53 : i32
      %add3A_55 = arith.constant 0 : i32
      %add3A_56 = arith.addi %mul3A_54, %add3A_55 : i32
      %lt3A = arith.constant 625 : i32
      %lt3A_57 = arith.cmpi slt, %add3A_56, %lt3A : i32
      %convert_element_type3A_58 = arith.extui %lt3A_57 : i1 to i32
      %cond3A_59 = arith.constant 0 : i32
      %cond3A_60 = arith.cmpi ne, %convert_element_type3A_58, %cond3A_59 : i32
      scf.if %cond3A_60 {
        %mul3A_79 = arith.constant 16 : i32
        %mul3A_80 = arith.muli %add3A_56, %mul3A_79 : i32
        %dma_wait3A_81 = tpu.memref_slice %arg7[%mul3A_80] : memref<10000xi32, #tpu.memory_space<vmem>> -> memref<16xi32, #tpu.memory_space<vmem>>
        %dma_wait3A_82 = arith.constant 0 : i32
        %dma_wait3A_83 = arith.constant 0 : i32
        %dma_wait3A_84 = tpu.memref_slice %arg6[%dma_wait3A_82, %dma_wait3A_83] : memref<10000x128xf32, #tpu.memory_space<vmem_shared>> -> memref<10000x128xf32, #tpu.memory_space<vmem_shared>>
        tpu.wait_indirect_dma semaphore(%arg18 : memref<!tpu.dma_semaphore, #tpu.memory_space<semaphore_mem>>) src(%dma_wait3A_84 : memref<10000x128xf32, #tpu.memory_space<vmem_shared>>) dst(%arg9 : memref<16x128xf32, #tpu.memory_space<vmem>>)
        %dma_wait3A_85 = tpu.memref_slice %arg8[%mul3A_80] : memref<10000xi32, #tpu.memory_space<vmem>> -> memref<16xi32, #tpu.memory_space<vmem>>
        %dma_wait3A_86 = arith.constant 0 : i32
        %dma_wait3A_87 = arith.constant 0 : i32
        %dma_wait3A_88 = tpu.memref_slice %arg6[%dma_wait3A_86, %dma_wait3A_87] : memref<10000x128xf32, #tpu.memory_space<vmem_shared>> -> memref<10000x128xf32, #tpu.memory_space<vmem_shared>>
        tpu.wait_indirect_dma semaphore(%arg18 : memref<!tpu.dma_semaphore, #tpu.memory_space<semaphore_mem>>) src(%dma_wait3A_88 : memref<10000x128xf32, #tpu.memory_space<vmem_shared>>) dst(%arg12 : memref<16x128xf32, #tpu.memory_space<vmem>>)
        %ge3A = arith.constant 3 : i32
        %ge3A_89 = arith.cmpi sge, %add3A_56, %ge3A : i32
        %convert_element_type3A_90 = arith.extui %ge3A_89 : i1 to i32
        %cond3A_91 = arith.constant 0 : i32
        %cond3A_92 = arith.cmpi ne, %convert_element_type3A_90, %cond3A_91 : i32
        scf.if %cond3A_92 {
          %dma_wait3A_109 = arith.constant 0 : i32
          %dma_wait3A_110 = tpu.memref_slice %arg5[%mul3A_2, %dma_wait3A_109] : memref<320000x256xf32, #tpu.memory_space<hbm>> -> memref<16x256xf32, #tpu.memory_space<hbm>>
          %dma_wait3A_111 = arith.constant 0 : i32
          %dma_wait3A_112 = tpu.memref_slice %arg5[%mul3A_2, %dma_wait3A_111] : memref<320000x256xf32, #tpu.memory_space<hbm>> -> memref<16x256xf32, #tpu.memory_space<hbm>>
          tpu.wait_dma2 semaphore(%arg21 : memref<!tpu.dma_semaphore, #tpu.memory_space<semaphore_mem>>) src(%arg15 : memref<16x256xf32, #tpu.memory_space<vmem>>) dst(%dma_wait3A_112 : memref<16x256xf32, #tpu.memory_space<hbm>>)
        } else {
        }
        %parallel_loop3A = arith.constant 0 : i32
        %parallel_loop3A_93 = arith.constant 16 : i32
        %parallel_loop3A_94 = arith.constant 1 : i32
        scf.for %parallel_loop3A_109 = %parallel_loop3A to %parallel_loop3A_93 step %parallel_loop3A_94  : i32 {
          %parallel_loop3A_110 = arith.index_cast %parallel_loop3A_109 : i32 to index
          %parallel_loop3A_111 = arith.constant 0 : index
          %parallel_loop3A_112 = tpu.vector_load %arg9[%parallel_loop3A_110, %parallel_loop3A_111] {strides = array<i32>} : memref<16x128xf32, #tpu.memory_space<vmem>>, vector<1x16xf32>,
          %parallel_loop3A_113 = vector.shape_cast %parallel_loop3A_112 : vector<1x16xf32> to vector<16xf32>
          %parallel_loop3A_114 = arith.index_cast %parallel_loop3A_109 : i32 to index
          %parallel_loop3A_115 = arith.constant 0 : index
          %parallel_loop3A_116 = tpu.vector_load %arg12[%parallel_loop3A_114, %parallel_loop3A_115] {strides = array<i32>} : memref<16x128xf32, #tpu.memory_space<vmem>>, vector<1x16xf32>,
          %parallel_loop3A_117 = vector.shape_cast %parallel_loop3A_116 : vector<1x16xf32> to vector<16xf32>
          %parallel_loop3A_118 = arith.addf %parallel_loop3A_113, %parallel_loop3A_117 : vector<16xf32>
          %parallel_loop3A_119 = arith.index_cast %parallel_loop3A_109 : i32 to index
          %parallel_loop3A_120 = arith.constant 0 : index
          %parallel_loop3A_121 = tpu.vector_load %arg15[%parallel_loop3A_119, %parallel_loop3A_120] {strides = array<i32>} : memref<16x256xf32, #tpu.memory_space<vmem>>, vector<1x16xf32>,
          %parallel_loop3A_122 = vector.shape_cast %parallel_loop3A_121 : vector<1x16xf32> to vector<16xf32>
          %parallel_loop3A_123 = vector.shape_cast %parallel_loop3A_118 : vector<16xf32> to vector<1x16xf32>
          tpu.vector_store %arg15[%parallel_loop3A_119, %parallel_loop3A_120], %parallel_loop3A_123 {strides = array<i32>} : memref<16x256xf32, #tpu.memory_space<vmem>>, vector<1x16xf32>,
          %parallel_loop3A_124 = arith.subf %parallel_loop3A_113, %parallel_loop3A_117 : vector<16xf32>
          %parallel_loop3A_125 = arith.index_cast %parallel_loop3A_109 : i32 to index
          %parallel_loop3A_126 = arith.constant 128 : index
          %parallel_loop3A_127 = tpu.vector_load %arg15[%parallel_loop3A_125, %parallel_loop3A_126] {strides = array<i32>} : memref<16x256xf32, #tpu.memory_space<vmem>>, vector<1x16xf32>,
          %parallel_loop3A_128 = vector.shape_cast %parallel_loop3A_127 : vector<1x16xf32> to vector<16xf32>
          %parallel_loop3A_129 = vector.shape_cast %parallel_loop3A_124 : vector<16xf32> to vector<1x16xf32>
          tpu.vector_store %arg15[%parallel_loop3A_125, %parallel_loop3A_126], %parallel_loop3A_129 {strides = array<i32>} : memref<16x256xf32, #tpu.memory_space<vmem>>, vector<1x16xf32>,
          %parallel_loop3A_130 = arith.index_cast %parallel_loop3A_109 : i32 to index
          %parallel_loop3A_131 = arith.constant 16 : index
          %parallel_loop3A_132 = tpu.vector_load %arg9[%parallel_loop3A_130, %parallel_loop3A_131] {strides = array<i32>} : memref<16x128xf32, #tpu.memory_space<vmem>>, vector<1x16xf32>,
          %parallel_loop3A_133 = vector.shape_cast %parallel_loop3A_132 : vector<1x16xf32> to vector<16xf32>
          %parallel_loop3A_134 = arith.index_cast %parallel_loop3A_109 : i32 to index
          %parallel_loop3A_135 = arith.constant 16 : index
          %parallel_loop3A_136 = tpu.vector_load %arg12[%parallel_loop3A_134, %parallel_loop3A_135] {strides = array<i32>} : memref<16x128xf32, #tpu.memory_space<vmem>>, vector<1x16xf32>,
          %parallel_loop3A_137 = vector.shape_cast %parallel_loop3A_136 : vector<1x16xf32> to vector<16xf32>
          %parallel_loop3A_138 = arith.addf %parallel_loop3A_133, %parallel_loop3A_137 : vector<16xf32>
          %parallel_loop3A_139 = arith.index_cast %parallel_loop3A_109 : i32 to index
          %parallel_loop3A_140 = arith.constant 16 : index
          %parallel_loop3A_141 = tpu.vector_load %arg15[%parallel_loop3A_139, %parallel_loop3A_140] {strides = array<i32>} : memref<16x256xf32, #tpu.memory_space<vmem>>, vector<1x16xf32>,
          %parallel_loop3A_142 = vector.shape_cast %parallel_loop3A_141 : vector<1x16xf32> to vector<16xf32>
          %parallel_loop3A_143 = vector.shape_cast %parallel_loop3A_138 : vector<16xf32> to vector<1x16xf32>
          tpu.vector_store %arg15[%parallel_loop3A_139, %parallel_loop3A_140], %parallel_loop3A_143 {strides = array<i32>} : memref<16x256xf32, #tpu.memory_space<vmem>>, vector<1x16xf32>,
          %parallel_loop3A_144 = arith.subf %parallel_loop3A_133, %parallel_loop3A_137 : vector<16xf32>
          %parallel_loop3A_145 = arith.index_cast %parallel_loop3A_109 : i32 to index
          %parallel_loop3A_146 = arith.constant 144 : index
          %parallel_loop3A_147 = tpu.vector_load %arg15[%parallel_loop3A_145, %parallel_loop3A_146] {strides = array<i32>} : memref<16x256xf32, #tpu.memory_space<vmem>>, vector<1x16xf32>,
          %parallel_loop3A_148 = vector.shape_cast %parallel_loop3A_147 : vector<1x16xf32> to vector<16xf32>
          %parallel_loop3A_149 = vector.shape_cast %parallel_loop3A_144 : vector<16xf32> to vector<1x16xf32>
          tpu.vector_store %arg15[%parallel_loop3A_145, %parallel_loop3A_146], %parallel_loop3A_149 {strides = array<i32>} : memref<16x256xf32, #tpu.memory_space<vmem>>, vector<1x16xf32>,
          %parallel_loop3A_150 = arith.index_cast %parallel_loop3A_109 : i32 to index
          %parallel_loop3A_151 = arith.constant 32 : index
          %parallel_loop3A_152 = tpu.vector_load %arg9[%parallel_loop3A_150, %parallel_loop3A_151] {strides = array<i32>} : memref<16x128xf32, #tpu.memory_space<vmem>>, vector<1x16xf32>,
          %parallel_loop3A_153 = vector.shape_cast %parallel_loop3A_152 : vector<1x16xf32> to vector<16xf32>
          %parallel_loop3A_154 = arith.index_cast %parallel_loop3A_109 : i32 to index
          %parallel_loop3A_155 = arith.constant 32 : index
          %parallel_loop3A_156 = tpu.vector_load %arg12[%parallel_loop3A_154, %parallel_loop3A_155] {strides = array<i32>} : memref<16x128xf32, #tpu.memory_space<vmem>>, vector<1x16xf32>,
          %parallel_loop3A_157 = vector.shape_cast %parallel_loop3A_156 : vector<1x16xf32> to vector<16xf32>
          %parallel_loop3A_158 = arith.addf %parallel_loop3A_153, %parallel_loop3A_157 : vector<16xf32>
          %parallel_loop3A_159 = arith.index_cast %parallel_loop3A_109 : i32 to index
          %parallel_loop3A_160 = arith.constant 32 : index
          %parallel_loop3A_161 = tpu.vector_load %arg15[%parallel_loop3A_159, %parallel_loop3A_160] {strides = array<i32>} : memref<16x256xf32, #tpu.memory_space<vmem>>, vector<1x16xf32>,
          %parallel_loop3A_162 = vector.shape_cast %parallel_loop3A_161 : vector<1x16xf32> to vector<16xf32>
          %parallel_loop3A_163 = vector.shape_cast %parallel_loop3A_158 : vector<16xf32> to vector<1x16xf32>
          tpu.vector_store %arg15[%parallel_loop3A_159, %parallel_loop3A_160], %parallel_loop3A_163 {strides = array<i32>} : memref<16x256xf32, #tpu.memory_space<vmem>>, vector<1x16xf32>,
          %parallel_loop3A_164 = arith.subf %parallel_loop3A_153, %parallel_loop3A_157 : vector<16xf32>
          %parallel_loop3A_165 = arith.index_cast %parallel_loop3A_109 : i32 to index
          %parallel_loop3A_166 = arith.constant 160 : index
          %parallel_loop3A_167 = tpu.vector_load %arg15[%parallel_loop3A_165, %parallel_loop3A_166] {strides = array<i32>} : memref<16x256xf32, #tpu.memory_space<vmem>>, vector<1x16xf32>,
          %parallel_loop3A_168 = vector.shape_cast %parallel_loop3A_167 : vector<1x16xf32> to vector<16xf32>
          %parallel_loop3A_169 = vector.shape_cast %parallel_loop3A_164 : vector<16xf32> to vector<1x16xf32>
          tpu.vector_store %arg15[%parallel_loop3A_165, %parallel_loop3A_166], %parallel_loop3A_169 {strides = array<i32>} : memref<16x256xf32, #tpu.memory_space<vmem>>, vector<1x16xf32>,
          %parallel_loop3A_170 = arith.index_cast %parallel_loop3A_109 : i32 to index
          %parallel_loop3A_171 = arith.constant 48 : index
          %parallel_loop3A_172 = tpu.vector_load %arg9[%parallel_loop3A_170, %parallel_loop3A_171] {strides = array<i32>} : memref<16x128xf32, #tpu.memory_space<vmem>>, vector<1x16xf32>,
          %parallel_loop3A_173 = vector.shape_cast %parallel_loop3A_172 : vector<1x16xf32> to vector<16xf32>
          %parallel_loop3A_174 = arith.index_cast %parallel_loop3A_109 : i32 to index
          %parallel_loop3A_175 = arith.constant 48 : index
          %parallel_loop3A_176 = tpu.vector_load %arg12[%parallel_loop3A_174, %parallel_loop3A_175] {strides = array<i32>} : memref<16x128xf32, #tpu.memory_space<vmem>>, vector<1x16xf32>,
          %parallel_loop3A_177 = vector.shape_cast %parallel_loop3A_176 : vector<1x16xf32> to vector<16xf32>
          %parallel_loop3A_178 = arith.addf %parallel_loop3A_173, %parallel_loop3A_177 : vector<16xf32>
          %parallel_loop3A_179 = arith.index_cast %parallel_loop3A_109 : i32 to index
          %parallel_loop3A_180 = arith.constant 48 : index
          %parallel_loop3A_181 = tpu.vector_load %arg15[%parallel_loop3A_179, %parallel_loop3A_180] {strides = array<i32>} : memref<16x256xf32, #tpu.memory_space<vmem>>, vector<1x16xf32>,
          %parallel_loop3A_182 = vector.shape_cast %parallel_loop3A_181 : vector<1x16xf32> to vector<16xf32>
          %parallel_loop3A_183 = vector.shape_cast %parallel_loop3A_178 : vector<16xf32> to vector<1x16xf32>
          tpu.vector_store %arg15[%parallel_loop3A_179, %parallel_loop3A_180], %parallel_loop3A_183 {strides = array<i32>} : memref<16x256xf32, #tpu.memory_space<vmem>>, vector<1x16xf32>,
          %parallel_loop3A_184 = arith.subf %parallel_loop3A_173, %parallel_loop3A_177 : vector<16xf32>
          %parallel_loop3A_185 = arith.index_cast %parallel_loop3A_109 : i32 to index
          %parallel_loop3A_186 = arith.constant 176 : index
          %parallel_loop3A_187 = tpu.vector_load %arg15[%parallel_loop3A_185, %parallel_loop3A_186] {strides = array<i32>} : memref<16x256xf32, #tpu.memory_space<vmem>>, vector<1x16xf32>,
          %parallel_loop3A_188 = vector.shape_cast %parallel_loop3A_187 : vector<1x16xf32> to vector<16xf32>
          %parallel_loop3A_189 = vector.shape_cast %parallel_loop3A_184 : vector<16xf32> to vector<1x16xf32>
          tpu.vector_store %arg15[%parallel_loop3A_185, %parallel_loop3A_186], %parallel_loop3A_189 {strides = array<i32>} : memref<16x256xf32, #tpu.memory_space<vmem>>, vector<1x16xf32>,
          %parallel_loop3A_190 = arith.index_cast %parallel_loop3A_109 : i32 to index
          %parallel_loop3A_191 = arith.constant 64 : index
          %parallel_loop3A_192 = tpu.vector_load %arg9[%parallel_loop3A_190, %parallel_loop3A_191] {strides = array<i32>} : memref<16x128xf32, #tpu.memory_space<vmem>>, vector<1x16xf32>,
          %parallel_loop3A_193 = vector.shape_cast %parallel_loop3A_192 : vector<1x16xf32> to vector<16xf32>
          %parallel_loop3A_194 = arith.index_cast %parallel_loop3A_109 : i32 to index
          %parallel_loop3A_195 = arith.constant 64 : index
          %parallel_loop3A_196 = tpu.vector_load %arg12[%parallel_loop3A_194, %parallel_loop3A_195] {strides = array<i32>} : memref<16x128xf32, #tpu.memory_space<vmem>>, vector<1x16xf32>,
          %parallel_loop3A_197 = vector.shape_cast %parallel_loop3A_196 : vector<1x16xf32> to vector<16xf32>
          %parallel_loop3A_198 = arith.addf %parallel_loop3A_193, %parallel_loop3A_197 : vector<16xf32>
          %parallel_loop3A_199 = arith.index_cast %parallel_loop3A_109 : i32 to index
          %parallel_loop3A_200 = arith.constant 64 : index
          %parallel_loop3A_201 = tpu.vector_load %arg15[%parallel_loop3A_199, %parallel_loop3A_200] {strides = array<i32>} : memref<16x256xf32, #tpu.memory_space<vmem>>, vector<1x16xf32>,
          %parallel_loop3A_202 = vector.shape_cast %parallel_loop3A_201 : vector<1x16xf32> to vector<16xf32>
          %parallel_loop3A_203 = vector.shape_cast %parallel_loop3A_198 : vector<16xf32> to vector<1x16xf32>
          tpu.vector_store %arg15[%parallel_loop3A_199, %parallel_loop3A_200], %parallel_loop3A_203 {strides = array<i32>} : memref<16x256xf32, #tpu.memory_space<vmem>>, vector<1x16xf32>,
          %parallel_loop3A_204 = arith.subf %parallel_loop3A_193, %parallel_loop3A_197 : vector<16xf32>
          %parallel_loop3A_205 = arith.index_cast %parallel_loop3A_109 : i32 to index
          %parallel_loop3A_206 = arith.constant 192 : index
          %parallel_loop3A_207 = tpu.vector_load %arg15[%parallel_loop3A_205, %parallel_loop3A_206] {strides = array<i32>} : memref<16x256xf32, #tpu.memory_space<vmem>>, vector<1x16xf32>,
          %parallel_loop3A_208 = vector.shape_cast %parallel_loop3A_207 : vector<1x16xf32> to vector<16xf32>
          %parallel_loop3A_209 = vector.shape_cast %parallel_loop3A_204 : vector<16xf32> to vector<1x16xf32>
          tpu.vector_store %arg15[%parallel_loop3A_205, %parallel_loop3A_206], %parallel_loop3A_209 {strides = array<i32>} : memref<16x256xf32, #tpu.memory_space<vmem>>, vector<1x16xf32>,
          %parallel_loop3A_210 = arith.index_cast %parallel_loop3A_109 : i32 to index
          %parallel_loop3A_211 = arith.constant 80 : index
          %parallel_loop3A_212 = tpu.vector_load %arg9[%parallel_loop3A_210, %parallel_loop3A_211] {strides = array<i32>} : memref<16x128xf32, #tpu.memory_space<vmem>>, vector<1x16xf32>,
          %parallel_loop3A_213 = vector.shape_cast %parallel_loop3A_212 : vector<1x16xf32> to vector<16xf32>
          %parallel_loop3A_214 = arith.index_cast %parallel_loop3A_109 : i32 to index
          %parallel_loop3A_215 = arith.constant 80 : index
          %parallel_loop3A_216 = tpu.vector_load %arg12[%parallel_loop3A_214, %parallel_loop3A_215] {strides = array<i32>} : memref<16x128xf32, #tpu.memory_space<vmem>>, vector<1x16xf32>,
          %parallel_loop3A_217 = vector.shape_cast %parallel_loop3A_216 : vector<1x16xf32> to vector<16xf32>
          %parallel_loop3A_218 = arith.addf %parallel_loop3A_213, %parallel_loop3A_217 : vector<16xf32>
          %parallel_loop3A_219 = arith.index_cast %parallel_loop3A_109 : i32 to index
          %parallel_loop3A_220 = arith.constant 80 : index
          %parallel_loop3A_221 = tpu.vector_load %arg15[%parallel_loop3A_219, %parallel_loop3A_220] {strides = array<i32>} : memref<16x256xf32, #tpu.memory_space<vmem>>, vector<1x16xf32>,
          %parallel_loop3A_222 = vector.shape_cast %parallel_loop3A_221 : vector<1x16xf32> to vector<16xf32>
          %parallel_loop3A_223 = vector.shape_cast %parallel_loop3A_218 : vector<16xf32> to vector<1x16xf32>
          tpu.vector_store %arg15[%parallel_loop3A_219, %parallel_loop3A_220], %parallel_loop3A_223 {strides = array<i32>} : memref<16x256xf32, #tpu.memory_space<vmem>>, vector<1x16xf32>,
          %parallel_loop3A_224 = arith.subf %parallel_loop3A_213, %parallel_loop3A_217 : vector<16xf32>
          %parallel_loop3A_225 = arith.index_cast %parallel_loop3A_109 : i32 to index
          %parallel_loop3A_226 = arith.constant 208 : index
          %parallel_loop3A_227 = tpu.vector_load %arg15[%parallel_loop3A_225, %parallel_loop3A_226] {strides = array<i32>} : memref<16x256xf32, #tpu.memory_space<vmem>>, vector<1x16xf32>,
          %parallel_loop3A_228 = vector.shape_cast %parallel_loop3A_227 : vector<1x16xf32> to vector<16xf32>
          %parallel_loop3A_229 = vector.shape_cast %parallel_loop3A_224 : vector<16xf32> to vector<1x16xf32>
          tpu.vector_store %arg15[%parallel_loop3A_225, %parallel_loop3A_226], %parallel_loop3A_229 {strides = array<i32>} : memref<16x256xf32, #tpu.memory_space<vmem>>, vector<1x16xf32>,
          %parallel_loop3A_230 = arith.index_cast %parallel_loop3A_109 : i32 to index
          %parallel_loop3A_231 = arith.constant 96 : index
          %parallel_loop3A_232 = tpu.vector_load %arg9[%parallel_loop3A_230, %parallel_loop3A_231] {strides = array<i32>} : memref<16x128xf32, #tpu.memory_space<vmem>>, vector<1x16xf32>,
          %parallel_loop3A_233 = vector.shape_cast %parallel_loop3A_232 : vector<1x16xf32> to vector<16xf32>
          %parallel_loop3A_234 = arith.index_cast %parallel_loop3A_109 : i32 to index
          %parallel_loop3A_235 = arith.constant 96 : index
          %parallel_loop3A_236 = tpu.vector_load %arg12[%parallel_loop3A_234, %parallel_loop3A_235] {strides = array<i32>} : memref<16x128xf32, #tpu.memory_space<vmem>>, vector<1x16xf32>,
          %parallel_loop3A_237 = vector.shape_cast %parallel_loop3A_236 : vector<1x16xf32> to vector<16xf32>
          %parallel_loop3A_238 = arith.addf %parallel_loop3A_233, %parallel_loop3A_237 : vector<16xf32>
          %parallel_loop3A_239 = arith.index_cast %parallel_loop3A_109 : i32 to index
          %parallel_loop3A_240 = arith.constant 96 : index
          %parallel_loop3A_241 = tpu.vector_load %arg15[%parallel_loop3A_239, %parallel_loop3A_240] {strides = array<i32>} : memref<16x256xf32, #tpu.memory_space<vmem>>, vector<1x16xf32>,
          %parallel_loop3A_242 = vector.shape_cast %parallel_loop3A_241 : vector<1x16xf32> to vector<16xf32>
          %parallel_loop3A_243 = vector.shape_cast %parallel_loop3A_238 : vector<16xf32> to vector<1x16xf32>
          tpu.vector_store %arg15[%parallel_loop3A_239, %parallel_loop3A_240], %parallel_loop3A_243 {strides = array<i32>} : memref<16x256xf32, #tpu.memory_space<vmem>>, vector<1x16xf32>,
          %parallel_loop3A_244 = arith.subf %parallel_loop3A_233, %parallel_loop3A_237 : vector<16xf32>
          %parallel_loop3A_245 = arith.index_cast %parallel_loop3A_109 : i32 to index
          %parallel_loop3A_246 = arith.constant 224 : index
          %parallel_loop3A_247 = tpu.vector_load %arg15[%parallel_loop3A_245, %parallel_loop3A_246] {strides = array<i32>} : memref<16x256xf32, #tpu.memory_space<vmem>>, vector<1x16xf32>,
          %parallel_loop3A_248 = vector.shape_cast %parallel_loop3A_247 : vector<1x16xf32> to vector<16xf32>
          %parallel_loop3A_249 = vector.shape_cast %parallel_loop3A_244 : vector<16xf32> to vector<1x16xf32>
          tpu.vector_store %arg15[%parallel_loop3A_245, %parallel_loop3A_246], %parallel_loop3A_249 {strides = array<i32>} : memref<16x256xf32, #tpu.memory_space<vmem>>, vector<1x16xf32>,
          %parallel_loop3A_250 = arith.index_cast %parallel_loop3A_109 : i32 to index
          %parallel_loop3A_251 = arith.constant 112 : index
          %parallel_loop3A_252 = tpu.vector_load %arg9[%parallel_loop3A_250, %parallel_loop3A_251] {strides = array<i32>} : memref<16x128xf32, #tpu.memory_space<vmem>>, vector<1x16xf32>,
          %parallel_loop3A_253 = vector.shape_cast %parallel_loop3A_252 : vector<1x16xf32> to vector<16xf32>
          %parallel_loop3A_254 = arith.index_cast %parallel_loop3A_109 : i32 to index
          %parallel_loop3A_255 = arith.constant 112 : index
          %parallel_loop3A_256 = tpu.vector_load %arg12[%parallel_loop3A_254, %parallel_loop3A_255] {strides = array<i32>} : memref<16x128xf32, #tpu.memory_space<vmem>>, vector<1x16xf32>,
          %parallel_loop3A_257 = vector.shape_cast %parallel_loop3A_256 : vector<1x16xf32> to vector<16xf32>
          %parallel_loop3A_258 = arith.addf %parallel_loop3A_253, %parallel_loop3A_257 : vector<16xf32>
          %parallel_loop3A_259 = arith.index_cast %parallel_loop3A_109 : i32 to index
          %parallel_loop3A_260 = arith.constant 112 : index
          %parallel_loop3A_261 = tpu.vector_load %arg15[%parallel_loop3A_259, %parallel_loop3A_260] {strides = array<i32>} : memref<16x256xf32, #tpu.memory_space<vmem>>, vector<1x16xf32>,
          %parallel_loop3A_262 = vector.shape_cast %parallel_loop3A_261 : vector<1x16xf32> to vector<16xf32>
          %parallel_loop3A_263 = vector.shape_cast %parallel_loop3A_258 : vector<16xf32> to vector<1x16xf32>
          tpu.vector_store %arg15[%parallel_loop3A_259, %parallel_loop3A_260], %parallel_loop3A_263 {strides = array<i32>} : memref<16x256xf32, #tpu.memory_space<vmem>>, vector<1x16xf32>,
          %parallel_loop3A_264 = arith.subf %parallel_loop3A_253, %parallel_loop3A_257 : vector<16xf32>
          %parallel_loop3A_265 = arith.index_cast %parallel_loop3A_109 : i32 to index
          %parallel_loop3A_266 = arith.constant 240 : index
          %parallel_loop3A_267 = tpu.vector_load %arg15[%parallel_loop3A_265, %parallel_loop3A_266] {strides = array<i32>} : memref<16x256xf32, #tpu.memory_space<vmem>>, vector<1x16xf32>,
          %parallel_loop3A_268 = vector.shape_cast %parallel_loop3A_267 : vector<1x16xf32> to vector<16xf32>
          %parallel_loop3A_269 = vector.shape_cast %parallel_loop3A_264 : vector<16xf32> to vector<1x16xf32>
          tpu.vector_store %arg15[%parallel_loop3A_265, %parallel_loop3A_266], %parallel_loop3A_269 {strides = array<i32>} : memref<16x256xf32, #tpu.memory_space<vmem>>, vector<1x16xf32>,
        } {sc.loop_unroll_factor = 4 : i64, sc.parallel_access}
        %mul3A_95 = arith.constant 16 : i32
        %mul3A_96 = arith.muli %add3A_56, %mul3A_95 : i32
        %add3A_97 = arith.addi %mul3A_2, %mul3A_96 : i32
        %dma_start3A_98 = arith.constant 0 : i32
        %dma_start3A_99 = tpu.memref_slice %arg5[%add3A_97, %dma_start3A_98] : memref<320000x256xf32, #tpu.memory_space<hbm>> -> memref<16x256xf32, #tpu.memory_space<hbm>>
        %dma_start3A_100 = arith.constant 0 : i32
        %dma_start3A_101 = tpu.memref_slice %arg5[%add3A_97, %dma_start3A_100] : memref<320000x256xf32, #tpu.memory_space<hbm>> -> memref<16x256xf32, #tpu.memory_space<hbm>>
        tpu.enqueue_dma source(%arg15 : memref<16x256xf32, #tpu.memory_space<vmem>>) target(%dma_start3A_101 : memref<16x256xf32, #tpu.memory_space<hbm>>) target_semaphore(%arg21 : memref<!tpu.dma_semaphore, #tpu.memory_space<semaphore_mem>>)
        %add3A_102 = arith.constant 3 : i32
        %add3A_103 = arith.addi %add3A_56, %add3A_102 : i32
        %lt3A_104 = arith.constant 625 : i32
        %lt3A_105 = arith.cmpi slt, %add3A_103, %lt3A_104 : i32
        %convert_element_type3A_106 = arith.extui %lt3A_105 : i1 to i32
        %cond3A_107 = arith.constant 0 : i32
        %cond3A_108 = arith.cmpi ne, %convert_element_type3A_106, %cond3A_107 : i32
        scf.if %cond3A_108 {
          %add3A_109 = arith.constant 3 : i32
          %add3A_110 = arith.addi %add3A_56, %add3A_109 : i32
          %mul3A_111 = arith.constant 16 : i32
          %mul3A_112 = arith.muli %add3A_110, %mul3A_111 : i32
          %dma_start3A_113 = tpu.memref_slice %arg7[%mul3A_112] : memref<10000xi32, #tpu.memory_space<vmem>> -> memref<16xi32, #tpu.memory_space<vmem>>
          %dma_start3A_114 = arith.constant 0 : i32
          %dma_start3A_115 = arith.constant 0 : i32
          %dma_start3A_116 = tpu.memref_slice %arg6[%dma_start3A_114, %dma_start3A_115] : memref<10000x128xf32, #tpu.memory_space<vmem_shared>> -> memref<10000x128xf32, #tpu.memory_space<vmem_shared>>
          tpu.enqueue_indirect_dma source(%dma_start3A_116 : memref<10000x128xf32, #tpu.memory_space<vmem_shared>>) target(%arg9 : memref<16x128xf32, #tpu.memory_space<vmem>>) offsets(%dma_start3A_113 : memref<16xi32, #tpu.memory_space<vmem>>) semaphore(%arg18 : memref<!tpu.dma_semaphore, #tpu.memory_space<semaphore_mem>>)
          %dma_start3A_117 = tpu.memref_slice %arg8[%mul3A_112] : memref<10000xi32, #tpu.memory_space<vmem>> -> memref<16xi32, #tpu.memory_space<vmem>>
          %dma_start3A_118 = arith.constant 0 : i32
          %dma_start3A_119 = arith.constant 0 : i32
          %dma_start3A_120 = tpu.memref_slice %arg6[%dma_start3A_118, %dma_start3A_119] : memref<10000x128xf32, #tpu.memory_space<vmem_shared>> -> memref<10000x128xf32, #tpu.memory_space<vmem_shared>>
          tpu.enqueue_indirect_dma source(%dma_start3A_120 : memref<10000x128xf32, #tpu.memory_space<vmem_shared>>) target(%arg12 : memref<16x128xf32, #tpu.memory_space<vmem>>) offsets(%dma_start3A_117 : memref<16xi32, #tpu.memory_space<vmem>>) semaphore(%arg18 : memref<!tpu.dma_semaphore, #tpu.memory_space<semaphore_mem>>)
        } else {
        }
      } else {
      }
      %mul3A_61 = arith.constant 3 : i32
      %mul3A_62 = arith.muli %scan3A_52, %mul3A_61 : i32
      %add3A_63 = arith.constant 1 : i32
      %add3A_64 = arith.addi %mul3A_62, %add3A_63 : i32
      %lt3A_65 = arith.constant 625 : i32
      %lt3A_66 = arith.cmpi slt, %add3A_64, %lt3A_65 : i32
      %convert_element_type3A_67 = arith.extui %lt3A_66 : i1 to i32
      %cond3A_68 = arith.constant 0 : i32
      %cond3A_69 = arith.cmpi ne, %convert_element_type3A_67, %cond3A_68 : i32
      scf.if %cond3A_69 {
        %mul3A_79 = arith.constant 16 : i32
        %mul3A_80 = arith.muli %add3A_64, %mul3A_79 : i32
        %dma_wait3A_81 = tpu.memref_slice %arg7[%mul3A_80] : memref<10000xi32, #tpu.memory_space<vmem>> -> memref<16xi32, #tpu.memory_space<vmem>>
        %dma_wait3A_82 = arith.constant 0 : i32
        %dma_wait3A_83 = arith.constant 0 : i32
        %dma_wait3A_84 = tpu.memref_slice %arg6[%dma_wait3A_82, %dma_wait3A_83] : memref<10000x128xf32, #tpu.memory_space<vmem_shared>> -> memref<10000x128xf32, #tpu.memory_space<vmem_shared>>
        tpu.wait_indirect_dma semaphore(%arg19 : memref<!tpu.dma_semaphore, #tpu.memory_space<semaphore_mem>>) src(%dma_wait3A_84 : memref<10000x128xf32, #tpu.memory_space<vmem_shared>>) dst(%arg10 : memref<16x128xf32, #tpu.memory_space<vmem>>)
        %dma_wait3A_85 = tpu.memref_slice %arg8[%mul3A_80] : memref<10000xi32, #tpu.memory_space<vmem>> -> memref<16xi32, #tpu.memory_space<vmem>>
        %dma_wait3A_86 = arith.constant 0 : i32
        %dma_wait3A_87 = arith.constant 0 : i32
        %dma_wait3A_88 = tpu.memref_slice %arg6[%dma_wait3A_86, %dma_wait3A_87] : memref<10000x128xf32, #tpu.memory_space<vmem_shared>> -> memref<10000x128xf32, #tpu.memory_space<vmem_shared>>
        tpu.wait_indirect_dma semaphore(%arg19 : memref<!tpu.dma_semaphore, #tpu.memory_space<semaphore_mem>>) src(%dma_wait3A_88 : memref<10000x128xf32, #tpu.memory_space<vmem_shared>>) dst(%arg13 : memref<16x128xf32, #tpu.memory_space<vmem>>)
        %ge3A = arith.constant 3 : i32
        %ge3A_89 = arith.cmpi sge, %add3A_64, %ge3A : i32
        %convert_element_type3A_90 = arith.extui %ge3A_89 : i1 to i32
        %cond3A_91 = arith.constant 0 : i32
        %cond3A_92 = arith.cmpi ne, %convert_element_type3A_90, %cond3A_91 : i32
        scf.if %cond3A_92 {
          %dma_wait3A_109 = arith.constant 0 : i32
          %dma_wait3A_110 = tpu.memref_slice %arg5[%mul3A_2, %dma_wait3A_109] : memref<320000x256xf32, #tpu.memory_space<hbm>> -> memref<16x256xf32, #tpu.memory_space<hbm>>
          %dma_wait3A_111 = arith.constant 0 : i32
          %dma_wait3A_112 = tpu.memref_slice %arg5[%mul3A_2, %dma_wait3A_111] : memref<320000x256xf32, #tpu.memory_space<hbm>> -> memref<16x256xf32, #tpu.memory_space<hbm>>
          tpu.wait_dma2 semaphore(%arg22 : memref<!tpu.dma_semaphore, #tpu.memory_space<semaphore_mem>>) src(%arg16 : memref<16x256xf32, #tpu.memory_space<vmem>>) dst(%dma_wait3A_112 : memref<16x256xf32, #tpu.memory_space<hbm>>)
        } else {
        }
        %parallel_loop3A = arith.constant 0 : i32
        %parallel_loop3A_93 = arith.constant 16 : i32
        %parallel_loop3A_94 = arith.constant 1 : i32
        scf.for %parallel_loop3A_109 = %parallel_loop3A to %parallel_loop3A_93 step %parallel_loop3A_94  : i32 {
          %parallel_loop3A_110 = arith.index_cast %parallel_loop3A_109 : i32 to index
          %parallel_loop3A_111 = arith.constant 0 : index
          %parallel_loop3A_112 = tpu.vector_load %arg10[%parallel_loop3A_110, %parallel_loop3A_111] {strides = array<i32>} : memref<16x128xf32, #tpu.memory_space<vmem>>, vector<1x16xf32>,
          %parallel_loop3A_113 = vector.shape_cast %parallel_loop3A_112 : vector<1x16xf32> to vector<16xf32>
          %parallel_loop3A_114 = arith.index_cast %parallel_loop3A_109 : i32 to index
          %parallel_loop3A_115 = arith.constant 0 : index
          %parallel_loop3A_116 = tpu.vector_load %arg13[%parallel_loop3A_114, %parallel_loop3A_115] {strides = array<i32>} : memref<16x128xf32, #tpu.memory_space<vmem>>, vector<1x16xf32>,
          %parallel_loop3A_117 = vector.shape_cast %parallel_loop3A_116 : vector<1x16xf32> to vector<16xf32>
          %parallel_loop3A_118 = arith.addf %parallel_loop3A_113, %parallel_loop3A_117 : vector<16xf32>
          %parallel_loop3A_119 = arith.index_cast %parallel_loop3A_109 : i32 to index
          %parallel_loop3A_120 = arith.constant 0 : index
          %parallel_loop3A_121 = tpu.vector_load %arg16[%parallel_loop3A_119, %parallel_loop3A_120] {strides = array<i32>} : memref<16x256xf32, #tpu.memory_space<vmem>>, vector<1x16xf32>,
          %parallel_loop3A_122 = vector.shape_cast %parallel_loop3A_121 : vector<1x16xf32> to vector<16xf32>
          %parallel_loop3A_123 = vector.shape_cast %parallel_loop3A_118 : vector<16xf32> to vector<1x16xf32>
          tpu.vector_store %arg16[%parallel_loop3A_119, %parallel_loop3A_120], %parallel_loop3A_123 {strides = array<i32>} : memref<16x256xf32, #tpu.memory_space<vmem>>, vector<1x16xf32>,
          %parallel_loop3A_124 = arith.subf %parallel_loop3A_113, %parallel_loop3A_117 : vector<16xf32>
          %parallel_loop3A_125 = arith.index_cast %parallel_loop3A_109 : i32 to index
          %parallel_loop3A_126 = arith.constant 128 : index
          %parallel_loop3A_127 = tpu.vector_load %arg16[%parallel_loop3A_125, %parallel_loop3A_126] {strides = array<i32>} : memref<16x256xf32, #tpu.memory_space<vmem>>, vector<1x16xf32>,
          %parallel_loop3A_128 = vector.shape_cast %parallel_loop3A_127 : vector<1x16xf32> to vector<16xf32>
          %parallel_loop3A_129 = vector.shape_cast %parallel_loop3A_124 : vector<16xf32> to vector<1x16xf32>
          tpu.vector_store %arg16[%parallel_loop3A_125, %parallel_loop3A_126], %parallel_loop3A_129 {strides = array<i32>} : memref<16x256xf32, #tpu.memory_space<vmem>>, vector<1x16xf32>,
          %parallel_loop3A_130 = arith.index_cast %parallel_loop3A_109 : i32 to index
          %parallel_loop3A_131 = arith.constant 16 : index
          %parallel_loop3A_132 = tpu.vector_load %arg10[%parallel_loop3A_130, %parallel_loop3A_131] {strides = array<i32>} : memref<16x128xf32, #tpu.memory_space<vmem>>, vector<1x16xf32>,
          %parallel_loop3A_133 = vector.shape_cast %parallel_loop3A_132 : vector<1x16xf32> to vector<16xf32>
          %parallel_loop3A_134 = arith.index_cast %parallel_loop3A_109 : i32 to index
          %parallel_loop3A_135 = arith.constant 16 : index
          %parallel_loop3A_136 = tpu.vector_load %arg13[%parallel_loop3A_134, %parallel_loop3A_135] {strides = array<i32>} : memref<16x128xf32, #tpu.memory_space<vmem>>, vector<1x16xf32>,
          %parallel_loop3A_137 = vector.shape_cast %parallel_loop3A_136 : vector<1x16xf32> to vector<16xf32>
          %parallel_loop3A_138 = arith.addf %parallel_loop3A_133, %parallel_loop3A_137 : vector<16xf32>
          %parallel_loop3A_139 = arith.index_cast %parallel_loop3A_109 : i32 to index
          %parallel_loop3A_140 = arith.constant 16 : index
          %parallel_loop3A_141 = tpu.vector_load %arg16[%parallel_loop3A_139, %parallel_loop3A_140] {strides = array<i32>} : memref<16x256xf32, #tpu.memory_space<vmem>>, vector<1x16xf32>,
          %parallel_loop3A_142 = vector.shape_cast %parallel_loop3A_141 : vector<1x16xf32> to vector<16xf32>
          %parallel_loop3A_143 = vector.shape_cast %parallel_loop3A_138 : vector<16xf32> to vector<1x16xf32>
          tpu.vector_store %arg16[%parallel_loop3A_139, %parallel_loop3A_140], %parallel_loop3A_143 {strides = array<i32>} : memref<16x256xf32, #tpu.memory_space<vmem>>, vector<1x16xf32>,
          %parallel_loop3A_144 = arith.subf %parallel_loop3A_133, %parallel_loop3A_137 : vector<16xf32>
          %parallel_loop3A_145 = arith.index_cast %parallel_loop3A_109 : i32 to index
          %parallel_loop3A_146 = arith.constant 144 : index
          %parallel_loop3A_147 = tpu.vector_load %arg16[%parallel_loop3A_145, %parallel_loop3A_146] {strides = array<i32>} : memref<16x256xf32, #tpu.memory_space<vmem>>, vector<1x16xf32>,
          %parallel_loop3A_148 = vector.shape_cast %parallel_loop3A_147 : vector<1x16xf32> to vector<16xf32>
          %parallel_loop3A_149 = vector.shape_cast %parallel_loop3A_144 : vector<16xf32> to vector<1x16xf32>
          tpu.vector_store %arg16[%parallel_loop3A_145, %parallel_loop3A_146], %parallel_loop3A_149 {strides = array<i32>} : memref<16x256xf32, #tpu.memory_space<vmem>>, vector<1x16xf32>,
          %parallel_loop3A_150 = arith.index_cast %parallel_loop3A_109 : i32 to index
          %parallel_loop3A_151 = arith.constant 32 : index
          %parallel_loop3A_152 = tpu.vector_load %arg10[%parallel_loop3A_150, %parallel_loop3A_151] {strides = array<i32>} : memref<16x128xf32, #tpu.memory_space<vmem>>, vector<1x16xf32>,
          %parallel_loop3A_153 = vector.shape_cast %parallel_loop3A_152 : vector<1x16xf32> to vector<16xf32>
          %parallel_loop3A_154 = arith.index_cast %parallel_loop3A_109 : i32 to index
          %parallel_loop3A_155 = arith.constant 32 : index
          %parallel_loop3A_156 = tpu.vector_load %arg13[%parallel_loop3A_154, %parallel_loop3A_155] {strides = array<i32>} : memref<16x128xf32, #tpu.memory_space<vmem>>, vector<1x16xf32>,
          %parallel_loop3A_157 = vector.shape_cast %parallel_loop3A_156 : vector<1x16xf32> to vector<16xf32>
          %parallel_loop3A_158 = arith.addf %parallel_loop3A_153, %parallel_loop3A_157 : vector<16xf32>
          %parallel_loop3A_159 = arith.index_cast %parallel_loop3A_109 : i32 to index
          %parallel_loop3A_160 = arith.constant 32 : index
          %parallel_loop3A_161 = tpu.vector_load %arg16[%parallel_loop3A_159, %parallel_loop3A_160] {strides = array<i32>} : memref<16x256xf32, #tpu.memory_space<vmem>>, vector<1x16xf32>,
          %parallel_loop3A_162 = vector.shape_cast %parallel_loop3A_161 : vector<1x16xf32> to vector<16xf32>
          %parallel_loop3A_163 = vector.shape_cast %parallel_loop3A_158 : vector<16xf32> to vector<1x16xf32>
          tpu.vector_store %arg16[%parallel_loop3A_159, %parallel_loop3A_160], %parallel_loop3A_163 {strides = array<i32>} : memref<16x256xf32, #tpu.memory_space<vmem>>, vector<1x16xf32>,
          %parallel_loop3A_164 = arith.subf %parallel_loop3A_153, %parallel_loop3A_157 : vector<16xf32>
          %parallel_loop3A_165 = arith.index_cast %parallel_loop3A_109 : i32 to index
          %parallel_loop3A_166 = arith.constant 160 : index
          %parallel_loop3A_167 = tpu.vector_load %arg16[%parallel_loop3A_165, %parallel_loop3A_166] {strides = array<i32>} : memref<16x256xf32, #tpu.memory_space<vmem>>, vector<1x16xf32>,
          %parallel_loop3A_168 = vector.shape_cast %parallel_loop3A_167 : vector<1x16xf32> to vector<16xf32>
          %parallel_loop3A_169 = vector.shape_cast %parallel_loop3A_164 : vector<16xf32> to vector<1x16xf32>
          tpu.vector_store %arg16[%parallel_loop3A_165, %parallel_loop3A_166], %parallel_loop3A_169 {strides = array<i32>} : memref<16x256xf32, #tpu.memory_space<vmem>>, vector<1x16xf32>,
          %parallel_loop3A_170 = arith.index_cast %parallel_loop3A_109 : i32 to index
          %parallel_loop3A_171 = arith.constant 48 : index
          %parallel_loop3A_172 = tpu.vector_load %arg10[%parallel_loop3A_170, %parallel_loop3A_171] {strides = array<i32>} : memref<16x128xf32, #tpu.memory_space<vmem>>, vector<1x16xf32>,
          %parallel_loop3A_173 = vector.shape_cast %parallel_loop3A_172 : vector<1x16xf32> to vector<16xf32>
          %parallel_loop3A_174 = arith.index_cast %parallel_loop3A_109 : i32 to index
          %parallel_loop3A_175 = arith.constant 48 : index
          %parallel_loop3A_176 = tpu.vector_load %arg13[%parallel_loop3A_174, %parallel_loop3A_175] {strides = array<i32>} : memref<16x128xf32, #tpu.memory_space<vmem>>, vector<1x16xf32>,
          %parallel_loop3A_177 = vector.shape_cast %parallel_loop3A_176 : vector<1x16xf32> to vector<16xf32>
          %parallel_loop3A_178 = arith.addf %parallel_loop3A_173, %parallel_loop3A_177 : vector<16xf32>
          %parallel_loop3A_179 = arith.index_cast %parallel_loop3A_109 : i32 to index
          %parallel_loop3A_180 = arith.constant 48 : index
          %parallel_loop3A_181 = tpu.vector_load %arg16[%parallel_loop3A_179, %parallel_loop3A_180] {strides = array<i32>} : memref<16x256xf32, #tpu.memory_space<vmem>>, vector<1x16xf32>,
          %parallel_loop3A_182 = vector.shape_cast %parallel_loop3A_181 : vector<1x16xf32> to vector<16xf32>
          %parallel_loop3A_183 = vector.shape_cast %parallel_loop3A_178 : vector<16xf32> to vector<1x16xf32>
          tpu.vector_store %arg16[%parallel_loop3A_179, %parallel_loop3A_180], %parallel_loop3A_183 {strides = array<i32>} : memref<16x256xf32, #tpu.memory_space<vmem>>, vector<1x16xf32>,
          %parallel_loop3A_184 = arith.subf %parallel_loop3A_173, %parallel_loop3A_177 : vector<16xf32>
          %parallel_loop3A_185 = arith.index_cast %parallel_loop3A_109 : i32 to index
          %parallel_loop3A_186 = arith.constant 176 : index
          %parallel_loop3A_187 = tpu.vector_load %arg16[%parallel_loop3A_185, %parallel_loop3A_186] {strides = array<i32>} : memref<16x256xf32, #tpu.memory_space<vmem>>, vector<1x16xf32>,
          %parallel_loop3A_188 = vector.shape_cast %parallel_loop3A_187 : vector<1x16xf32> to vector<16xf32>
          %parallel_loop3A_189 = vector.shape_cast %parallel_loop3A_184 : vector<16xf32> to vector<1x16xf32>
          tpu.vector_store %arg16[%parallel_loop3A_185, %parallel_loop3A_186], %parallel_loop3A_189 {strides = array<i32>} : memref<16x256xf32, #tpu.memory_space<vmem>>, vector<1x16xf32>,
          %parallel_loop3A_190 = arith.index_cast %parallel_loop3A_109 : i32 to index
          %parallel_loop3A_191 = arith.constant 64 : index
          %parallel_loop3A_192 = tpu.vector_load %arg10[%parallel_loop3A_190, %parallel_loop3A_191] {strides = array<i32>} : memref<16x128xf32, #tpu.memory_space<vmem>>, vector<1x16xf32>,
          %parallel_loop3A_193 = vector.shape_cast %parallel_loop3A_192 : vector<1x16xf32> to vector<16xf32>
          %parallel_loop3A_194 = arith.index_cast %parallel_loop3A_109 : i32 to index
          %parallel_loop3A_195 = arith.constant 64 : index
          %parallel_loop3A_196 = tpu.vector_load %arg13[%parallel_loop3A_194, %parallel_loop3A_195] {strides = array<i32>} : memref<16x128xf32, #tpu.memory_space<vmem>>, vector<1x16xf32>,
          %parallel_loop3A_197 = vector.shape_cast %parallel_loop3A_196 : vector<1x16xf32> to vector<16xf32>
          %parallel_loop3A_198 = arith.addf %parallel_loop3A_193, %parallel_loop3A_197 : vector<16xf32>
          %parallel_loop3A_199 = arith.index_cast %parallel_loop3A_109 : i32 to index
          %parallel_loop3A_200 = arith.constant 64 : index
          %parallel_loop3A_201 = tpu.vector_load %arg16[%parallel_loop3A_199, %parallel_loop3A_200] {strides = array<i32>} : memref<16x256xf32, #tpu.memory_space<vmem>>, vector<1x16xf32>,
          %parallel_loop3A_202 = vector.shape_cast %parallel_loop3A_201 : vector<1x16xf32> to vector<16xf32>
          %parallel_loop3A_203 = vector.shape_cast %parallel_loop3A_198 : vector<16xf32> to vector<1x16xf32>
          tpu.vector_store %arg16[%parallel_loop3A_199, %parallel_loop3A_200], %parallel_loop3A_203 {strides = array<i32>} : memref<16x256xf32, #tpu.memory_space<vmem>>, vector<1x16xf32>,
          %parallel_loop3A_204 = arith.subf %parallel_loop3A_193, %parallel_loop3A_197 : vector<16xf32>
          %parallel_loop3A_205 = arith.index_cast %parallel_loop3A_109 : i32 to index
          %parallel_loop3A_206 = arith.constant 192 : index
          %parallel_loop3A_207 = tpu.vector_load %arg16[%parallel_loop3A_205, %parallel_loop3A_206] {strides = array<i32>} : memref<16x256xf32, #tpu.memory_space<vmem>>, vector<1x16xf32>,
          %parallel_loop3A_208 = vector.shape_cast %parallel_loop3A_207 : vector<1x16xf32> to vector<16xf32>
          %parallel_loop3A_209 = vector.shape_cast %parallel_loop3A_204 : vector<16xf32> to vector<1x16xf32>
          tpu.vector_store %arg16[%parallel_loop3A_205, %parallel_loop3A_206], %parallel_loop3A_209 {strides = array<i32>} : memref<16x256xf32, #tpu.memory_space<vmem>>, vector<1x16xf32>,
          %parallel_loop3A_210 = arith.index_cast %parallel_loop3A_109 : i32 to index
          %parallel_loop3A_211 = arith.constant 80 : index
          %parallel_loop3A_212 = tpu.vector_load %arg10[%parallel_loop3A_210, %parallel_loop3A_211] {strides = array<i32>} : memref<16x128xf32, #tpu.memory_space<vmem>>, vector<1x16xf32>,
          %parallel_loop3A_213 = vector.shape_cast %parallel_loop3A_212 : vector<1x16xf32> to vector<16xf32>
          %parallel_loop3A_214 = arith.index_cast %parallel_loop3A_109 : i32 to index
          %parallel_loop3A_215 = arith.constant 80 : index
          %parallel_loop3A_216 = tpu.vector_load %arg13[%parallel_loop3A_214, %parallel_loop3A_215] {strides = array<i32>} : memref<16x128xf32, #tpu.memory_space<vmem>>, vector<1x16xf32>,
          %parallel_loop3A_217 = vector.shape_cast %parallel_loop3A_216 : vector<1x16xf32> to vector<16xf32>
          %parallel_loop3A_218 = arith.addf %parallel_loop3A_213, %parallel_loop3A_217 : vector<16xf32>
          %parallel_loop3A_219 = arith.index_cast %parallel_loop3A_109 : i32 to index
          %parallel_loop3A_220 = arith.constant 80 : index
          %parallel_loop3A_221 = tpu.vector_load %arg16[%parallel_loop3A_219, %parallel_loop3A_220] {strides = array<i32>} : memref<16x256xf32, #tpu.memory_space<vmem>>, vector<1x16xf32>,
          %parallel_loop3A_222 = vector.shape_cast %parallel_loop3A_221 : vector<1x16xf32> to vector<16xf32>
          %parallel_loop3A_223 = vector.shape_cast %parallel_loop3A_218 : vector<16xf32> to vector<1x16xf32>
          tpu.vector_store %arg16[%parallel_loop3A_219, %parallel_loop3A_220], %parallel_loop3A_223 {strides = array<i32>} : memref<16x256xf32, #tpu.memory_space<vmem>>, vector<1x16xf32>,
          %parallel_loop3A_224 = arith.subf %parallel_loop3A_213, %parallel_loop3A_217 : vector<16xf32>
          %parallel_loop3A_225 = arith.index_cast %parallel_loop3A_109 : i32 to index
          %parallel_loop3A_226 = arith.constant 208 : index
          %parallel_loop3A_227 = tpu.vector_load %arg16[%parallel_loop3A_225, %parallel_loop3A_226] {strides = array<i32>} : memref<16x256xf32, #tpu.memory_space<vmem>>, vector<1x16xf32>,
          %parallel_loop3A_228 = vector.shape_cast %parallel_loop3A_227 : vector<1x16xf32> to vector<16xf32>
          %parallel_loop3A_229 = vector.shape_cast %parallel_loop3A_224 : vector<16xf32> to vector<1x16xf32>
          tpu.vector_store %arg16[%parallel_loop3A_225, %parallel_loop3A_226], %parallel_loop3A_229 {strides = array<i32>} : memref<16x256xf32, #tpu.memory_space<vmem>>, vector<1x16xf32>,
          %parallel_loop3A_230 = arith.index_cast %parallel_loop3A_109 : i32 to index
          %parallel_loop3A_231 = arith.constant 96 : index
          %parallel_loop3A_232 = tpu.vector_load %arg10[%parallel_loop3A_230, %parallel_loop3A_231] {strides = array<i32>} : memref<16x128xf32, #tpu.memory_space<vmem>>, vector<1x16xf32>,
          %parallel_loop3A_233 = vector.shape_cast %parallel_loop3A_232 : vector<1x16xf32> to vector<16xf32>
          %parallel_loop3A_234 = arith.index_cast %parallel_loop3A_109 : i32 to index
          %parallel_loop3A_235 = arith.constant 96 : index
          %parallel_loop3A_236 = tpu.vector_load %arg13[%parallel_loop3A_234, %parallel_loop3A_235] {strides = array<i32>} : memref<16x128xf32, #tpu.memory_space<vmem>>, vector<1x16xf32>,
          %parallel_loop3A_237 = vector.shape_cast %parallel_loop3A_236 : vector<1x16xf32> to vector<16xf32>
          %parallel_loop3A_238 = arith.addf %parallel_loop3A_233, %parallel_loop3A_237 : vector<16xf32>
          %parallel_loop3A_239 = arith.index_cast %parallel_loop3A_109 : i32 to index
          %parallel_loop3A_240 = arith.constant 96 : index
          %parallel_loop3A_241 = tpu.vector_load %arg16[%parallel_loop3A_239, %parallel_loop3A_240] {strides = array<i32>} : memref<16x256xf32, #tpu.memory_space<vmem>>, vector<1x16xf32>,
          %parallel_loop3A_242 = vector.shape_cast %parallel_loop3A_241 : vector<1x16xf32> to vector<16xf32>
          %parallel_loop3A_243 = vector.shape_cast %parallel_loop3A_238 : vector<16xf32> to vector<1x16xf32>
          tpu.vector_store %arg16[%parallel_loop3A_239, %parallel_loop3A_240], %parallel_loop3A_243 {strides = array<i32>} : memref<16x256xf32, #tpu.memory_space<vmem>>, vector<1x16xf32>,
          %parallel_loop3A_244 = arith.subf %parallel_loop3A_233, %parallel_loop3A_237 : vector<16xf32>
          %parallel_loop3A_245 = arith.index_cast %parallel_loop3A_109 : i32 to index
          %parallel_loop3A_246 = arith.constant 224 : index
          %parallel_loop3A_247 = tpu.vector_load %arg16[%parallel_loop3A_245, %parallel_loop3A_246] {strides = array<i32>} : memref<16x256xf32, #tpu.memory_space<vmem>>, vector<1x16xf32>,
          %parallel_loop3A_248 = vector.shape_cast %parallel_loop3A_247 : vector<1x16xf32> to vector<16xf32>
          %parallel_loop3A_249 = vector.shape_cast %parallel_loop3A_244 : vector<16xf32> to vector<1x16xf32>
          tpu.vector_store %arg16[%parallel_loop3A_245, %parallel_loop3A_246], %parallel_loop3A_249 {strides = array<i32>} : memref<16x256xf32, #tpu.memory_space<vmem>>, vector<1x16xf32>,
          %parallel_loop3A_250 = arith.index_cast %parallel_loop3A_109 : i32 to index
          %parallel_loop3A_251 = arith.constant 112 : index
          %parallel_loop3A_252 = tpu.vector_load %arg10[%parallel_loop3A_250, %parallel_loop3A_251] {strides = array<i32>} : memref<16x128xf32, #tpu.memory_space<vmem>>, vector<1x16xf32>,
          %parallel_loop3A_253 = vector.shape_cast %parallel_loop3A_252 : vector<1x16xf32> to vector<16xf32>
          %parallel_loop3A_254 = arith.index_cast %parallel_loop3A_109 : i32 to index
          %parallel_loop3A_255 = arith.constant 112 : index
          %parallel_loop3A_256 = tpu.vector_load %arg13[%parallel_loop3A_254, %parallel_loop3A_255] {strides = array<i32>} : memref<16x128xf32, #tpu.memory_space<vmem>>, vector<1x16xf32>,
          %parallel_loop3A_257 = vector.shape_cast %parallel_loop3A_256 : vector<1x16xf32> to vector<16xf32>
          %parallel_loop3A_258 = arith.addf %parallel_loop3A_253, %parallel_loop3A_257 : vector<16xf32>
          %parallel_loop3A_259 = arith.index_cast %parallel_loop3A_109 : i32 to index
          %parallel_loop3A_260 = arith.constant 112 : index
          %parallel_loop3A_261 = tpu.vector_load %arg16[%parallel_loop3A_259, %parallel_loop3A_260] {strides = array<i32>} : memref<16x256xf32, #tpu.memory_space<vmem>>, vector<1x16xf32>,
          %parallel_loop3A_262 = vector.shape_cast %parallel_loop3A_261 : vector<1x16xf32> to vector<16xf32>
          %parallel_loop3A_263 = vector.shape_cast %parallel_loop3A_258 : vector<16xf32> to vector<1x16xf32>
          tpu.vector_store %arg16[%parallel_loop3A_259, %parallel_loop3A_260], %parallel_loop3A_263 {strides = array<i32>} : memref<16x256xf32, #tpu.memory_space<vmem>>, vector<1x16xf32>,
          %parallel_loop3A_264 = arith.subf %parallel_loop3A_253, %parallel_loop3A_257 : vector<16xf32>
          %parallel_loop3A_265 = arith.index_cast %parallel_loop3A_109 : i32 to index
          %parallel_loop3A_266 = arith.constant 240 : index
          %parallel_loop3A_267 = tpu.vector_load %arg16[%parallel_loop3A_265, %parallel_loop3A_266] {strides = array<i32>} : memref<16x256xf32, #tpu.memory_space<vmem>>, vector<1x16xf32>,
          %parallel_loop3A_268 = vector.shape_cast %parallel_loop3A_267 : vector<1x16xf32> to vector<16xf32>
          %parallel_loop3A_269 = vector.shape_cast %parallel_loop3A_264 : vector<16xf32> to vector<1x16xf32>
          tpu.vector_store %arg16[%parallel_loop3A_265, %parallel_loop3A_266], %parallel_loop3A_269 {strides = array<i32>} : memref<16x256xf32, #tpu.memory_space<vmem>>, vector<1x16xf32>,
        } {sc.loop_unroll_factor = 4 : i64, sc.parallel_access}
        %mul3A_95 = arith.constant 16 : i32
        %mul3A_96 = arith.muli %add3A_64, %mul3A_95 : i32
        %add3A_97 = arith.addi %mul3A_2, %mul3A_96 : i32
        %dma_start3A_98 = arith.constant 0 : i32
        %dma_start3A_99 = tpu.memref_slice %arg5[%add3A_97, %dma_start3A_98] : memref<320000x256xf32, #tpu.memory_space<hbm>> -> memref<16x256xf32, #tpu.memory_space<hbm>>
        %dma_start3A_100 = arith.constant 0 : i32
        %dma_start3A_101 = tpu.memref_slice %arg5[%add3A_97, %dma_start3A_100] : memref<320000x256xf32, #tpu.memory_space<hbm>> -> memref<16x256xf32, #tpu.memory_space<hbm>>
        tpu.enqueue_dma source(%arg16 : memref<16x256xf32, #tpu.memory_space<vmem>>) target(%dma_start3A_101 : memref<16x256xf32, #tpu.memory_space<hbm>>) target_semaphore(%arg22 : memref<!tpu.dma_semaphore, #tpu.memory_space<semaphore_mem>>)
        %add3A_102 = arith.constant 3 : i32
        %add3A_103 = arith.addi %add3A_64, %add3A_102 : i32
        %lt3A_104 = arith.constant 625 : i32
        %lt3A_105 = arith.cmpi slt, %add3A_103, %lt3A_104 : i32
        %convert_element_type3A_106 = arith.extui %lt3A_105 : i1 to i32
        %cond3A_107 = arith.constant 0 : i32
        %cond3A_108 = arith.cmpi ne, %convert_element_type3A_106, %cond3A_107 : i32
        scf.if %cond3A_108 {
          %add3A_109 = arith.constant 3 : i32
          %add3A_110 = arith.addi %add3A_64, %add3A_109 : i32
          %mul3A_111 = arith.constant 16 : i32
          %mul3A_112 = arith.muli %add3A_110, %mul3A_111 : i32
          %dma_start3A_113 = tpu.memref_slice %arg7[%mul3A_112] : memref<10000xi32, #tpu.memory_space<vmem>> -> memref<16xi32, #tpu.memory_space<vmem>>
          %dma_start3A_114 = arith.constant 0 : i32
          %dma_start3A_115 = arith.constant 0 : i32
          %dma_start3A_116 = tpu.memref_slice %arg6[%dma_start3A_114, %dma_start3A_115] : memref<10000x128xf32, #tpu.memory_space<vmem_shared>> -> memref<10000x128xf32, #tpu.memory_space<vmem_shared>>
          tpu.enqueue_indirect_dma source(%dma_start3A_116 : memref<10000x128xf32, #tpu.memory_space<vmem_shared>>) target(%arg10 : memref<16x128xf32, #tpu.memory_space<vmem>>) offsets(%dma_start3A_113 : memref<16xi32, #tpu.memory_space<vmem>>) semaphore(%arg19 : memref<!tpu.dma_semaphore, #tpu.memory_space<semaphore_mem>>)
          %dma_start3A_117 = tpu.memref_slice %arg8[%mul3A_112] : memref<10000xi32, #tpu.memory_space<vmem>> -> memref<16xi32, #tpu.memory_space<vmem>>
          %dma_start3A_118 = arith.constant 0 : i32
          %dma_start3A_119 = arith.constant 0 : i32
          %dma_start3A_120 = tpu.memref_slice %arg6[%dma_start3A_118, %dma_start3A_119] : memref<10000x128xf32, #tpu.memory_space<vmem_shared>> -> memref<10000x128xf32, #tpu.memory_space<vmem_shared>>
          tpu.enqueue_indirect_dma source(%dma_start3A_120 : memref<10000x128xf32, #tpu.memory_space<vmem_shared>>) target(%arg13 : memref<16x128xf32, #tpu.memory_space<vmem>>) offsets(%dma_start3A_117 : memref<16xi32, #tpu.memory_space<vmem>>) semaphore(%arg19 : memref<!tpu.dma_semaphore, #tpu.memory_space<semaphore_mem>>)
        } else {
        }
      } else {
      }
      %mul3A_70 = arith.constant 3 : i32
      %mul3A_71 = arith.muli %scan3A_52, %mul3A_70 : i32
      %add3A_72 = arith.constant 2 : i32
      %add3A_73 = arith.addi %mul3A_71, %add3A_72 : i32
      %lt3A_74 = arith.constant 625 : i32
      %lt3A_75 = arith.cmpi slt, %add3A_73, %lt3A_74 : i32
      %convert_element_type3A_76 = arith.extui %lt3A_75 : i1 to i32
      %cond3A_77 = arith.constant 0 : i32
      %cond3A_78 = arith.cmpi ne, %convert_element_type3A_76, %cond3A_77 : i32
      scf.if %cond3A_78 {
        %mul3A_79 = arith.constant 16 : i32
        %mul3A_80 = arith.muli %add3A_73, %mul3A_79 : i32
        %dma_wait3A_81 = tpu.memref_slice %arg7[%mul3A_80] : memref<10000xi32, #tpu.memory_space<vmem>> -> memref<16xi32, #tpu.memory_space<vmem>>
        %dma_wait3A_82 = arith.constant 0 : i32
        %dma_wait3A_83 = arith.constant 0 : i32
        %dma_wait3A_84 = tpu.memref_slice %arg6[%dma_wait3A_82, %dma_wait3A_83] : memref<10000x128xf32, #tpu.memory_space<vmem_shared>> -> memref<10000x128xf32, #tpu.memory_space<vmem_shared>>
        tpu.wait_indirect_dma semaphore(%arg20 : memref<!tpu.dma_semaphore, #tpu.memory_space<semaphore_mem>>) src(%dma_wait3A_84 : memref<10000x128xf32, #tpu.memory_space<vmem_shared>>) dst(%arg11 : memref<16x128xf32, #tpu.memory_space<vmem>>)
        %dma_wait3A_85 = tpu.memref_slice %arg8[%mul3A_80] : memref<10000xi32, #tpu.memory_space<vmem>> -> memref<16xi32, #tpu.memory_space<vmem>>
        %dma_wait3A_86 = arith.constant 0 : i32
        %dma_wait3A_87 = arith.constant 0 : i32
        %dma_wait3A_88 = tpu.memref_slice %arg6[%dma_wait3A_86, %dma_wait3A_87] : memref<10000x128xf32, #tpu.memory_space<vmem_shared>> -> memref<10000x128xf32, #tpu.memory_space<vmem_shared>>
        tpu.wait_indirect_dma semaphore(%arg20 : memref<!tpu.dma_semaphore, #tpu.memory_space<semaphore_mem>>) src(%dma_wait3A_88 : memref<10000x128xf32, #tpu.memory_space<vmem_shared>>) dst(%arg14 : memref<16x128xf32, #tpu.memory_space<vmem>>)
        %ge3A = arith.constant 3 : i32
        %ge3A_89 = arith.cmpi sge, %add3A_73, %ge3A : i32
        %convert_element_type3A_90 = arith.extui %ge3A_89 : i1 to i32
        %cond3A_91 = arith.constant 0 : i32
        %cond3A_92 = arith.cmpi ne, %convert_element_type3A_90, %cond3A_91 : i32
        scf.if %cond3A_92 {
          %dma_wait3A_109 = arith.constant 0 : i32
          %dma_wait3A_110 = tpu.memref_slice %arg5[%mul3A_2, %dma_wait3A_109] : memref<320000x256xf32, #tpu.memory_space<hbm>> -> memref<16x256xf32, #tpu.memory_space<hbm>>
          %dma_wait3A_111 = arith.constant 0 : i32
          %dma_wait3A_112 = tpu.memref_slice %arg5[%mul3A_2, %dma_wait3A_111] : memref<320000x256xf32, #tpu.memory_space<hbm>> -> memref<16x256xf32, #tpu.memory_space<hbm>>
          tpu.wait_dma2 semaphore(%arg23 : memref<!tpu.dma_semaphore, #tpu.memory_space<semaphore_mem>>) src(%arg17 : memref<16x256xf32, #tpu.memory_space<vmem>>) dst(%dma_wait3A_112 : memref<16x256xf32, #tpu.memory_space<hbm>>)
        } else {
        }
        %parallel_loop3A = arith.constant 0 : i32
        %parallel_loop3A_93 = arith.constant 16 : i32
        %parallel_loop3A_94 = arith.constant 1 : i32
        scf.for %parallel_loop3A_109 = %parallel_loop3A to %parallel_loop3A_93 step %parallel_loop3A_94  : i32 {
          %parallel_loop3A_110 = arith.index_cast %parallel_loop3A_109 : i32 to index
          %parallel_loop3A_111 = arith.constant 0 : index
          %parallel_loop3A_112 = tpu.vector_load %arg11[%parallel_loop3A_110, %parallel_loop3A_111] {strides = array<i32>} : memref<16x128xf32, #tpu.memory_space<vmem>>, vector<1x16xf32>,
          %parallel_loop3A_113 = vector.shape_cast %parallel_loop3A_112 : vector<1x16xf32> to vector<16xf32>
          %parallel_loop3A_114 = arith.index_cast %parallel_loop3A_109 : i32 to index
          %parallel_loop3A_115 = arith.constant 0 : index
          %parallel_loop3A_116 = tpu.vector_load %arg14[%parallel_loop3A_114, %parallel_loop3A_115] {strides = array<i32>} : memref<16x128xf32, #tpu.memory_space<vmem>>, vector<1x16xf32>,
          %parallel_loop3A_117 = vector.shape_cast %parallel_loop3A_116 : vector<1x16xf32> to vector<16xf32>
          %parallel_loop3A_118 = arith.addf %parallel_loop3A_113, %parallel_loop3A_117 : vector<16xf32>
          %parallel_loop3A_119 = arith.index_cast %parallel_loop3A_109 : i32 to index
          %parallel_loop3A_120 = arith.constant 0 : index
          %parallel_loop3A_121 = tpu.vector_load %arg17[%parallel_loop3A_119, %parallel_loop3A_120] {strides = array<i32>} : memref<16x256xf32, #tpu.memory_space<vmem>>, vector<1x16xf32>,
          %parallel_loop3A_122 = vector.shape_cast %parallel_loop3A_121 : vector<1x16xf32> to vector<16xf32>
          %parallel_loop3A_123 = vector.shape_cast %parallel_loop3A_118 : vector<16xf32> to vector<1x16xf32>
          tpu.vector_store %arg17[%parallel_loop3A_119, %parallel_loop3A_120], %parallel_loop3A_123 {strides = array<i32>} : memref<16x256xf32, #tpu.memory_space<vmem>>, vector<1x16xf32>,
          %parallel_loop3A_124 = arith.subf %parallel_loop3A_113, %parallel_loop3A_117 : vector<16xf32>
          %parallel_loop3A_125 = arith.index_cast %parallel_loop3A_109 : i32 to index
          %parallel_loop3A_126 = arith.constant 128 : index
          %parallel_loop3A_127 = tpu.vector_load %arg17[%parallel_loop3A_125, %parallel_loop3A_126] {strides = array<i32>} : memref<16x256xf32, #tpu.memory_space<vmem>>, vector<1x16xf32>,
          %parallel_loop3A_128 = vector.shape_cast %parallel_loop3A_127 : vector<1x16xf32> to vector<16xf32>
          %parallel_loop3A_129 = vector.shape_cast %parallel_loop3A_124 : vector<16xf32> to vector<1x16xf32>
          tpu.vector_store %arg17[%parallel_loop3A_125, %parallel_loop3A_126], %parallel_loop3A_129 {strides = array<i32>} : memref<16x256xf32, #tpu.memory_space<vmem>>, vector<1x16xf32>,
          %parallel_loop3A_130 = arith.index_cast %parallel_loop3A_109 : i32 to index
          %parallel_loop3A_131 = arith.constant 16 : index
          %parallel_loop3A_132 = tpu.vector_load %arg11[%parallel_loop3A_130, %parallel_loop3A_131] {strides = array<i32>} : memref<16x128xf32, #tpu.memory_space<vmem>>, vector<1x16xf32>,
          %parallel_loop3A_133 = vector.shape_cast %parallel_loop3A_132 : vector<1x16xf32> to vector<16xf32>
          %parallel_loop3A_134 = arith.index_cast %parallel_loop3A_109 : i32 to index
          %parallel_loop3A_135 = arith.constant 16 : index
          %parallel_loop3A_136 = tpu.vector_load %arg14[%parallel_loop3A_134, %parallel_loop3A_135] {strides = array<i32>} : memref<16x128xf32, #tpu.memory_space<vmem>>, vector<1x16xf32>,
          %parallel_loop3A_137 = vector.shape_cast %parallel_loop3A_136 : vector<1x16xf32> to vector<16xf32>
          %parallel_loop3A_138 = arith.addf %parallel_loop3A_133, %parallel_loop3A_137 : vector<16xf32>
          %parallel_loop3A_139 = arith.index_cast %parallel_loop3A_109 : i32 to index
          %parallel_loop3A_140 = arith.constant 16 : index
          %parallel_loop3A_141 = tpu.vector_load %arg17[%parallel_loop3A_139, %parallel_loop3A_140] {strides = array<i32>} : memref<16x256xf32, #tpu.memory_space<vmem>>, vector<1x16xf32>,
          %parallel_loop3A_142 = vector.shape_cast %parallel_loop3A_141 : vector<1x16xf32> to vector<16xf32>
          %parallel_loop3A_143 = vector.shape_cast %parallel_loop3A_138 : vector<16xf32> to vector<1x16xf32>
          tpu.vector_store %arg17[%parallel_loop3A_139, %parallel_loop3A_140], %parallel_loop3A_143 {strides = array<i32>} : memref<16x256xf32, #tpu.memory_space<vmem>>, vector<1x16xf32>,
          %parallel_loop3A_144 = arith.subf %parallel_loop3A_133, %parallel_loop3A_137 : vector<16xf32>
          %parallel_loop3A_145 = arith.index_cast %parallel_loop3A_109 : i32 to index
          %parallel_loop3A_146 = arith.constant 144 : index
          %parallel_loop3A_147 = tpu.vector_load %arg17[%parallel_loop3A_145, %parallel_loop3A_146] {strides = array<i32>} : memref<16x256xf32, #tpu.memory_space<vmem>>, vector<1x16xf32>,
          %parallel_loop3A_148 = vector.shape_cast %parallel_loop3A_147 : vector<1x16xf32> to vector<16xf32>
          %parallel_loop3A_149 = vector.shape_cast %parallel_loop3A_144 : vector<16xf32> to vector<1x16xf32>
          tpu.vector_store %arg17[%parallel_loop3A_145, %parallel_loop3A_146], %parallel_loop3A_149 {strides = array<i32>} : memref<16x256xf32, #tpu.memory_space<vmem>>, vector<1x16xf32>,
          %parallel_loop3A_150 = arith.index_cast %parallel_loop3A_109 : i32 to index
          %parallel_loop3A_151 = arith.constant 32 : index
          %parallel_loop3A_152 = tpu.vector_load %arg11[%parallel_loop3A_150, %parallel_loop3A_151] {strides = array<i32>} : memref<16x128xf32, #tpu.memory_space<vmem>>, vector<1x16xf32>,
          %parallel_loop3A_153 = vector.shape_cast %parallel_loop3A_152 : vector<1x16xf32> to vector<16xf32>
          %parallel_loop3A_154 = arith.index_cast %parallel_loop3A_109 : i32 to index
          %parallel_loop3A_155 = arith.constant 32 : index
          %parallel_loop3A_156 = tpu.vector_load %arg14[%parallel_loop3A_154, %parallel_loop3A_155] {strides = array<i32>} : memref<16x128xf32, #tpu.memory_space<vmem>>, vector<1x16xf32>,
          %parallel_loop3A_157 = vector.shape_cast %parallel_loop3A_156 : vector<1x16xf32> to vector<16xf32>
          %parallel_loop3A_158 = arith.addf %parallel_loop3A_153, %parallel_loop3A_157 : vector<16xf32>
          %parallel_loop3A_159 = arith.index_cast %parallel_loop3A_109 : i32 to index
          %parallel_loop3A_160 = arith.constant 32 : index
          %parallel_loop3A_161 = tpu.vector_load %arg17[%parallel_loop3A_159, %parallel_loop3A_160] {strides = array<i32>} : memref<16x256xf32, #tpu.memory_space<vmem>>, vector<1x16xf32>,
          %parallel_loop3A_162 = vector.shape_cast %parallel_loop3A_161 : vector<1x16xf32> to vector<16xf32>
          %parallel_loop3A_163 = vector.shape_cast %parallel_loop3A_158 : vector<16xf32> to vector<1x16xf32>
          tpu.vector_store %arg17[%parallel_loop3A_159, %parallel_loop3A_160], %parallel_loop3A_163 {strides = array<i32>} : memref<16x256xf32, #tpu.memory_space<vmem>>, vector<1x16xf32>,
          %parallel_loop3A_164 = arith.subf %parallel_loop3A_153, %parallel_loop3A_157 : vector<16xf32>
          %parallel_loop3A_165 = arith.index_cast %parallel_loop3A_109 : i32 to index
          %parallel_loop3A_166 = arith.constant 160 : index
          %parallel_loop3A_167 = tpu.vector_load %arg17[%parallel_loop3A_165, %parallel_loop3A_166] {strides = array<i32>} : memref<16x256xf32, #tpu.memory_space<vmem>>, vector<1x16xf32>,
          %parallel_loop3A_168 = vector.shape_cast %parallel_loop3A_167 : vector<1x16xf32> to vector<16xf32>
          %parallel_loop3A_169 = vector.shape_cast %parallel_loop3A_164 : vector<16xf32> to vector<1x16xf32>
          tpu.vector_store %arg17[%parallel_loop3A_165, %parallel_loop3A_166], %parallel_loop3A_169 {strides = array<i32>} : memref<16x256xf32, #tpu.memory_space<vmem>>, vector<1x16xf32>,
          %parallel_loop3A_170 = arith.index_cast %parallel_loop3A_109 : i32 to index
          %parallel_loop3A_171 = arith.constant 48 : index
          %parallel_loop3A_172 = tpu.vector_load %arg11[%parallel_loop3A_170, %parallel_loop3A_171] {strides = array<i32>} : memref<16x128xf32, #tpu.memory_space<vmem>>, vector<1x16xf32>,
          %parallel_loop3A_173 = vector.shape_cast %parallel_loop3A_172 : vector<1x16xf32> to vector<16xf32>
          %parallel_loop3A_174 = arith.index_cast %parallel_loop3A_109 : i32 to index
          %parallel_loop3A_175 = arith.constant 48 : index
          %parallel_loop3A_176 = tpu.vector_load %arg14[%parallel_loop3A_174, %parallel_loop3A_175] {strides = array<i32>} : memref<16x128xf32, #tpu.memory_space<vmem>>, vector<1x16xf32>,
          %parallel_loop3A_177 = vector.shape_cast %parallel_loop3A_176 : vector<1x16xf32> to vector<16xf32>
          %parallel_loop3A_178 = arith.addf %parallel_loop3A_173, %parallel_loop3A_177 : vector<16xf32>
          %parallel_loop3A_179 = arith.index_cast %parallel_loop3A_109 : i32 to index
          %parallel_loop3A_180 = arith.constant 48 : index
          %parallel_loop3A_181 = tpu.vector_load %arg17[%parallel_loop3A_179, %parallel_loop3A_180] {strides = array<i32>} : memref<16x256xf32, #tpu.memory_space<vmem>>, vector<1x16xf32>,
          %parallel_loop3A_182 = vector.shape_cast %parallel_loop3A_181 : vector<1x16xf32> to vector<16xf32>
          %parallel_loop3A_183 = vector.shape_cast %parallel_loop3A_178 : vector<16xf32> to vector<1x16xf32>
          tpu.vector_store %arg17[%parallel_loop3A_179, %parallel_loop3A_180], %parallel_loop3A_183 {strides = array<i32>} : memref<16x256xf32, #tpu.memory_space<vmem>>, vector<1x16xf32>,
          %parallel_loop3A_184 = arith.subf %parallel_loop3A_173, %parallel_loop3A_177 : vector<16xf32>
          %parallel_loop3A_185 = arith.index_cast %parallel_loop3A_109 : i32 to index
          %parallel_loop3A_186 = arith.constant 176 : index
          %parallel_loop3A_187 = tpu.vector_load %arg17[%parallel_loop3A_185, %parallel_loop3A_186] {strides = array<i32>} : memref<16x256xf32, #tpu.memory_space<vmem>>, vector<1x16xf32>,
          %parallel_loop3A_188 = vector.shape_cast %parallel_loop3A_187 : vector<1x16xf32> to vector<16xf32>
          %parallel_loop3A_189 = vector.shape_cast %parallel_loop3A_184 : vector<16xf32> to vector<1x16xf32>
          tpu.vector_store %arg17[%parallel_loop3A_185, %parallel_loop3A_186], %parallel_loop3A_189 {strides = array<i32>} : memref<16x256xf32, #tpu.memory_space<vmem>>, vector<1x16xf32>,
          %parallel_loop3A_190 = arith.index_cast %parallel_loop3A_109 : i32 to index
          %parallel_loop3A_191 = arith.constant 64 : index
          %parallel_loop3A_192 = tpu.vector_load %arg11[%parallel_loop3A_190, %parallel_loop3A_191] {strides = array<i32>} : memref<16x128xf32, #tpu.memory_space<vmem>>, vector<1x16xf32>,
          %parallel_loop3A_193 = vector.shape_cast %parallel_loop3A_192 : vector<1x16xf32> to vector<16xf32>
          %parallel_loop3A_194 = arith.index_cast %parallel_loop3A_109 : i32 to index
          %parallel_loop3A_195 = arith.constant 64 : index
          %parallel_loop3A_196 = tpu.vector_load %arg14[%parallel_loop3A_194, %parallel_loop3A_195] {strides = array<i32>} : memref<16x128xf32, #tpu.memory_space<vmem>>, vector<1x16xf32>,
          %parallel_loop3A_197 = vector.shape_cast %parallel_loop3A_196 : vector<1x16xf32> to vector<16xf32>
          %parallel_loop3A_198 = arith.addf %parallel_loop3A_193, %parallel_loop3A_197 : vector<16xf32>
          %parallel_loop3A_199 = arith.index_cast %parallel_loop3A_109 : i32 to index
          %parallel_loop3A_200 = arith.constant 64 : index
          %parallel_loop3A_201 = tpu.vector_load %arg17[%parallel_loop3A_199, %parallel_loop3A_200] {strides = array<i32>} : memref<16x256xf32, #tpu.memory_space<vmem>>, vector<1x16xf32>,
          %parallel_loop3A_202 = vector.shape_cast %parallel_loop3A_201 : vector<1x16xf32> to vector<16xf32>
          %parallel_loop3A_203 = vector.shape_cast %parallel_loop3A_198 : vector<16xf32> to vector<1x16xf32>
          tpu.vector_store %arg17[%parallel_loop3A_199, %parallel_loop3A_200], %parallel_loop3A_203 {strides = array<i32>} : memref<16x256xf32, #tpu.memory_space<vmem>>, vector<1x16xf32>,
          %parallel_loop3A_204 = arith.subf %parallel_loop3A_193, %parallel_loop3A_197 : vector<16xf32>
          %parallel_loop3A_205 = arith.index_cast %parallel_loop3A_109 : i32 to index
          %parallel_loop3A_206 = arith.constant 192 : index
          %parallel_loop3A_207 = tpu.vector_load %arg17[%parallel_loop3A_205, %parallel_loop3A_206] {strides = array<i32>} : memref<16x256xf32, #tpu.memory_space<vmem>>, vector<1x16xf32>,
          %parallel_loop3A_208 = vector.shape_cast %parallel_loop3A_207 : vector<1x16xf32> to vector<16xf32>
          %parallel_loop3A_209 = vector.shape_cast %parallel_loop3A_204 : vector<16xf32> to vector<1x16xf32>
          tpu.vector_store %arg17[%parallel_loop3A_205, %parallel_loop3A_206], %parallel_loop3A_209 {strides = array<i32>} : memref<16x256xf32, #tpu.memory_space<vmem>>, vector<1x16xf32>,
          %parallel_loop3A_210 = arith.index_cast %parallel_loop3A_109 : i32 to index
          %parallel_loop3A_211 = arith.constant 80 : index
          %parallel_loop3A_212 = tpu.vector_load %arg11[%parallel_loop3A_210, %parallel_loop3A_211] {strides = array<i32>} : memref<16x128xf32, #tpu.memory_space<vmem>>, vector<1x16xf32>,
          %parallel_loop3A_213 = vector.shape_cast %parallel_loop3A_212 : vector<1x16xf32> to vector<16xf32>
          %parallel_loop3A_214 = arith.index_cast %parallel_loop3A_109 : i32 to index
          %parallel_loop3A_215 = arith.constant 80 : index
          %parallel_loop3A_216 = tpu.vector_load %arg14[%parallel_loop3A_214, %parallel_loop3A_215] {strides = array<i32>} : memref<16x128xf32, #tpu.memory_space<vmem>>, vector<1x16xf32>,
          %parallel_loop3A_217 = vector.shape_cast %parallel_loop3A_216 : vector<1x16xf32> to vector<16xf32>
          %parallel_loop3A_218 = arith.addf %parallel_loop3A_213, %parallel_loop3A_217 : vector<16xf32>
          %parallel_loop3A_219 = arith.index_cast %parallel_loop3A_109 : i32 to index
          %parallel_loop3A_220 = arith.constant 80 : index
          %parallel_loop3A_221 = tpu.vector_load %arg17[%parallel_loop3A_219, %parallel_loop3A_220] {strides = array<i32>} : memref<16x256xf32, #tpu.memory_space<vmem>>, vector<1x16xf32>,
          %parallel_loop3A_222 = vector.shape_cast %parallel_loop3A_221 : vector<1x16xf32> to vector<16xf32>
          %parallel_loop3A_223 = vector.shape_cast %parallel_loop3A_218 : vector<16xf32> to vector<1x16xf32>
          tpu.vector_store %arg17[%parallel_loop3A_219, %parallel_loop3A_220], %parallel_loop3A_223 {strides = array<i32>} : memref<16x256xf32, #tpu.memory_space<vmem>>, vector<1x16xf32>,
          %parallel_loop3A_224 = arith.subf %parallel_loop3A_213, %parallel_loop3A_217 : vector<16xf32>
          %parallel_loop3A_225 = arith.index_cast %parallel_loop3A_109 : i32 to index
          %parallel_loop3A_226 = arith.constant 208 : index
          %parallel_loop3A_227 = tpu.vector_load %arg17[%parallel_loop3A_225, %parallel_loop3A_226] {strides = array<i32>} : memref<16x256xf32, #tpu.memory_space<vmem>>, vector<1x16xf32>,
          %parallel_loop3A_228 = vector.shape_cast %parallel_loop3A_227 : vector<1x16xf32> to vector<16xf32>
          %parallel_loop3A_229 = vector.shape_cast %parallel_loop3A_224 : vector<16xf32> to vector<1x16xf32>
          tpu.vector_store %arg17[%parallel_loop3A_225, %parallel_loop3A_226], %parallel_loop3A_229 {strides = array<i32>} : memref<16x256xf32, #tpu.memory_space<vmem>>, vector<1x16xf32>,
          %parallel_loop3A_230 = arith.index_cast %parallel_loop3A_109 : i32 to index
          %parallel_loop3A_231 = arith.constant 96 : index
          %parallel_loop3A_232 = tpu.vector_load %arg11[%parallel_loop3A_230, %parallel_loop3A_231] {strides = array<i32>} : memref<16x128xf32, #tpu.memory_space<vmem>>, vector<1x16xf32>,
          %parallel_loop3A_233 = vector.shape_cast %parallel_loop3A_232 : vector<1x16xf32> to vector<16xf32>
          %parallel_loop3A_234 = arith.index_cast %parallel_loop3A_109 : i32 to index
          %parallel_loop3A_235 = arith.constant 96 : index
          %parallel_loop3A_236 = tpu.vector_load %arg14[%parallel_loop3A_234, %parallel_loop3A_235] {strides = array<i32>} : memref<16x128xf32, #tpu.memory_space<vmem>>, vector<1x16xf32>,
          %parallel_loop3A_237 = vector.shape_cast %parallel_loop3A_236 : vector<1x16xf32> to vector<16xf32>
          %parallel_loop3A_238 = arith.addf %parallel_loop3A_233, %parallel_loop3A_237 : vector<16xf32>
          %parallel_loop3A_239 = arith.index_cast %parallel_loop3A_109 : i32 to index
          %parallel_loop3A_240 = arith.constant 96 : index
          %parallel_loop3A_241 = tpu.vector_load %arg17[%parallel_loop3A_239, %parallel_loop3A_240] {strides = array<i32>} : memref<16x256xf32, #tpu.memory_space<vmem>>, vector<1x16xf32>,
          %parallel_loop3A_242 = vector.shape_cast %parallel_loop3A_241 : vector<1x16xf32> to vector<16xf32>
          %parallel_loop3A_243 = vector.shape_cast %parallel_loop3A_238 : vector<16xf32> to vector<1x16xf32>
          tpu.vector_store %arg17[%parallel_loop3A_239, %parallel_loop3A_240], %parallel_loop3A_243 {strides = array<i32>} : memref<16x256xf32, #tpu.memory_space<vmem>>, vector<1x16xf32>,
          %parallel_loop3A_244 = arith.subf %parallel_loop3A_233, %parallel_loop3A_237 : vector<16xf32>
          %parallel_loop3A_245 = arith.index_cast %parallel_loop3A_109 : i32 to index
          %parallel_loop3A_246 = arith.constant 224 : index
          %parallel_loop3A_247 = tpu.vector_load %arg17[%parallel_loop3A_245, %parallel_loop3A_246] {strides = array<i32>} : memref<16x256xf32, #tpu.memory_space<vmem>>, vector<1x16xf32>,
          %parallel_loop3A_248 = vector.shape_cast %parallel_loop3A_247 : vector<1x16xf32> to vector<16xf32>
          %parallel_loop3A_249 = vector.shape_cast %parallel_loop3A_244 : vector<16xf32> to vector<1x16xf32>
          tpu.vector_store %arg17[%parallel_loop3A_245, %parallel_loop3A_246], %parallel_loop3A_249 {strides = array<i32>} : memref<16x256xf32, #tpu.memory_space<vmem>>, vector<1x16xf32>,
          %parallel_loop3A_250 = arith.index_cast %parallel_loop3A_109 : i32 to index
          %parallel_loop3A_251 = arith.constant 112 : index
          %parallel_loop3A_252 = tpu.vector_load %arg11[%parallel_loop3A_250, %parallel_loop3A_251] {strides = array<i32>} : memref<16x128xf32, #tpu.memory_space<vmem>>, vector<1x16xf32>,
          %parallel_loop3A_253 = vector.shape_cast %parallel_loop3A_252 : vector<1x16xf32> to vector<16xf32>
          %parallel_loop3A_254 = arith.index_cast %parallel_loop3A_109 : i32 to index
          %parallel_loop3A_255 = arith.constant 112 : index
          %parallel_loop3A_256 = tpu.vector_load %arg14[%parallel_loop3A_254, %parallel_loop3A_255] {strides = array<i32>} : memref<16x128xf32, #tpu.memory_space<vmem>>, vector<1x16xf32>,
          %parallel_loop3A_257 = vector.shape_cast %parallel_loop3A_256 : vector<1x16xf32> to vector<16xf32>
          %parallel_loop3A_258 = arith.addf %parallel_loop3A_253, %parallel_loop3A_257 : vector<16xf32>
          %parallel_loop3A_259 = arith.index_cast %parallel_loop3A_109 : i32 to index
          %parallel_loop3A_260 = arith.constant 112 : index
          %parallel_loop3A_261 = tpu.vector_load %arg17[%parallel_loop3A_259, %parallel_loop3A_260] {strides = array<i32>} : memref<16x256xf32, #tpu.memory_space<vmem>>, vector<1x16xf32>,
          %parallel_loop3A_262 = vector.shape_cast %parallel_loop3A_261 : vector<1x16xf32> to vector<16xf32>
          %parallel_loop3A_263 = vector.shape_cast %parallel_loop3A_258 : vector<16xf32> to vector<1x16xf32>
          tpu.vector_store %arg17[%parallel_loop3A_259, %parallel_loop3A_260], %parallel_loop3A_263 {strides = array<i32>} : memref<16x256xf32, #tpu.memory_space<vmem>>, vector<1x16xf32>,
          %parallel_loop3A_264 = arith.subf %parallel_loop3A_253, %parallel_loop3A_257 : vector<16xf32>
          %parallel_loop3A_265 = arith.index_cast %parallel_loop3A_109 : i32 to index
          %parallel_loop3A_266 = arith.constant 240 : index
          %parallel_loop3A_267 = tpu.vector_load %arg17[%parallel_loop3A_265, %parallel_loop3A_266] {strides = array<i32>} : memref<16x256xf32, #tpu.memory_space<vmem>>, vector<1x16xf32>,
          %parallel_loop3A_268 = vector.shape_cast %parallel_loop3A_267 : vector<1x16xf32> to vector<16xf32>
          %parallel_loop3A_269 = vector.shape_cast %parallel_loop3A_264 : vector<16xf32> to vector<1x16xf32>
          tpu.vector_store %arg17[%parallel_loop3A_265, %parallel_loop3A_266], %parallel_loop3A_269 {strides = array<i32>} : memref<16x256xf32, #tpu.memory_space<vmem>>, vector<1x16xf32>,
        } {sc.loop_unroll_factor = 4 : i64, sc.parallel_access}
        %mul3A_95 = arith.constant 16 : i32
        %mul3A_96 = arith.muli %add3A_73, %mul3A_95 : i32
        %add3A_97 = arith.addi %mul3A_2, %mul3A_96 : i32
        %dma_start3A_98 = arith.constant 0 : i32
        %dma_start3A_99 = tpu.memref_slice %arg5[%add3A_97, %dma_start3A_98] : memref<320000x256xf32, #tpu.memory_space<hbm>> -> memref<16x256xf32, #tpu.memory_space<hbm>>
        %dma_start3A_100 = arith.constant 0 : i32
        %dma_start3A_101 = tpu.memref_slice %arg5[%add3A_97, %dma_start3A_100] : memref<320000x256xf32, #tpu.memory_space<hbm>> -> memref<16x256xf32, #tpu.memory_space<hbm>>
        tpu.enqueue_dma source(%arg17 : memref<16x256xf32, #tpu.memory_space<vmem>>) target(%dma_start3A_101 : memref<16x256xf32, #tpu.memory_space<hbm>>) target_semaphore(%arg23 : memref<!tpu.dma_semaphore, #tpu.memory_space<semaphore_mem>>)
        %add3A_102 = arith.constant 3 : i32
        %add3A_103 = arith.addi %add3A_73, %add3A_102 : i32
        %lt3A_104 = arith.constant 625 : i32
        %lt3A_105 = arith.cmpi slt, %add3A_103, %lt3A_104 : i32
        %convert_element_type3A_106 = arith.extui %lt3A_105 : i1 to i32
        %cond3A_107 = arith.constant 0 : i32
        %cond3A_108 = arith.cmpi ne, %convert_element_type3A_106, %cond3A_107 : i32
        scf.if %cond3A_108 {
          %add3A_109 = arith.constant 3 : i32
          %add3A_110 = arith.addi %add3A_73, %add3A_109 : i32
          %mul3A_111 = arith.constant 16 : i32
          %mul3A_112 = arith.muli %add3A_110, %mul3A_111 : i32
          %dma_start3A_113 = tpu.memref_slice %arg7[%mul3A_112] : memref<10000xi32, #tpu.memory_space<vmem>> -> memref<16xi32, #tpu.memory_space<vmem>>
          %dma_start3A_114 = arith.constant 0 : i32
          %dma_start3A_115 = arith.constant 0 : i32
          %dma_start3A_116 = tpu.memref_slice %arg6[%dma_start3A_114, %dma_start3A_115] : memref<10000x128xf32, #tpu.memory_space<vmem_shared>> -> memref<10000x128xf32, #tpu.memory_space<vmem_shared>>
          tpu.enqueue_indirect_dma source(%dma_start3A_116 : memref<10000x128xf32, #tpu.memory_space<vmem_shared>>) target(%arg11 : memref<16x128xf32, #tpu.memory_space<vmem>>) offsets(%dma_start3A_113 : memref<16xi32, #tpu.memory_space<vmem>>) semaphore(%arg20 : memref<!tpu.dma_semaphore, #tpu.memory_space<semaphore_mem>>)
          %dma_start3A_117 = tpu.memref_slice %arg8[%mul3A_112] : memref<10000xi32, #tpu.memory_space<vmem>> -> memref<16xi32, #tpu.memory_space<vmem>>
          %dma_start3A_118 = arith.constant 0 : i32
          %dma_start3A_119 = arith.constant 0 : i32
          %dma_start3A_120 = tpu.memref_slice %arg6[%dma_start3A_118, %dma_start3A_119] : memref<10000x128xf32, #tpu.memory_space<vmem_shared>> -> memref<10000x128xf32, #tpu.memory_space<vmem_shared>>
          tpu.enqueue_indirect_dma source(%dma_start3A_120 : memref<10000x128xf32, #tpu.memory_space<vmem_shared>>) target(%arg14 : memref<16x128xf32, #tpu.memory_space<vmem>>) offsets(%dma_start3A_117 : memref<16xi32, #tpu.memory_space<vmem>>) semaphore(%arg20 : memref<!tpu.dma_semaphore, #tpu.memory_space<semaphore_mem>>)
        } else {
        }
      } else {
      }
    }
    %scan3A_40 = arith.constant 209 : i32
    %dma_wait3A = arith.constant 0 : i32
    %dma_wait3A_41 = tpu.memref_slice %arg5[%mul3A_2, %dma_wait3A] : memref<320000x256xf32, #tpu.memory_space<hbm>> -> memref<16x256xf32, #tpu.memory_space<hbm>>
    %dma_wait3A_42 = arith.constant 0 : i32
    %dma_wait3A_43 = tpu.memref_slice %arg5[%mul3A_2, %dma_wait3A_42] : memref<320000x256xf32, #tpu.memory_space<hbm>> -> memref<16x256xf32, #tpu.memory_space<hbm>>
    tpu.wait_dma2 semaphore(%arg21 : memref<!tpu.dma_semaphore, #tpu.memory_space<semaphore_mem>>) src(%arg15 : memref<16x256xf32, #tpu.memory_space<vmem>>) dst(%dma_wait3A_43 : memref<16x256xf32, #tpu.memory_space<hbm>>)
    %dma_wait3A_44 = arith.constant 0 : i32
    %dma_wait3A_45 = tpu.memref_slice %arg5[%mul3A_2, %dma_wait3A_44] : memref<320000x256xf32, #tpu.memory_space<hbm>> -> memref<16x256xf32, #tpu.memory_space<hbm>>
    %dma_wait3A_46 = arith.constant 0 : i32
    %dma_wait3A_47 = tpu.memref_slice %arg5[%mul3A_2, %dma_wait3A_46] : memref<320000x256xf32, #tpu.memory_space<hbm>> -> memref<16x256xf32, #tpu.memory_space<hbm>>
    tpu.wait_dma2 semaphore(%arg22 : memref<!tpu.dma_semaphore, #tpu.memory_space<semaphore_mem>>) src(%arg16 : memref<16x256xf32, #tpu.memory_space<vmem>>) dst(%dma_wait3A_47 : memref<16x256xf32, #tpu.memory_space<hbm>>)
    %dma_wait3A_48 = arith.constant 0 : i32
    %dma_wait3A_49 = tpu.memref_slice %arg5[%mul3A_2, %dma_wait3A_48] : memref<320000x256xf32, #tpu.memory_space<hbm>> -> memref<16x256xf32, #tpu.memory_space<hbm>>
    %dma_wait3A_50 = arith.constant 0 : i32
    %dma_wait3A_51 = tpu.memref_slice %arg5[%mul3A_2, %dma_wait3A_50] : memref<320000x256xf32, #tpu.memory_space<hbm>> -> memref<16x256xf32, #tpu.memory_space<hbm>>
    tpu.wait_dma2 semaphore(%arg23 : memref<!tpu.dma_semaphore, #tpu.memory_space<semaphore_mem>>) src(%arg17 : memref<16x256xf32, #tpu.memory_space<vmem>>) dst(%dma_wait3A_51 : memref<16x256xf32, #tpu.memory_space<hbm>>)
    return
  }
}

</mosaic_0001>

<sc_bundles>
// kernel: kernel.3.cloned.1.call-start
scs
__scs_entry_jumppad:
0x0: {  	(pc) =	sbr.rel $0x88, $3  }
0x1: {  	(tag) =	ssettag $0x0;
	lr =	simm.s32 $0x1  }
0x2: {  	[smem:$0x3F9F] =	sst lr;
	_ =	strace $0xD0000000  }
0x3: {  	_ = 	snop  }
0x4: {  	_ = 	snop  }
0x5: {  	_ = 	snop  }
0x6: {  	_ = 	snop  }
0x7: {  	_ = 	snop  }
__scs_overlays_trampoline_lowered:
0x8: {  	[smem:$0x3FAE] =	sst s0  }
0x9: {  	[smem:$0x3FAF] =	sst s1  }
0xa: {  	[smem:$0x3FB0] =	sst s2  }
0xb: {  	[smem:$0x3FB1] =	sst s3  }
0xc: {  	[smem:$0x3FB2] =	sst s4  }
0xd: {  	[smem:$0x3FB3] =	sst s5  }
0xe: {  	[smem:$0x3FB4] =	sst s6  }
0xf: {  	[smem:$0x3FB5] =	sst s7  }
0x10: {  	[smem:$0x3FB6] =	sst s8  }
0x11: {  	[smem:$0x3FB7] =	sst s9;
	s0 =	simm.s32 @!p0 $0x0  }
0x12: {  	s1 =	sld [smem:$0x3F9D];
	s0 =	simm.s32 @p0 $0x1  }
0x13: {  	[smem:$0x3FB8] =	sst s0;
	s0 =	simm.s32 @!p1 $0x0  }
0x14: {  	s2 =	sld [smem:$0x3F9C];
	s0 =	simm.s32 @p1 $0x1  }
0x15: {  	[smem:$0x3FB9] =	sst s0;
	s0 =	simm.s32 @!p2 $0x0  }
0x16: {  	s3 =	sld [smem:$0x3FDB];
	s0 =	simm.s32 @p2 $0x1  }
0x17: {  	s4 =	simm.s32 $0x1BF5;
	[smem:$0x3FBB] =	sst s0  }
0x18: {  	s0 =	sld [smem:$0x3F9E];
	_ =	swait.ge [sflag:s4], $0x0  }
0x19: {  	s7 =	sld [smem:$0x3F9F]  }
0x1a: {  	s8 =	sadd.s32 $0xFFFFE003, lr  }
0x1b: {  	s9 =	sadd.s32 $0xFFFFFEF7, lr;
	s5 =	simm.s32 $0xFFFFFFFF;
	p2 =	slt.u32 s8, $0xFFFFF086  }
0x1c: {  	p1 =	slt.u32 s9, $0xF7A;
	s5 =	simm.s32 @!p2 $0x0  }
0x1d: {  	s5 =	simm.s32 @p1 $0x1;
	p0 =	seq.s32 s7, s2  }
0x1e: {  	s7 =	smul.u32 @!p0 $0xF7A, s2;
	p2 =	seq.s32 @!p0 s5, $0x0  }
0x1f: {  	s9 =	smul.u32 $0xF7A, s1;
	s8 =	simm.s32 @!p0 $0x1BF5;
	p2 =	por !p2, p0  }
0x20: {  	[sflag:s8] =	ssyncset.s32 @!p0 $0xFFFFF086;
	s6 =	sadd.s32 @!p0 s3, s7;
	s7 =	simm.s32 @!p0 $0x108  }
0x21: {  	s3 =	sadd.s32 s3, s9;
	s6 =	sadd.s32 @!p0 $0x88, s6;
	s7 =	simm.s32 @p2 $0x1082  }
0x22: {  	[simem:s7], [sflag:s8] =	dma.local @!p0 [hbm:s6], $0xF7A  }
0x23: {  	s9 =	sor.u32 $0xD0000000, s2;
	s6 =	simm.s32 $0x108;
	_ =	swait.ge @!p0 [sflag:s8], $0x0  }
0x24: {  	s3 =	sadd.s32 $0x88, s3;
	s6 =	simm.s32 @!p1 $0x1082;
	[sflag:s4] =	ssyncset.s32 $0xFFFFF086  }
0x25: {  	[simem:s6], [sflag:s4] =	dma.local [hbm:s3], $0xF7A  }
0x26: {  	[smem:$0x3F9F] =	sst s1;
	(tag) =	ssettag s2;
	_ =	strace s9  }
0x27: {  	s1 =	sld [smem:$0x3FAF]  }
0x28: {  	s2 =	sld [smem:$0x3FB0]  }
0x29: {  	s4 =	sld [smem:$0x3FB2]  }
0x2a: {  	p0 =	seq.s32 s5, $0x0;
	s5 =	sld [smem:$0x3FB3]  }
0x2b: {  	s6 =	sld [smem:$0x3FB4]  }
0x2c: {  	s7 =	sld [smem:$0x3FB5]  }
0x2d: {  	s3 =	simm.s32 $0x108;
	s8 =	sld [smem:$0x3FB6]  }
0x2e: {  	s3 =	simm.s32 @!p0 $0x1082;
	s9 =	sld [smem:$0x3FB7]  }
0x2f: {  	lr =	sadd.s32 s0, s3;
	s0 =	sld [smem:$0x3FAE]  }
0x30: {  	s3 =	sld [smem:$0x3FB1]  }
0x31: {  	[smem:$0x3FBA] =	sst s10  }
0x32: {  	s10 =	sld [smem:$0x3FB8];
	_ =	sdelay $0x3  }
0x33: {  	p0 =	seq.s32 s10, $0x1;
	s10 =	sld [smem:$0x3FBA];
	_ =	sdelay $0x3  }
0x34: {  	[smem:$0x3FBA] =	sst s10  }
0x35: {  	s10 =	sld [smem:$0x3FB9];
	_ =	sdelay $0x3  }
0x36: {  	p1 =	seq.s32 s10, $0x1;
	s10 =	sld [smem:$0x3FBA];
	_ =	sdelay $0x3  }
0x37: {  	[smem:$0x3FBA] =	sst s10  }
0x38: {  	s10 =	sld [smem:$0x3FBB]  }
0x39: {  	_ = 	snop;
	(pc) =	sbr.ind lr, $3  }
0x3a: {  	_ = 	snop  }
0x3b: {  	_ = 	snop  }
0x3c: {  	p2 =	seq.s32 s10, $0x1;
	s10 =	sld [smem:$0x3FBA]  }
0x3d: {  	_ =	shalt  }
0x3e: {  	_ =	shalt  }
0x3f: {  	_ =	shalt  }
0x40: {  	_ =	shalt  }
0x41: {  	_ =	shalt  }
0x42: {  	_ =	shalt  }
0x43: {  	_ =	shalt  }
0x44: {  	_ =	shalt  }
0x45: {  	_ =	shalt  }
0x46: {  	_ =	shalt  }
0x47: {  	_ =	shalt  }
0x48: {  	_ =	shalt  }
0x49: {  	_ =	shalt  }
0x4a: {  	_ =	shalt  }
0x4b: {  	_ =	shalt  }
0x4c: {  	_ =	shalt  }
0x4d: {  	_ =	shalt  }
0x4e: {  	_ =	shalt  }
0x4f: {  	_ =	shalt  }
0x50: {  	_ =	shalt  }
0x51: {  	_ =	shalt  }
0x52: {  	_ =	shalt  }
0x53: {  	_ =	shalt  }
0x54: {  	_ =	shalt  }
0x55: {  	_ =	shalt  }
0x56: {  	_ =	shalt  }
0x57: {  	_ =	shalt  }
0x58: {  	_ =	shalt  }
0x59: {  	_ =	shalt  }
0x5a: {  	_ =	shalt  }
0x5b: {  	_ =	shalt  }
0x5c: {  	_ =	shalt  }
0x5d: {  	_ =	shalt  }
0x5e: {  	_ =	shalt  }
0x5f: {  	_ =	shalt  }
0x60: {  	_ =	shalt  }
0x61: {  	_ =	shalt  }
0x62: {  	_ =	shalt  }
0x63: {  	_ =	shalt  }
0x64: {  	_ =	shalt  }
0x65: {  	_ =	shalt  }
0x66: {  	_ =	shalt  }
0x67: {  	_ =	shalt  }
0x68: {  	_ =	shalt  }
0x69: {  	_ =	shalt  }
0x6a: {  	_ =	shalt  }
0x6b: {  	_ =	shalt  }
0x6c: {  	_ =	shalt  }
0x6d: {  	_ =	shalt  }
0x6e: {  	_ =	shalt  }
0x6f: {  	_ =	shalt  }
0x70: {  	_ =	shalt  }
0x71: {  	_ =	shalt  }
0x72: {  	_ =	shalt  }
0x73: {  	_ =	shalt  }
0x74: {  	_ =	shalt  }
0x75: {  	_ =	shalt  }
0x76: {  	_ =	shalt  }
0x77: {  	_ =	shalt  }
0x78: {  	_ =	shalt  }
0x79: {  	_ =	shalt  }
0x7a: {  	_ =	shalt  }
0x7b: {  	_ =	shalt  }
0x7c: {  	_ =	shalt  }
0x7d: {  	_ =	shalt  }
0x7e: {  	_ =	shalt  }
0x7f: {  	_ =	shalt  }
0x80: {  	_ =	shalt  }
0x81: {  	_ =	shalt  }
0x82: {  	_ =	shalt  }
0x83: {  	_ =	shalt  }
0x84: {  	_ =	shalt  }
0x85: {  	_ =	shalt  }
0x86: {  	_ =	shalt  }
0x87: {  	_ =	shalt  }
.Lfunc_end0:
.L_simem_size_0:
called_computation_lowered:
.L_overlay_start_0:
0x88: {  	s2 =	sld [smem:$0x3FD9]  }
0x89: {  	s3 =	sld [smem:$0x3FFE];
	_ =	sdelay $0x1  }
0x8a: {  	s1 =	srdreg.scid  }
0x8b: {  	s0 =	sand.u32 $0x1, s1  }
0x8c: {  	s17 =	sshll.u32 s0, $0xA;
	s2 =	sadd.s32 s3, s2  }
0x8d: {  	s2 =	sadd.s32 s2, s17  }
0x8e: {  	[smem:$0x3FC6] =	sst s2  }
0x8f: {  	_ = 	snop  }
0x90: {  	s2 =	sld [smem:$0x3FC9]  }
0x91: {  	s18 =	sld [smem:$0x3FD0];
	(tm) =	ssettm $0x1  }
0x92: {  	s4 =	sld [smem:$0x3FFB];
	_ =	sdelay $0x3  }
0x93: {  	_ =	strace s4  }
0x94: {  	s4 =	sld [smem:$0x3FFC];
	_ =	sdelay $0x3  }
0x95: {  	_ =	strace s4  }
0x96: {  	s4 =	sld [smem:$0x3FFD];
	_ =	sdelay $0x3  }
0x97: {  	_ =	strace s4  }
0x98: {  	_ =	strace $0x8FFFFFFF  }
0x99: {  	s19 =	sld [smem:$0x3FDB];
	_ =	sdelay $0x1  }
0x9a: {  	s5 =	simm.s32 $_scs_section_size  }
0x9b: {  	s6 =	simm.s32 $_size__tile_overlayer_lowered;
	s7 =	simm.s32 $_tile_overlayer_lowered  }
0x9c: {  	s22 =	simm.s32 $0x1BFF;
	s21 =	sshll.u32 s7, $0x1;
	s4 =	sadd.s32 s5, s19  }
0x9d: {  	s8 =	simm.s32 $0x0;
	s20 =	sshll.u32 s6, $0x1;
	s6 =	sadd.s32 s21, s4  }
0x9e: {  	[timem:s8], [sflag:s22] =	dma.local [hbm:s6], s20  }
0x9f: {  	_ =	swait.ge [sflag:s22], s20  }
0xa0: {  	s5 =	ssub.s32 $0x0, s20;
	[sflag:s22] =	ssyncset.done $0x0  }
0xa1: {  	[sflag:s22] =	ssyncadd.s32 s5;
	_ =	sdelay $0x1  }
0xa2: {  	s23 =	simm.s32 $0x1B8B  }
0xa3: {  	_ =	swait.ge [sflag:s23], $0x1  }
0xa4: {  	[sflag:s23] =	ssyncset.done $0x0  }
0xa5: {  	s25 =	simm.s32 $0x1B8E;
	s24 =	sld [smem:$0x3FFE];
	[sflag:s23] =	ssyncadd.s32 $0xFFFFFFFF  }
0xa6: {  	s26 =	simm.s32 $execute0_lowered;
	[smem:$0x3FD2] =	sst s25  }
0xa7: {  	s6 =	sshll.u32 s26, $0x1;
	_ =	strace $0x80000046;
	[dreg:$0x1] =	wrdreg $0xFFFFFFFF  }
0xa8: {  	s28 =	simm.s32 $_size_execute0_lowered;
	s4 =	sadd.s32 s4, s6;
	[dreg:$0x0] =	wrdreg $0x0  }
0xa9: {  	s6 =	sshll.u32 s28, $0x1;
	[dreg:$0x2] =	wrdreg s4  }
0xaa: {  	[dreg:$0x3] =	wrdreg s6  }
0xab: {  	[dreg:$0x4] =	wrdreg $0xC0  }
0xac: {  	_ =	task [dreg:s8], $0x5FFFF  }
0xad: {  	[dreg:$0x1] =	wrdreg $0xFFFFFFFF  }
0xae: {  	[dreg:$0x0] =	wrdreg $0x60  }
0xaf: {  	[dreg:$0x2] =	wrdreg s2  }
0xb0: {  	[dreg:$0x3] =	wrdreg s24  }
0xb1: {  	[dreg:$0x4] =	wrdreg s18  }
0xb2: {  	[dreg:$0x5] =	wrdreg $0x0  }
0xb3: {  	[dreg:$0x6] =	wrdreg $0x9  }
0xb4: {  	_ =	task.clear_ibuf [dreg:s8], $0x7FFFF;
	_ =	strace $0x90000046  }
0xb5: {  	s29 =	simm.s32 $0x9;
	_ =	strace $0x80000048  }
0xb6: {  	_ =	swait.ge [sflag:s29], $0x1  }
0xb7: {  	[sflag:s29] =	ssyncadd.s32 $0xFFFFFFFF  }
0xb8: {  	_ =	strace $0x90000048  }
0xb9: {  	_ =	sfence  }
0xba: {  	s30 =	sld [smem:$0x0];
	_ =	sdelay $0x2  }
0xbb: {  	s31 =	sshll.u32 s1, $0xD;
	s1 =	sshrl.u32 s1, $0x2  }
0xbc: {  	s3 =	sand.u32 $0x4000, s31;
	s1 =	sadd.s32 s1, s30  }
0xbd: {  	s0 =	sor.u32 s3, s0;
	s1 =	sshll.u32 s1, $0x11  }
0xbe: {  	s0 =	sor.u32 s1, s0  }
0xbf: {  	s0 =	sadd.s32 $0x8F2B, s0  }
0xc0: {  	[sflag:s0] =	ssyncadd.remote.s32 $0x1  }
0xc1: {  	_ =	sfence.sel $0xFFFF  }
0xc2: {  	[dreg:$0x0] =	wrdreg $0xFFFFFFFF;
	(pc) =	sbr.abs _section_cstart, $3  }
0xc3: {  	[dreg:$0x1] =	wrdreg $0xFFFFFFFF  }
0xc4: {  	_ =	task.clear_ibuf [dreg:s8], $0x2FFFF;
	_ =	strace $0x9FFFFFFF  }
0xc5: {  	(tm) =	ssettm $0x7FFFFFFF  }
tec
execute0_lowered:
.L_overlay_start_1:
0x0: {  	(tag) =	ssettag $0x1  }
0x1: {  	s2 =	srdreg.scid;
	s7 =	stileid.u32  }
0x2: {  	s0 =	rddreg [dreg:$0x0];
	s2 =	sand.u32 $0x1, s2;
	s3 =	sshll.u32 s7, $0x1  }
0x3: {  	s1 =	rddreg [dreg:$0x1];
	s6 =	smul.u32 $0x4E000, s7;
	s3 =	sor.u32 s2, s3  }
0x4: {  	s8 =	rddreg [dreg:$0x3];
	s4 =	simm.s32 $0x0;
	s5 =	smul.u32 $0x2710, s3  }
0x5: {  	[smem:$0x7FF] =	sst s4;
	s3 =	smul.u32 $0x271000, s3  }
0x6: {  	s24 =	smul.u32 $0x2700, s7;
	_ =	strace $0x80000047;
	s2 =	ssub.s32 $0x2, s2  }
0x7: {  	s22 =	sshrl.u32 s2, $0x1;
	[smem:$0x7F3] =	sst s5;
	s26 =	sadd.s32 $0x1000, s3  }
0x8: {  	s2 =	ssub.s32 s2, s22;
	s28 =	sadd.s32 $0x2000, s3;
	[smem:$0x7F8] =	sst s26  }
0x9: {  	s5 =	sshrl.u32 s5, $0x3;
	s29 =	smax.u32 s2, $0x1;
	[smem:$0x7F9] =	sst s28  }
0xa: {  	p0 =	sne.s32 s7, $0xF;
	s23 =	sadd.s32 s1, s5;
	[smem:$0x7FA] =	sst s29  }
0xb: {  	s30 =	sshll.u32 s7, $0x6;
	s1 =	sadd.s32 s0, s24;
	[smem:$0x7F4] =	sst s23  }
0xc: {  	s25 =	sshrl.u32 s6, $0x2;
	s0 =	sadd.s32 $0x27000, s0;
	[smem:$0x7F6] =	sst s1  }
.Ltmp0:
0xd: {  	s4 =	sadd.s32 $0x9E00, s23;
	[smem:$0x7F7] =	sst s0;
	(pc) =	sbr.rel .LBB2_1-.Ltmp0, $4  }
0xe: {  	s1 =	sadd.s32 $0x138000, s8;
	s0 =	sor.u32 $0x1C07, s30;
	[smem:$0x7F5] =	sst s4  }
0xf: {  	s4 =	sadd.s32 s25, s8;
	[smem:$0x7FB] =	sst s0;
	s0 =	sshrl.u32 @!p0 s1, $0x3  }
0x10: {  	s31 =	sshrl.u32 s4, $0x3;
	[smem:$0x7FD] =	sst s0  }
0x11: {  	s2 =	simm.s32 $0x0;
	[smem:$0x7FC] =	sst s31  }
.LBB2_10:
0x12: {  	s0 =	simm.s32 $0x4  }
0x13: {  	_ =	swait.ge [sflag:s0], $0x1000  }
0x14: {  	[sflag:s0] =	ssyncset.done $0x0  }
0x15: {  	s30 =	simm.s32 $0x5;
	[sflag:s0] =	ssyncadd.s32 $0xFFFFF000  }
0x16: {  	_ =	swait.ge [sflag:s30], $0x1000  }
0x17: {  	[sflag:s30] =	ssyncset.done $0x0  }
0x18: {  	s1 =	simm.s32 $0x6;
	[sflag:s30] =	ssyncadd.s32 $0xFFFFF000  }
0x19: {  	_ =	swait.ge [sflag:s1], $0x1000  }
0x1a: {  	s2 =	sld [smem:$0x7F2]  }
0x1b: {  	s31 =	sld [smem:$0x7FA];
	_ =	sdelay $0x1  }
0x1c: {  	s2 =	sadd.s32 $0x1, s2  }
0x1d: {  	p1 =	sne.s32 s2, s31  }
.Ltmp1:
0x1e: {  	_ = 	snop;
	(pc) =	sbr.rel @!p1 .LBB2_11-.Ltmp1, $3  }
0x1f: {  	_ =	sdelay $0x1  }
0x20: {  	[sflag:s1] =	ssyncset.done $0x0  }
0x21: {  	[sflag:s1] =	ssyncadd.s32 $0xFFFFF000  }
.LBB2_1:
0x22: {  	s1 =	sld [smem:$0x7F5]  }
0x23: {  	[smem:$0x7F2] =	sst s2  }
0x24: {  	s0 =	simm.s32 $0x0;
	s16 =	simm.s32 $0x13880;
	s3 =	simm.s32 $0x7  }
0x25: {  	[tilespmem:s16], [sflag:$0x7] =	stream.linear.gather [hbm4b:s1+s0], $0x2710, $0x38;
	[tilespmem:$0x1E780] =	vst v63  }
0x26: {  	_ =	swait.ge [sflag:s3], $0x2710  }
0x27: {  	s17 =	sld [smem:$0x7F4]  }
0x28: {  	[sflag:s3] =	ssyncset.done $0x0  }
0x29: {  	s4 =	simm.s32 $0x16000;
	[sflag:s3] =	ssyncadd.s32 $0xFFFFD8F0  }
0x2a: {  	[tilespmem:s4], [sflag:$0x7] =	stream.linear.gather [hbm4b:s17+s0], $0x2710, $0x38;
	[tilespmem:$0x1E780] =	vst v63  }
0x2b: {  	_ =	swait.ge [sflag:s3], $0x2710  }
0x2c: {  	s18 =	sld [smem:$0x7F6]  }
0x2d: {  	s1 =	sld [smem:$0x7FB]  }
0x2e: {  	s5 =	sld [smem:$0x7FC]  }
0x2f: {  	[sflag:s3] =	ssyncset.done $0x0  }
0x30: {  	[sflag:s3] =	ssyncadd.s32 $0xFFFFD8F0  }
0x31: {  	[spmem:s5], [sflag:s1] =	dma.local [hbm:s18], $0x2700  }
0x32: {  	_ =	swait.ge [sflag:s3], $0x2700  }
0x33: {  	[sflag:s3] =	ssyncset.done $0x0;
	s0 =	sld [smem:$0x7F7]  }
0x34: {  	[sflag:s3] =	ssyncadd.s32 $0xFFFFD900;
	s3 =	sld [smem:$0x7FD];
	_ =	sdelay $0x2  }
0x35: {  	[spmem:s3], [sflag:s1] =	dma.local @!p0 [hbm:s0], $0x100  }
0x36: {  	s0 =	simm.s32 @!p0 $0x7  }
0x37: {  	_ =	swait.ge @!p0 [sflag:s0], $0x100  }
0x38: {  	[sflag:s0] =	ssyncset.done @!p0 $0x0  }
0x39: {  	[sflag:s0] =	ssyncadd.s32 @!p0 $0xFFFFFF00  }
0x3a: {  	[bflag:$0x0] =	sbarrier.arrive $0xFFFF  }
0x3b: {  	s20 =	simm.s32 $0x10;
	s21 =	simm.s32 $0x18780;
	s19 =	rddreg [dreg:$0x3]  }
0x3c: {  	[tilespmem:s21], [sflag:$0x1] =	stream.indirect.gather [spmem:s19], $0x80, s16, s20, $0xb8;
	[tilespmem:$0x1E780] =	vst v63  }
0x3d: {  	s22 =	simm.s32 $0x19F80  }
0x3e: {  	[tilespmem:s22], [sflag:$0x1] =	stream.indirect.gather [spmem:s19], $0x80, s4, s20, $0xb8;
	[tilespmem:$0x1E780] =	vst v63  }
0x3f: {  	s23 =	simm.s32 $0x13890;
	s24 =	simm.s32 $0x18F80  }
0x40: {  	[tilespmem:s24], [sflag:$0x2] =	stream.indirect.gather [spmem:s19], $0x80, s23, s20, $0xb8;
	[tilespmem:$0x1E780] =	vst v63  }
0x41: {  	s25 =	simm.s32 $0x16010;
	s26 =	simm.s32 $0x1A780  }
0x42: {  	[tilespmem:s26], [sflag:$0x2] =	stream.indirect.gather [spmem:s19], $0x80, s25, s20, $0xb8;
	[tilespmem:$0x1E780] =	vst v63  }
0x43: {  	s28 =	simm.s32 $0x138A0;
	s29 =	simm.s32 $0x19780  }
0x44: {  	[tilespmem:s29], [sflag:$0x3] =	stream.indirect.gather [spmem:s19], $0x80, s28, s20, $0xb8;
	[tilespmem:$0x1E780] =	vst v63  }
0x45: {  	s30 =	simm.s32 $0x16020;
	s31 =	simm.s32 $0x1AF80;
	s1 =	simm.s32 $0x0  }
0x46: {  	[tilespmem:s31], [sflag:$0x3] =	stream.indirect.gather [spmem:s19], $0x80, s30, s20, $0xb8;
	[tilespmem:$0x1E780] =	vst v63  }
.LBB2_2:
0x47: {  	s0 =	simm.s32 $0x1  }
0x48: {  	_ =	swait.ge [sflag:s0], $0x800  }
0x49: {  	[sflag:s0] =	ssyncset.done $0x0  }
0x4a: {  	[sflag:s0] =	ssyncadd.s32 $0xFFFFF800  }
0x4b: {  	_ =	swait.ge [sflag:s0], $0x800  }
0x4c: {  	p1 =	seq.s32 s1, $0x0;
	[sflag:s0] =	ssyncset.done $0x0  }
0x4d: {  	[smem:$0x7F1] =	sst s1;
	[sflag:s0] =	ssyncadd.s32 $0xFFFFF800;
	s0 =	simm.s32 @!p1 $0x4  }
0x4e: {  	_ =	swait.ge @!p1 [sflag:s0], $0x1000  }
0x4f: {  	[sflag:s0] =	ssyncset.done @!p1 $0x0  }
0x50: {  	s1 =	simm.s32 $0x18880;
	[sflag:s0] =	ssyncadd.s32 @!p1 $0xFFFFF000  }
0x51: {  	s23 =	simm.s32 $0x1A080;
	v0 =	vld [tilespmem:s1+$0x80]  }
0x52: {  	v1 =	vld [tilespmem:s23+$0x80];
	_ =	sdelay $0x1  }
0x53: {  	s12 =	simm.s32 $0x0  }
0x54: {  	s2 =	sand.u32 $0x7, s12  }
0x55: {  	s4 =	simm.s32 $0x180;
	s3 =	sand.u32 $0x800, s12;
	s2 =	sshll.u32 s2, $0x7  }
0x56: {  	s13 =	sand.u32 $0x380, s4;
	s6 =	sor.u32 $0x1B780, s3;
	s2 =	sadd.s32 $0x0, s2;
	v2 =	vadd.f32 v1, v0  }
0x57: {  	s3 =	sadd.s32 s13, s6;
	s4 =	sadd.s32 $0x180, s2;
	v0 =	vsub.f32 v0, v1  }
0x58: {  	s5 =	sor.u32 $0x400, s4;
	v1 =	vld [tilespmem:s1+$0xFFFFFF00];
	[tilespmem:s3+$0x0] =	vst v2  }
0x59: {  	v2 =	vld [tilespmem:s23+$0xFFFFFF00];
	[tilespmem:s5+$0x1B780] =	vst v0  }
0x5a: {  	v0 =	vld [tilespmem:s1+$0x90]  }
0x5b: {  	v3 =	vld [tilespmem:s23+$0x90]  }
0x5c: {  	p2 =	por $0x0, $0x0;
	s5 =	simm.s32 $0x1  }
0x5d: {  	v4 =	vld [tilespmem:s1+$0xFFFFFF80];
	s5 =	simm.s32 @!p2 $0x0  }
0x5e: {  	s7 =	sand.u32 $0x200, s12;
	v5 =	vld [tilespmem:s23+$0xFFFFFF80];
	s5 =	sshll.u32 s5, $0x9;
	v6 =	vadd.f32 v2, v1  }
0x5f: {  	s10 =	sadd.s32 $0x0, s5;
	s5 =	sadd.s32 s7, s6;
	v1 =	vsub.f32 v1, v2  }
0x60: {  	v7 =	vld [tilespmem:s23+$0x0];
	s14 =	sor.u32 $0x400, s10;
	[tilespmem:s5+$0x0] =	vst v6;
	v6 =	vadd.f32 v3, v0  }
0x61: {  	v2 =	vld [tilespmem:s1+$0x0];
	v0 =	vsub.f32 v0, v3;
	[tilespmem:s14+$0x1B780] =	vst v1  }
0x62: {  	s8 =	simm.s32 $0x80;
	s16 =	sor.u32 $0x410, s4;
	v3 =	vld [tilespmem:s1+$0xFFFFFF10];
	[tilespmem:s3+$0x10] =	vst v6  }
0x63: {  	s15 =	sand.u32 $0x280, s8;
	v1 =	vadd.f32 v5, v4;
	v4 =	vsub.f32 v4, v5;
	v5 =	vld [tilespmem:s23+$0xFFFFFF10];
	[tilespmem:s16+$0x1B780] =	vst v0  }
0x64: {  	s31 =	sadd.s32 s15, s6;
	s11 =	sadd.s32 $0x80, s2;
	s0 =	sand.u32 $0x3, s12;
	v0 =	vld [tilespmem:s1+$0xA0]  }
0x65: {  	s17 =	simm.s32 $0x100;
	s2 =	sor.u32 $0x400, s11;
	s0 =	sshll.u32 s0, $0x8;
	[tilespmem:s31+$0x0] =	vst v1;
	v1 =	vld [tilespmem:s23+$0xA0]  }
0x66: {  	s0 =	sadd.s32 $0x0, s0;
	s7 =	sand.u32 $0x300, s17;
	[tilespmem:s2+$0x1B780] =	vst v4;
	v4 =	vadd.f32 v7, v2  }
0x67: {  	s21 =	sadd.s32 s7, s6;
	s2 =	sadd.s32 $0x100, s0;
	v2 =	vsub.f32 v2, v7;
	v6 =	vld [tilespmem:s1+$0xFFFFFF90]  }
0x68: {  	v7 =	vld [tilespmem:s23+$0xFFFFFF90];
	s0 =	sor.u32 $0x400, s2;
	[tilespmem:s21+$0x0] =	vst v4;
	v4 =	vadd.f32 v5, v3  }
0x69: {  	[tilespmem:s0+$0x1B780] =	vst v2;
	v2 =	vsub.f32 v3, v5  }
0x6a: {  	s18 =	sor.u32 $0x410, s10;
	v3 =	vld [tilespmem:s1+$0x10];
	[tilespmem:s5+$0x10] =	vst v4;
	v4 =	vadd.f32 v1, v0  }
0x6b: {  	v5 =	vld [tilespmem:s23+$0x10];
	v0 =	vsub.f32 v0, v1;
	[tilespmem:s18+$0x1B780] =	vst v2  }
0x6c: {  	s19 =	sor.u32 $0x420, s4;
	v1 =	vld [tilespmem:s1+$0xFFFFFF20];
	[tilespmem:s3+$0x20] =	vst v4  }
0x6d: {  	v2 =	vadd.f32 v7, v6;
	v4 =	vld [tilespmem:s23+$0xFFFFFF20];
	[tilespmem:s19+$0x1B780] =	vst v0  }
0x6e: {  	v6 =	vsub.f32 v6, v7;
	v0 =	vld [tilespmem:s1+$0xB0]  }
0x6f: {  	s20 =	sor.u32 $0x410, s11;
	[tilespmem:s31+$0x10] =	vst v2;
	v2 =	vld [tilespmem:s23+$0xB0]  }
0x70: {  	[tilespmem:s20+$0x1B780] =	vst v6;
	v6 =	vadd.f32 v5, v3  }
0x71: {  	v3 =	vsub.f32 v3, v5;
	v7 =	vld [tilespmem:s1+$0xFFFFFFA0]  }
0x72: {  	s22 =	sor.u32 $0x410, s2;
	v5 =	vld [tilespmem:s23+$0xFFFFFFA0];
	[tilespmem:s21+$0x10] =	vst v6;
	v6 =	vadd.f32 v4, v1  }
0x73: {  	v1 =	vsub.f32 v1, v4;
	[tilespmem:s22+$0x1B780] =	vst v3  }
0x74: {  	s24 =	sor.u32 $0x420, s10;
	v3 =	vld [tilespmem:s1+$0x20];
	[tilespmem:s5+$0x20] =	vst v6;
	v4 =	vadd.f32 v2, v0  }
0x75: {  	v6 =	vld [tilespmem:s23+$0x20];
	v0 =	vsub.f32 v0, v2;
	[tilespmem:s24+$0x1B780] =	vst v1  }
0x76: {  	s25 =	sor.u32 $0x430, s4;
	v1 =	vld [tilespmem:s1+$0xFFFFFF30];
	[tilespmem:s3+$0x30] =	vst v4  }
0x77: {  	v2 =	vadd.f32 v5, v7;
	v4 =	vld [tilespmem:s23+$0xFFFFFF30];
	[tilespmem:s25+$0x1B780] =	vst v0  }
0x78: {  	v5 =	vsub.f32 v7, v5;
	v0 =	vld [tilespmem:s1+$0xC0]  }
0x79: {  	s26 =	sor.u32 $0x420, s11;
	[tilespmem:s31+$0x20] =	vst v2;
	v2 =	vld [tilespmem:s23+$0xC0]  }
0x7a: {  	[tilespmem:s26+$0x1B780] =	vst v5;
	v5 =	vadd.f32 v6, v3  }
0x7b: {  	v7 =	vld [tilespmem:s1+$0xFFFFFFB0];
	v3 =	vsub.f32 v3, v6  }
0x7c: {  	s30 =	sor.u32 $0x420, s2;
	v6 =	vld [tilespmem:s23+$0xFFFFFFB0];
	[tilespmem:s21+$0x20] =	vst v5;
	v5 =	vadd.f32 v4, v1  }
0x7d: {  	v1 =	vsub.f32 v1, v4;
	[tilespmem:s30+$0x1B780] =	vst v3  }
0x7e: {  	s6 =	sor.u32 $0x430, s10;
	v3 =	vld [tilespmem:s1+$0x30];
	[tilespmem:s5+$0x30] =	vst v5;
	v4 =	vadd.f32 v2, v0  }
0x7f: {  	v5 =	vld [tilespmem:s23+$0x30];
	v0 =	vsub.f32 v0, v2;
	[tilespmem:s6+$0x1B780] =	vst v1  }
0x80: {  	s7 =	sor.u32 $0x440, s4;
	v1 =	vld [tilespmem:s1+$0xFFFFFF40];
	[tilespmem:s3+$0x40] =	vst v4  }
0x81: {  	v2 =	vadd.f32 v6, v7;
	v4 =	vld [tilespmem:s23+$0xFFFFFF40];
	[tilespmem:s7+$0x1B780] =	vst v0  }
0x82: {  	v6 =	vsub.f32 v7, v6;
	v0 =	vld [tilespmem:s1+$0xD0]  }
0x83: {  	s8 =	sor.u32 $0x430, s11;
	[tilespmem:s31+$0x30] =	vst v2;
	v2 =	vld [tilespmem:s23+$0xD0]  }
0x84: {  	[tilespmem:s8+$0x1B780] =	vst v6  }
0x85: {  	v6 =	vadd.f32 v5, v3;
	v7 =	vld [tilespmem:s1+$0xFFFFFFC0]  }
0x86: {  	v3 =	vsub.f32 v3, v5;
	v5 =	vld [tilespmem:s23+$0xFFFFFFC0]  }
0x87: {  	s9 =	sor.u32 $0x430, s2;
	[tilespmem:s21+$0x30] =	vst v6;
	v6 =	vadd.f32 v4, v1  }
0x88: {  	s7 =	simm.s32 $0x18A80;
	v1 =	vsub.f32 v1, v4;
	[tilespmem:s9+$0x1B780] =	vst v3;
	v4 =	vadd.f32 v2, v0  }
0x89: {  	v8 =	vld [tilespmem:s7+$0x80];
	[tilespmem:s5+$0x40] =	vst v6;
	v0 =	vsub.f32 v0, v2  }
0x8a: {  	s13 =	sor.u32 $0x450, s4;
	v3 =	vld [tilespmem:s1+$0x40];
	[tilespmem:s3+$0x50] =	vst v4  }
0x8b: {  	v6 =	vld [tilespmem:s23+$0x40];
	v2 =	vadd.f32 v5, v7;
	[tilespmem:s13+$0x1B780] =	vst v0  }
0x8c: {  	v0 =	vld [tilespmem:s1+$0xE0]  }
0x8d: {  	s12 =	sor.u32 $0x440, s10;
	[tilespmem:s31+$0x40] =	vst v2;
	v2 =	vld [tilespmem:s23+$0xE0]  }
0x8e: {  	v11 =	vld [tilespmem:s7+$0xFFFFFF00];
	[tilespmem:s12+$0x1B780] =	vst v1  }
0x8f: {  	v1 =	vld [tilespmem:s1+$0xFFFFFF50]  }
0x90: {  	v5 =	vsub.f32 v7, v5;
	s12 =	simm.s32 $0x1A280;
	v4 =	vld [tilespmem:s23+$0xFFFFFF50]  }
0x91: {  	s14 =	sor.u32 $0x440, s11;
	v10 =	vld [tilespmem:s12+$0x80];
	v9 =	vadd.f32 v6, v3  }
0x92: {  	v59 =	vld [tilespmem:s12+$0xFFFFFF80];
	[tilespmem:s14+$0x1B780] =	vst v5;
	v12 =	vadd.f32 v2, v0  }
0x93: {  	s17 =	sor.u32 $0x460, s4;
	s26 =	simm.s32 $0x4;
	v5 =	vld [tilespmem:s1+$0xFFFFFFD0];
	[tilespmem:s21+$0x40] =	vst v9;
	v0 =	vsub.f32 v0, v2  }
0x94: {  	s15 =	sor.u32 $0x440, s2;
	s18 =	simm.s32 $0x400;
	s16 =	sand.u32 $0x7, s26;
	v7 =	vld [tilespmem:s23+$0xFFFFFFD0];
	v2 =	vsub.f32 v3, v6;
	[tilespmem:s3+$0x60] =	vst v12  }
0x95: {  	s6 =	sshll.u32 s16, $0x7;
	s9 =	sand.u32 $0x800, s18;
	s14 =	simm.s32 $0x380;
	v9 =	vld [tilespmem:s12+$0xFFFFFF00];
	v6 =	vadd.f32 v4, v1;
	[tilespmem:s17+$0x1B780] =	vst v0  }
0x96: {  	s8 =	sadd.s32 $0x400, s6;
	s13 =	sor.u32 $0x1B780, s9;
	s19 =	sand.u32 $0x380, s14;
	[tilespmem:s15+$0x1B780] =	vst v2;
	v0 =	vadd.f32 v10, v8;
	v2 =	vld [tilespmem:s1+$0xF0]  }
0x97: {  	s6 =	sadd.s32 $0x180, s8;
	s0 =	sadd.s32 s19, s13;
	[tilespmem:s5+$0x50] =	vst v6;
	v6 =	vsub.f32 v8, v10;
	v8 =	vld [tilespmem:s23+$0xF0]  }
0x98: {  	s20 =	sor.u32 $0x400, s6;
	v3 =	vld [tilespmem:s7+$0xFFFFFF80];
	v1 =	vsub.f32 v1, v4;
	[tilespmem:s0+$0x0] =	vst v0  }
0x99: {  	s22 =	sor.u32 $0x450, s10;
	v4 =	vld [tilespmem:s7+$0x0];
	v0 =	vadd.f32 v7, v5;
	[tilespmem:s20+$0x1B780] =	vst v6  }
0x9a: {  	p2 =	por !p2, !p2;
	s16 =	simm.s32 $0x200;
	s14 =	simm.s32 $0x1;
	[tilespmem:s22+$0x1B780] =	vst v1;
	v1 =	vsub.f32 v5, v7;
	v5 =	vld [tilespmem:s7+$0x90]  }
0x9b: {  	s24 =	sor.u32 $0x450, s11;
	s14 =	simm.s32 @!p2 $0x0;
	s15 =	sand.u32 $0x200, s16;
	[tilespmem:s31+$0x50] =	vst v0;
	v0 =	vadd.f32 v9, v11;
	v6 =	vld [tilespmem:s12+$0x90]  }
0x9c: {  	s25 =	sshll.u32 s14, $0x9;
	v10 =	vld [tilespmem:s12+$0x0];
	s19 =	sadd.s32 s15, s13;
	[tilespmem:s24+$0x1B780] =	vst v1;
	v7 =	vadd.f32 v8, v2  }
0x9d: {  	s20 =	sadd.s32 $0x400, s25;
	v1 =	vld [tilespmem:s1+$0x50];
	[tilespmem:s19+$0x0] =	vst v0;
	v2 =	vsub.f32 v2, v8;
	v8 =	vsub.f32 v11, v9  }
0x9e: {  	s30 =	simm.s32 $0x280;
	s9 =	sor.u32 $0x400, s20;
	v0 =	vld [tilespmem:s23+$0x50];
	[tilespmem:s3+$0x70] =	vst v7  }
0x9f: {  	s4 =	sor.u32 $0x470, s4;
	s15 =	sand.u32 $0x280, s30;
	v9 =	vld [tilespmem:s1+$0xFFFFFF60];
	v7 =	vadd.f32 v59, v3;
	[tilespmem:s9+$0x1B780] =	vst v8  }
0xa0: {  	s14 =	simm.s32 $0x2;
	s25 =	sadd.s32 s15, s13;
	v11 =	vld [tilespmem:s23+$0xFFFFFF60];
	[tilespmem:s4+$0x1B780] =	vst v2;
	v2 =	vadd.f32 v6, v5  }
0xa1: {  	s17 =	sand.u32 $0x3, s14;
	v5 =	vsub.f32 v5, v6;
	v6 =	vld [tilespmem:s12+$0xFFFFFF10];
	[tilespmem:s25+$0x0] =	vst v7  }
0xa2: {  	s22 =	simm.s32 $0x300;
	s24 =	sor.u32 $0x410, s6;
	s9 =	sadd.s32 $0x80, s8;
	v3 =	vsub.f32 v3, v59;
	v7 =	vld [tilespmem:s7+$0xFFFFFF10];
	[tilespmem:s0+$0x10] =	vst v2  }
0xa3: {  	v8 =	vld [tilespmem:s1+$0xFFFFFFE0];
	s3 =	sshll.u32 s17, $0x8;
	s4 =	sand.u32 $0x300, s22;
	s30 =	sor.u32 $0x400, s9;
	v2 =	vadd.f32 v10, v4;
	[tilespmem:s24+$0x1B780] =	vst v5  }
0xa4: {  	s3 =	sadd.s32 $0x400, s3;
	s22 =	sadd.s32 s4, s13;
	v4 =	vsub.f32 v4, v10;
	[tilespmem:s30+$0x1B780] =	vst v3;
	v10 =	vadd.f32 v0, v1;
	v3 =	vld [tilespmem:s7+$0xA0]  }
0xa5: {  	s8 =	sadd.s32 $0x100, s3;
	[tilespmem:s22+$0x0] =	vst v2;
	v2 =	vld [tilespmem:s12+$0xA0]  }
0xa6: {  	s3 =	sor.u32 $0x400, s8;
	v0 =	vsub.f32 v1, v0;
	v1 =	vld [tilespmem:s7+$0xFFFFFF90];
	[tilespmem:s21+$0x50] =	vst v10  }
0xa7: {  	s4 =	sor.u32 $0x450, s2;
	v60 =	vld [tilespmem:s12+$0xFFFFFF90];
	[tilespmem:s3+$0x1B780] =	vst v4;
	v4 =	vadd.f32 v6, v7  }
0xa8: {  	[tilespmem:s4+$0x1B780] =	vst v0;
	v6 =	vsub.f32 v7, v6;
	v7 =	vld [tilespmem:s7+$0x10]  }
0xa9: {  	s13 =	sor.u32 $0x410, s20;
	v0 =	vadd.f32 v11, v9;
	[tilespmem:s19+$0x10] =	vst v4;
	v4 =	vld [tilespmem:s12+$0x10]  }
0xaa: {  	v5 =	vld [tilespmem:s23+$0xFFFFFFE0];
	[tilespmem:s13+$0x1B780] =	vst v6;
	v6 =	vadd.f32 v2, v3  }
0xab: {  	[tilespmem:s5+$0x60] =	vst v0;
	v2 =	vsub.f32 v3, v2;
	v3 =	vld [tilespmem:s7+$0xFFFFFF20]  }
0xac: {  	s15 =	sor.u32 $0x420, s6;
	v0 =	vld [tilespmem:s12+$0xFFFFFF20];
	[tilespmem:s0+$0x20] =	vst v6;
	v6 =	vadd.f32 v60, v1  }
0xad: {  	v10 =	vld [tilespmem:s1+$0x60];
	v1 =	vsub.f32 v1, v60;
	[tilespmem:s15+$0x1B780] =	vst v2  }
0xae: {  	s17 =	sor.u32 $0x410, s9;
	[tilespmem:s25+$0x10] =	vst v6;
	v6 =	vadd.f32 v4, v7;
	v61 =	vld [tilespmem:s7+$0xB0]  }
0xaf: {  	v4 =	vsub.f32 v7, v4;
	v7 =	vsub.f32 v9, v11;
	[tilespmem:s17+$0x1B780] =	vst v1;
	v1 =	vld [tilespmem:s12+$0xB0]  }
0xb0: {  	s30 =	sor.u32 $0x460, s10;
	v9 =	vld [tilespmem:s7+$0xFFFFFFA0];
	[tilespmem:s22+$0x10] =	vst v6  }
0xb1: {  	s24 =	sor.u32 $0x410, s8;
	v6 =	vadd.f32 v0, v3;
	v11 =	vld [tilespmem:s12+$0xFFFFFFA0];
	[tilespmem:s30+$0x1B780] =	vst v7  }
0xb2: {  	v2 =	vld [tilespmem:s23+$0x60];
	v0 =	vsub.f32 v3, v0;
	[tilespmem:s24+$0x1B780] =	vst v4  }
0xb3: {  	s13 =	sor.u32 $0x420, s20;
	v4 =	vadd.f32 v5, v8;
	v3 =	vld [tilespmem:s7+$0x20];
	[tilespmem:s19+$0x20] =	vst v6  }
0xb4: {  	v6 =	vld [tilespmem:s12+$0x20];
	[tilespmem:s13+$0x1B780] =	vst v0;
	v0 =	vadd.f32 v1, v61  }
0xb5: {  	[tilespmem:s31+$0x60] =	vst v4;
	v1 =	vsub.f32 v61, v1;
	v62 =	vld [tilespmem:s7+$0xFFFFFF30]  }
0xb6: {  	s15 =	sor.u32 $0x430, s6;
	v4 =	vld [tilespmem:s12+$0xFFFFFF30];
	[tilespmem:s0+$0x30] =	vst v0;
	v0 =	vadd.f32 v11, v9  }
0xb7: {  	v7 =	vld [tilespmem:s1+$0xFFFFFF70];
	v9 =	vsub.f32 v9, v11;
	[tilespmem:s15+$0x1B780] =	vst v1  }
0xb8: {  	s17 =	sor.u32 $0x420, s9;
	v5 =	vsub.f32 v8, v5;
	[tilespmem:s25+$0x20] =	vst v0;
	v1 =	vld [tilespmem:s7+$0xC0]  }
0xb9: {  	s30 =	sor.u32 $0x460, s11;
	v0 =	vadd.f32 v6, v3;
	v3 =	vsub.f32 v3, v6;
	v6 =	vld [tilespmem:s12+$0xC0];
	[tilespmem:s17+$0x1B780] =	vst v9  }
0xba: {  	[tilespmem:s30+$0x1B780] =	vst v5;
	v8 =	vld [tilespmem:s7+$0xFFFFFFB0]  }
0xbb: {  	s24 =	sor.u32 $0x420, s8;
	[tilespmem:s22+$0x20] =	vst v0;
	v0 =	vadd.f32 v4, v62;
	v9 =	vld [tilespmem:s12+$0xFFFFFFB0]  }
0xbc: {  	v63 =	vld [tilespmem:s1+$0xFFFFFFF0];
	[tilespmem:s24+$0x1B780] =	vst v3;
	v3 =	vsub.f32 v62, v4  }
0xbd: {  	s13 =	sor.u32 $0x430, s20;
	v5 =	vadd.f32 v2, v10;
	v4 =	vld [tilespmem:s7+$0x30];
	[tilespmem:s19+$0x30] =	vst v0  }
0xbe: {  	v0 =	vld [tilespmem:s12+$0x30];
	[tilespmem:s13+$0x1B780] =	vst v3;
	v3 =	vadd.f32 v6, v1  }
0xbf: {  	[tilespmem:s21+$0x60] =	vst v5;
	v1 =	vsub.f32 v1, v6;
	v6 =	vld [tilespmem:s7+$0xFFFFFF40]  }
0xc0: {  	s15 =	sor.u32 $0x440, s6;
	v5 =	vld [tilespmem:s12+$0xFFFFFF40];
	[tilespmem:s0+$0x40] =	vst v3;
	v3 =	vadd.f32 v9, v8  }
0xc1: {  	v2 =	vsub.f32 v10, v2;
	v11 =	vld [tilespmem:s23+$0xFFFFFF70];
	[tilespmem:s15+$0x1B780] =	vst v1  }
0xc2: {  	s30 =	sor.u32 $0x460, s2;
	v8 =	vsub.f32 v8, v9;
	[tilespmem:s25+$0x30] =	vst v3;
	v3 =	vld [tilespmem:s7+$0xD0]  }
0xc3: {  	[tilespmem:s30+$0x1B780] =	vst v2;
	s17 =	sor.u32 $0x430, s9;
	v1 =	vadd.f32 v0, v4;
	v0 =	vsub.f32 v4, v0;
	v4 =	vld [tilespmem:s12+$0xD0]  }
0xc4: {  	v9 =	vld [tilespmem:s23+$0xFFFFFFF0];
	[tilespmem:s17+$0x1B780] =	vst v8  }
0xc5: {  	s24 =	sor.u32 $0x430, s8;
	v8 =	vld [tilespmem:s7+$0xFFFFFFC0];
	[tilespmem:s22+$0x30] =	vst v1;
	v1 =	vadd.f32 v5, v6  }
0xc6: {  	v10 =	vld [tilespmem:s12+$0xFFFFFFC0];
	[tilespmem:s24+$0x1B780] =	vst v0;
	v0 =	vsub.f32 v6, v5  }
0xc7: {  	v2 =	vadd.f32 v11, v7;
	s13 =	sor.u32 $0x440, s20;
	v6 =	vld [tilespmem:s7+$0x40];
	[tilespmem:s19+$0x40] =	vst v1  }
0xc8: {  	v13 =	vld [tilespmem:s12+$0x40];
	[tilespmem:s13+$0x1B780] =	vst v0;
	v0 =	vadd.f32 v4, v3  }
0xc9: {  	[tilespmem:s5+$0x70] =	vst v2;
	v1 =	vld [tilespmem:s1+$0x70];
	v3 =	vsub.f32 v3, v4  }
0xca: {  	s28 =	sor.u32 $0x470, s10;
	s15 =	sor.u32 $0x450, s6;
	v14 =	vld [tilespmem:s7+$0xFFFFFF50];
	[tilespmem:s0+$0x50] =	vst v0  }
0xcb: {  	s29 =	sor.u32 $0x470, s2;
	s10 =	sor.u32 $0x460, s8;
	s30 =	sor.u32 $0x450, s8;
	v15 =	vld [tilespmem:s12+$0xFFFFFF50];
	v0 =	vadd.f32 v10, v8;
	[tilespmem:s15+$0x1B780] =	vst v3  }
0xcc: {  	s4 =	sor.u32 $0x470, s11;
	s3 =	sor.u32 $0x450, s20;
	v4 =	vld [tilespmem:s23+$0x70];
	v2 =	vsub.f32 v8, v10;
	[dreg:$0x7] =	wrdreg s30  }
0xcd: {  	s11 =	sor.u32 $0x460, s9;
	s2 =	simm.s32 $0x18C80;
	s17 =	sor.u32 $0x440, s9;
	v8 =	vadd.f32 v13, v6;
	[tilespmem:s25+$0x40] =	vst v0;
	v5 =	vld [tilespmem:s7+$0xE0]  }
0xce: {  	s5 =	simm.s32 $0x4;
	s24 =	sor.u32 $0x440, s8;
	s23 =	sor.u32 $0x450, s9;
	v3 =	vadd.f32 v9, v63;
	v10 =	vsub.f32 v6, v13;
	v6 =	vld [tilespmem:s12+$0xE0];
	[tilespmem:s17+$0x1B780] =	vst v2  }
0xcf: {  	s13 =	sor.u32 $0x470, s8;
	s15 =	sor.u32 $0x470, s9;
	s9 =	sor.u32 $0x460, s20;
	v0 =	vsub.f32 v63, v9;
	v2 =	vsub.f32 v7, v11;
	[tilespmem:s22+$0x40] =	vst v8;
	v7 =	vld [tilespmem:s7+$0xFFFFFFD0]  }
0xd0: {  	s17 =	smov.u32 s22;
	v9 =	vsub.f32 v14, v15;
	[tilespmem:s24+$0x1B780] =	vst v10;
	s24 =	sor.u32 $0x470, s20;
	v10 =	vadd.f32 v15, v14;
	v8 =	vld [tilespmem:s12+$0xFFFFFFD0];
	s20 =	simm.s32 $0x1A280  }
.LBB2_3:
0xd1: {  	[smem:$0x7E9] =	sst s19  }
0xd2: {  	[smem:$0x7E8] =	sst s13  }
0xd3: {  	[smem:$0x7EA] =	sst s9  }
0xd4: {  	[dreg:$0x10] =	wrdreg s11  }
0xd5: {  	[dreg:$0x9] =	wrdreg s10;
	p2 =	por !p2, !p2;
	[tilespmem:s28+$0x1B780] =	vst v2  }
0xd6: {  	v11 =	vld [tilespmem:s2+$0x80];
	s12 =	sadd.s32 $0x200, s12;
	s1 =	smov.u32 s24;
	s22 =	sadd.s32 $0x2, s14;
	[tilespmem:s19+$0x50] =	vst v10  }
0xd7: {  	s26 =	sadd.s32 $0x4, s26;
	s18 =	sadd.s32 $0x400, s18;
	[tilespmem:s31+$0x70] =	vst v3;
	s24 =	sor.u32 $0x460, s6;
	v10 =	vld [tilespmem:s2+$0xFFFFFF00];
	v2 =	vadd.f32 v4, v1  }
0xd8: {  	s16 =	sadd.s32 $0x200, s16;
	s28 =	smov.u32 s25;
	[dreg:$0x8] =	wrdreg s1;
	[tilespmem:s3+$0x1B780] =	vst v9;
	v1 =	vsub.f32 v1, v4;
	v4 =	vld [tilespmem:s12+$0x80];
	v9 =	vadd.f32 v6, v5  }
0xd9: {  	s1 =	simm.s32 $0x1;
	s8 =	sand.u32 $0x3, s22;
	[dreg:$0x5] =	wrdreg s26;
	v3 =	vld [tilespmem:s2+$0xFFFFFF80];
	v5 =	vsub.f32 v5, v6  }
0xda: {  	s19 =	sand.u32 $0x7, s26;
	s26 =	sand.u32 $0x800, s18;
	s30 =	sadd.s32 $0x180, s16;
	v12 =	vld [tilespmem:s12+$0xFFFFFF00];
	v6 =	vadd.f32 v8, v7;
	[tilespmem:s0+$0x60] =	vst v9  }
0xdb: {  	s1 =	simm.s32 @!p2 $0x0;
	s14 =	sshll.u32 s8, $0x8;
	s8 =	sshll.u32 s19, $0x7;
	v7 =	vsub.f32 v7, v8;
	v8 =	vld [tilespmem:s12+$0xFFFFFF80];
	[tilespmem:s24+$0x1B780] =	vst v5  }
0xdc: {  	s9 =	sor.u32 $0x1B780, s26;
	s13 =	sand.u32 $0x380, s30;
	s1 =	sshll.u32 s1, $0x9;
	[tilespmem:s25+$0x50] =	vst v6;
	v6 =	vld [tilespmem:s7+$0xF0]  }
0xdd: {  	s8 =	sadd.s32 s18, s8;
	s3 =	sadd.s32 s18, s14;
	s13 =	sadd.s32 s13, s9;
	[tilespmem:s23+$0x1B780] =	vst v7;
	v5 =	vadd.f32 v4, v11;
	v7 =	vld [tilespmem:s20+$0xF0]  }
0xde: {  	s14 =	sadd.s32 $0x80, s16;
	s11 =	sadd.s32 $0x180, s8;
	s31 =	sadd.s32 $0x80, s8;
	[tilespmem:s4+$0x1B780] =	vst v0  }
0xdf: {  	s30 =	sadd.s32 $0x100, s3;
	s3 =	sand.u32 $0x200, s16;
	s8 =	sand.u32 $0x280, s14;
	v4 =	vsub.f32 v11, v4;
	v11 =	vld [tilespmem:s2+$0x0];
	[tilespmem:s13+$0x0] =	vst v5  }
0xe0: {  	s26 =	sor.u32 $0x400, s11;
	s14 =	sor.u32 $0x400, s31;
	s19 =	sadd.s32 s8, s9;
	v5 =	vld [tilespmem:s12+$0x0];
	[tilespmem:s21+$0x70] =	vst v2  }
0xe1: {  	s8 =	sor.u32 $0x410, s31;
	s25 =	smov.u32 s15;
	s15 =	sor.u32 $0x400, s30;
	v9 =	vadd.f32 v12, v10;
	[tilespmem:s26+$0x1B780] =	vst v4;
	v4 =	vadd.f32 v8, v3;
	v2 =	vld [tilespmem:s7+$0x50]  }
0xe2: {  	s23 =	sadd.s32 $0x100, s16;
	s24 =	sadd.s32 s1, s18;
	v3 =	vsub.f32 v3, v8;
	s26 =	sadd.s32 s3, s9;
	[tilespmem:s29+$0x1B780] =	vst v1;
	v8 =	vld [tilespmem:s2+$0x90];
	v59 =	vadd.f32 v7, v6  }
0xe3: {  	s1 =	sor.u32 $0x440, s31;
	v10 =	vsub.f32 v10, v12;
	s10 =	sand.u32 $0x300, s23;
	s23 =	sor.u32 $0x400, s24;
	v0 =	vld [tilespmem:s12+$0x90];
	[tilespmem:s26+$0x0] =	vst v9  }
0xe4: {  	[dreg:$0x15] =	wrdreg s1;
	s1 =	sor.u32 $0x450, s31;
	s3 =	sor.u32 $0x420, s31;
	v6 =	vsub.f32 v6, v7;
	v9 =	vld [tilespmem:s7+$0xFFFFFF60];
	[tilespmem:s0+$0x70] =	vst v59  }
0xe5: {  	[smem:$0x7EB] =	sst s3;
	v7 =	vadd.f32 v5, v11;
	v5 =	vsub.f32 v11, v5;
	s0 =	sor.u32 $0x470, s6;
	s6 =	sor.u32 $0x430, s30;
	v11 =	vld [tilespmem:s20+$0xFFFFFF60];
	[tilespmem:s23+$0x1B780] =	vst v10  }
0xe6: {  	s4 =	sadd.s32 s10, s9;
	s23 =	sor.u32 $0x430, s24;
	v10 =	vld [tilespmem:s7+$0xFFFFFFE0];
	[tilespmem:s19+$0x0] =	vst v4;
	[dreg:$0x1a] =	wrdreg s6  }
0xe7: {  	s10 =	sor.u32 $0x420, s30;
	v1 =	vld [tilespmem:s20+$0x50];
	[tilespmem:s0+$0x1B780] =	vst v6;
	[smem:$0x7EE] =	sst s23;
	s6 =	sor.u32 $0x440, s30  }
0xe8: {  	s3 =	sor.u32 $0x430, s31;
	v6 =	vadd.f32 v0, v8;
	[dreg:$0x12] =	wrdreg s6;
	s6 =	sor.u32 $0x460, s31;
	[tilespmem:s4+$0x0] =	vst v7  }
0xe9: {  	v60 =	vld [tilespmem:s2+$0xFFFFFF10];
	s23 =	sor.u32 $0x450, s30;
	s0 =	sor.u32 $0x410, s11;
	v0 =	vsub.f32 v8, v0;
	[smem:$0x7ED] =	sst s6;
	[tilespmem:s15+$0x1B780] =	vst v5  }
0xea: {  	v4 =	vld [tilespmem:s12+$0xFFFFFF10];
	s6 =	sor.u32 $0x460, s30;
	s15 =	smov.u32 s19;
	s19 =	sld [smem:$0x7E8];
	[tilespmem:s13+$0x10] =	vst v6  }
0xeb: {  	[smem:$0x7F0] =	sst s6;
	s6 =	smov.u32 s11;
	s11 =	smov.u32 s17;
	[tilespmem:s0+$0x1B780] =	vst v0;
	v0 =	vld [tilespmem:s20+$0xFFFFFFE0]  }
0xec: {  	v6 =	vadd.f32 v1, v2;
	v1 =	vsub.f32 v2, v1;
	s17 =	smov.u32 s23;
	[tilespmem:s14+$0x1B780] =	vst v3;
	s14 =	sor.u32 $0x470, s31;
	s31 =	smov.u32 s28;
	v2 =	vld [tilespmem:s2+$0xA0]  }
0xed: {  	s28 =	smov.u32 s4;
	s4 =	smov.u32 s25;
	s25 =	smov.u32 s15;
	v7 =	vld [tilespmem:s12+$0xA0]  }
0xee: {  	v3 =	vadd.f32 v11, v9;
	v8 =	vsub.f32 v9, v11;
	v9 =	vld [tilespmem:s2+$0xFFFFFF90];
	s15 =	smov.u32 s14;
	s14 =	smov.u32 s22;
	s22 =	rddreg [dreg:$0x7]  }
0xef: {  	s21 =	sor.u32 $0x410, s24;
	s9 =	sor.u32 $0x410, s30;
	v5 =	vadd.f32 v4, v60;
	v11 =	vld [tilespmem:s12+$0xFFFFFF90];
	[tilespmem:s11+$0x50] =	vst v6;
	[dreg:$0x7] =	wrdreg s17  }
0xf0: {  	s30 =	sor.u32 $0x470, s30;
	v4 =	vsub.f32 v60, v4;
	s17 =	smov.u32 s19;
	s19 =	sld [smem:$0x7E9];
	v6 =	vld [tilespmem:s2+$0x10];
	[tilespmem:s22+$0x1B780] =	vst v1  }
0xf1: {  	s0 =	smov.u32 s13;
	s13 =	smov.u32 s30;
	s30 =	sld [smem:$0x7EA];
	[tilespmem:s26+$0x10] =	vst v5  }
0xf2: {  	v1 =	vld [tilespmem:s12+$0x10];
	[tilespmem:s21+$0x1B780] =	vst v4;
	v61 =	vadd.f32 v0, v10  }
0xf3: {  	v0 =	vsub.f32 v10, v0;
	v10 =	vld [tilespmem:s2+$0xFFFFFF20];
	[tilespmem:s19+$0x60] =	vst v3;
	v4 =	vadd.f32 v7, v2  }
0xf4: {  	v2 =	vsub.f32 v2, v7;
	v3 =	vld [tilespmem:s12+$0xFFFFFF20];
	[tilespmem:s30+$0x1B780] =	vst v8  }
0xf5: {  	s22 =	sor.u32 $0x420, s6;
	v5 =	vld [tilespmem:s7+$0x60];
	v7 =	vadd.f32 v11, v9;
	[tilespmem:s0+$0x20] =	vst v4  }
0xf6: {  	v9 =	vsub.f32 v9, v11;
	[tilespmem:s22+$0x1B780] =	vst v2;
	v2 =	vld [tilespmem:s20+$0x60]  }
0xf7: {  	[tilespmem:s25+$0x10] =	vst v7;
	v4 =	vadd.f32 v1, v6;
	v1 =	vsub.f32 v6, v1;
	v6 =	vld [tilespmem:s2+$0xB0]  }
0xf8: {  	[tilespmem:s8+$0x1B780] =	vst v9;
	v7 =	vld [tilespmem:s12+$0xB0]  }
0xf9: {  	v9 =	vld [tilespmem:s2+$0xFFFFFFA0];
	[tilespmem:s28+$0x10] =	vst v4;
	v4 =	vadd.f32 v3, v10  }
0xfa: {  	v3 =	vsub.f32 v10, v3;
	v10 =	vld [tilespmem:s12+$0xFFFFFFA0];
	[tilespmem:s9+$0x1B780] =	vst v1  }
0xfb: {  	[smem:$0x7EC] =	sst s10;
	s10 =	sor.u32 $0x420, s24;
	v1 =	vld [tilespmem:s2+$0x20];
	[tilespmem:s26+$0x20] =	vst v4  }
0xfc: {  	v8 =	vadd.f32 v2, v5;
	v5 =	vsub.f32 v5, v2;
	v2 =	vld [tilespmem:s12+$0x20];
	[tilespmem:s10+$0x1B780] =	vst v3  }
0xfd: {  	v3 =	vadd.f32 v7, v6;
	v4 =	vld [tilespmem:s7+$0xFFFFFF70]  }
0xfe: {  	[tilespmem:s31+$0x60] =	vst v61;
	v11 =	vld [tilespmem:s2+$0xFFFFFF30];
	v6 =	vsub.f32 v6, v7  }
0xff: {  	s23 =	smov.u32 s1;
	s1 =	sor.u32 $0x430, s6;
	s10 =	sld [smem:$0x7EB];
	v7 =	vld [tilespmem:s12+$0xFFFFFF30];
	v62 =	vadd.f32 v10, v9;
	[tilespmem:s0+$0x30] =	vst v3  }
0x100: {  	v9 =	vsub.f32 v9, v10;
	v3 =	vld [tilespmem:s20+$0xFFFFFF70];
	[tilespmem:s1+$0x1B780] =	vst v6  }
0x101: {  	s21 =	smov.u32 s11;
	s11 =	sld [smem:$0x7EC];
	[tilespmem:s25+$0x20] =	vst v62;
	v6 =	vadd.f32 v2, v1;
	v10 =	vld [tilespmem:s2+$0xC0]  }
0x102: {  	v1 =	vsub.f32 v1, v2;
	[tilespmem:s10+$0x1B780] =	vst v9;
	v9 =	vld [tilespmem:s12+$0xC0]  }
0x103: {  	s29 =	sor.u32 $0x460, s24;
	s30 =	sld [smem:$0x7EE];
	v12 =	vld [tilespmem:s2+$0xFFFFFFB0];
	[tilespmem:s28+$0x20] =	vst v6  }
0x104: {  	s9 =	smov.u32 s29;
	s29 =	smov.u32 s17;
	s17 =	rddreg [dreg:$0x10];
	v6 =	vadd.f32 v7, v11;
	v7 =	vsub.f32 v11, v7;
	v11 =	vld [tilespmem:s12+$0xFFFFFFB0];
	[tilespmem:s11+$0x1B780] =	vst v1  }
0x105: {  	[tilespmem:s17+$0x1B780] =	vst v0;
	v1 =	vld [tilespmem:s2+$0x30]  }
0x106: {  	v13 =	vadd.f32 v3, v4;
	[tilespmem:s26+$0x30] =	vst v6;
	v0 =	vld [tilespmem:s12+$0x30]  }
0x107: {  	v2 =	vsub.f32 v4, v3;
	v4 =	vld [tilespmem:s7+$0xFFFFFFF0];
	[tilespmem:s30+$0x1B780] =	vst v7;
	v3 =	vadd.f32 v9, v10  }
0x108: {  	[smem:$0x7EF] =	sst s3;
	[tilespmem:s21+$0x60] =	vst v8;
	v7 =	vsub.f32 v10, v9;
	v6 =	vld [tilespmem:s2+$0xFFFFFF40]  }
0x109: {  	s8 =	sor.u32 $0x440, s6;
	s10 =	sld [smem:$0x7EF];
	v8 =	vld [tilespmem:s12+$0xFFFFFF40];
	v9 =	vadd.f32 v11, v12;
	[tilespmem:s0+$0x40] =	vst v3  }
0x10a: {  	v10 =	vsub.f32 v12, v11;
	[tilespmem:s8+$0x1B780] =	vst v7;
	v7 =	vld [tilespmem:s20+$0xFFFFFFF0]  }
0x10b: {  	s22 =	sld [smem:$0x7ED];
	[tilespmem:s25+$0x30] =	vst v9;
	v3 =	vadd.f32 v0, v1;
	v9 =	vld [tilespmem:s2+$0xD0]  }
0x10c: {  	v0 =	vsub.f32 v1, v0;
	[tilespmem:s10+$0x1B780] =	vst v10;
	v10 =	vld [tilespmem:s12+$0xD0]  }
0x10d: {  	s17 =	rddreg [dreg:$0x1a];
	v11 =	vld [tilespmem:s2+$0xFFFFFFC0];
	[tilespmem:s28+$0x30] =	vst v3  }
0x10e: {  	s3 =	sor.u32 $0x440, s24;
	s11 =	smov.u32 s22;
	s22 =	rddreg [dreg:$0x9];
	v1 =	vadd.f32 v8, v6;
	v6 =	vsub.f32 v6, v8;
	v8 =	vld [tilespmem:s12+$0xFFFFFFC0];
	[tilespmem:s17+$0x1B780] =	vst v0  }
0x10f: {  	[dreg:$0x1d] =	wrdreg s3;
	v63 =	vld [tilespmem:s2+$0x40];
	[tilespmem:s22+$0x1B780] =	vst v5  }
0x110: {  	s8 =	rddreg [dreg:$0x1d];
	v3 =	vadd.f32 v7, v4;
	[tilespmem:s26+$0x40] =	vst v1;
	v5 =	vld [tilespmem:s12+$0x40]  }
0x111: {  	v0 =	vsub.f32 v4, v7;
	[tilespmem:s8+$0x1B780] =	vst v6;
	v1 =	vld [tilespmem:s7+$0x70];
	v4 =	vadd.f32 v10, v9  }
0x112: {  	s5 =	sadd.s32 $0x4, s5;
	v14 =	vld [tilespmem:s2+$0xFFFFFF50];
	v6 =	vsub.f32 v9, v10;
	[tilespmem:s19+$0x70] =	vst v13  }
0x113: {  	p3 =	slt.u32 s5, $0xC;
	s30 =	sld [smem:$0x7F0];
	s17 =	sor.u32 $0x450, s6;
	v9 =	vld [tilespmem:s12+$0xFFFFFF50];
	v7 =	vadd.f32 v8, v11;
	[tilespmem:s0+$0x50] =	vst v4  }
.Ltmp2:
0x114: {  	v8 =	vsub.f32 v11, v8;
	v4 =	vld [tilespmem:s20+$0x70];
	[tilespmem:s17+$0x1B780] =	vst v6;
	(pc) =	sbr.rel @p3 .LBB2_3-.Ltmp2, $4  }
0x115: {  	s3 =	sor.u32 $0x450, s24;
	s24 =	sor.u32 $0x470, s24;
	s22 =	rddreg [dreg:$0x15];
	[tilespmem:s25+$0x40] =	vst v7;
	v10 =	vadd.f32 v5, v63;
	v11 =	vsub.f32 v63, v5;
	v5 =	vld [tilespmem:s2+$0xE0]  }
0x116: {  	s10 =	smov.u32 s30;
	s30 =	rddreg [dreg:$0x12];
	s7 =	smov.u32 s2;
	[tilespmem:s22+$0x1B780] =	vst v8;
	v6 =	vld [tilespmem:s12+$0xE0]  }
0x117: {  	s19 =	smov.u32 s26;
	s26 =	rddreg [dreg:$0x5];
	s20 =	smov.u32 s12;
	v7 =	vld [tilespmem:s2+$0xFFFFFFD0];
	[tilespmem:s28+$0x40] =	vst v10  }
0x118: {  	s17 =	smov.u32 s28;
	v8 =	vld [tilespmem:s12+$0xFFFFFFD0];
	s2 =	sadd.s32 $0x200, s2;
	s28 =	rddreg [dreg:$0x8];
	v10 =	vadd.f32 v9, v14;
	v9 =	vsub.f32 v14, v9;
	[tilespmem:s30+$0x1B780] =	vst v11  }
0x119: {  	v11 =	vld [tilespmem:s7+$0x50]  }
0x11a: {  	v12 =	vld [tilespmem:s20+$0x50];
	_ =	sdelay $0x1  }
0x11b: {  	[tilespmem:s28+$0x1B780] =	vst v2  }
0x11c: {  	[tilespmem:s19+$0x50] =	vst v10;
	v32 =	vadd.f32 v8, v7  }
0x11d: {  	[tilespmem:s3+$0x1B780] =	vst v9;
	v33 =	vsub.f32 v7, v8  }
0x11e: {  	v34 =	vld [tilespmem:s7+$0xFFFFFF60];
	v35 =	vadd.f32 v12, v11;
	[tilespmem:s25+$0x50] =	vst v32  }
0x11f: {  	v36 =	vld [tilespmem:s20+$0xFFFFFF60];
	[tilespmem:s23+$0x1B780] =	vst v33  }
0x120: {  	v37 =	vsub.f32 v11, v12;
	[tilespmem:s17+$0x50] =	vst v35;
	v38 =	vld [tilespmem:s7+$0xFFFFFFE0]  }
0x121: {  	v39 =	vadd.f32 v6, v5;
	s1 =	rddreg [dreg:$0x7];
	v40 =	vld [tilespmem:s20+$0xFFFFFFE0];
	[tilespmem:s31+$0x70] =	vst v3  }
0x122: {  	v41 =	vsub.f32 v5, v6;
	[tilespmem:s1+$0x1B780] =	vst v37  }
0x123: {  	s28 =	sor.u32 $0x460, s6;
	v53 =	vadd.f32 v4, v1;
	[tilespmem:s0+$0x60] =	vst v39;
	v42 =	vld [tilespmem:s7+$0x60]  }
0x124: {  	v44 =	vadd.f32 v36, v34;
	[tilespmem:s28+$0x1B780] =	vst v41;
	v43 =	vld [tilespmem:s20+$0x60]  }
0x125: {  	v45 =	vsub.f32 v34, v36;
	[tilespmem:s21+$0x70] =	vst v53;
	v46 =	vld [tilespmem:s7+$0xF0]  }
0x126: {  	[tilespmem:s19+$0x60] =	vst v44;
	v48 =	vld [tilespmem:s20+$0xF0];
	v47 =	vadd.f32 v40, v38  }
0x127: {  	[tilespmem:s9+$0x1B780] =	vst v45;
	v49 =	vsub.f32 v38, v40  }
0x128: {  	v51 =	vld [tilespmem:s7+$0xFFFFFF70];
	[tilespmem:s25+$0x60] =	vst v47  }
0x129: {  	v54 =	vsub.f32 v1, v4;
	v52 =	vld [tilespmem:s20+$0xFFFFFF70];
	[tilespmem:s11+$0x1B780] =	vst v49  }
0x12a: {  	[tilespmem:s4+$0x1B780] =	vst v0;
	v50 =	vadd.f32 v43, v42;
	v8 =	vld [tilespmem:s7+$0xFFFFFFF0]  }
0x12b: {  	[tilespmem:s29+$0x1B780] =	vst v54;
	v56 =	vadd.f32 v48, v46;
	v55 =	vld [tilespmem:s20+$0xFFFFFFF0]  }
0x12c: {  	v3 =	vsub.f32 v42, v43;
	[tilespmem:s17+$0x60] =	vst v50  }
0x12d: {  	v58 =	vsub.f32 v46, v48;
	[tilespmem:s0+$0x70] =	vst v56  }
0x12e: {  	s29 =	sor.u32 $0x470, s6;
	v60 =	vadd.f32 v52, v51;
	[tilespmem:s10+$0x1B780] =	vst v3  }
0x12f: {  	v61 =	vsub.f32 v51, v52;
	[tilespmem:s29+$0x1B780] =	vst v58  }
0x130: {  	v57 =	vld [tilespmem:s7+$0x70];
	[tilespmem:s19+$0x70] =	vst v60;
	v62 =	vadd.f32 v55, v8  }
0x131: {  	v59 =	vld [tilespmem:s20+$0x70];
	[tilespmem:s24+$0x1B780] =	vst v61;
	v1 =	vsub.f32 v8, v55  }
0x132: {  	s3 =	sld [smem:$0x7F1];
	[tilespmem:s25+$0x70] =	vst v62  }
0x133: {  	[tilespmem:s15+$0x1B780] =	vst v1  }
0x134: {  	s0 =	sld [smem:$0x7F3]  }
0x135: {  	s4 =	smul.u32 $0x30, s3;
	p2 =	seq.s32 s3, $0xD0  }
.Ltmp3:
0x136: {  	v63 =	vadd.f32 v59, v57;
	(pc) =	sbr.rel @p2 .LBB2_10-.Ltmp3, $4  }
0x137: {  	v2 =	vsub.f32 v57, v59;
	s0 =	sadd.s32 s0, s4  }
0x138: {  	s30 =	rddreg [dreg:$0x2];
	[tilespmem:s17+$0x70] =	vst v63;
	s0 =	sshll.u32 s0, $0x5  }
0x139: {  	s2 =	simm.s32 $0x1B780;
	s31 =	simm.s32 $0x0;
	[tilespmem:s13+$0x1B780] =	vst v2;
	s0 =	sadd.s32 s30, s0  }
0x13a: {  	[hbm4b:s0+s31] =	stream.linear.scatter [tilespmem:s2], [sflag:$0x4], $0x1000, $0x38;
	[tilespmem:$0x1E780] =	vst v63  }
0x13b: {  	s0 =	sadd.s32 $0x138B0, s4;
	s1 =	rddreg [dreg:$0x3]  }
0x13c: {  	s2 =	simm.s32 $0x10;
	s3 =	simm.s32 $0x18780;
	[smem:$0x7E7] =	sst s4  }
0x13d: {  	[tilespmem:s3], [sflag:$0x1] =	stream.indirect.gather [spmem:s1], $0x80, s0, s2, $0xb8;
	[tilespmem:$0x1E780] =	vst v63  }
0x13e: {  	s6 =	sadd.s32 $0x16030, s4;
	s7 =	simm.s32 $0x19F80;
	s8 =	simm.s32 $0x2  }
0x13f: {  	[tilespmem:s7], [sflag:$0x1] =	stream.indirect.gather [spmem:s1], $0x80, s6, s2, $0xb8;
	[tilespmem:$0x1E780] =	vst v63  }
0x140: {  	_ =	swait.ge [sflag:s8], $0x800  }
0x141: {  	[sflag:s8] =	ssyncset.done $0x0  }
0x142: {  	[sflag:s8] =	ssyncadd.s32 $0xFFFFF800  }
0x143: {  	_ =	swait.ge [sflag:s8], $0x800  }
0x144: {  	[sflag:s8] =	ssyncset.done $0x0  }
0x145: {  	s0 =	simm.s32 @!p1 $0x5;
	[sflag:s8] =	ssyncadd.s32 $0xFFFFF800  }
0x146: {  	_ =	swait.ge @!p1 [sflag:s0], $0x1000  }
0x147: {  	[sflag:s0] =	ssyncset.done @!p1 $0x0  }
0x148: {  	s1 =	simm.s32 $0x19080;
	[sflag:s0] =	ssyncadd.s32 @!p1 $0xFFFFF000  }
0x149: {  	s25 =	simm.s32 $0x1A880;
	v0 =	vld [tilespmem:s1+$0x80]  }
0x14a: {  	v1 =	vld [tilespmem:s25+$0x80];
	_ =	sdelay $0x1  }
0x14b: {  	s9 =	simm.s32 $0x0  }
0x14c: {  	s12 =	sand.u32 $0x7, s9  }
0x14d: {  	s14 =	simm.s32 $0x180;
	s13 =	sand.u32 $0x800, s9;
	s2 =	sshll.u32 s12, $0x7  }
0x14e: {  	s15 =	sand.u32 $0x380, s14;
	s6 =	sor.u32 $0x1C780, s13;
	s2 =	sadd.s32 $0x0, s2;
	v2 =	vadd.f32 v1, v0  }
0x14f: {  	s3 =	sadd.s32 s15, s6;
	s4 =	sadd.s32 $0x180, s2;
	v0 =	vsub.f32 v0, v1  }
0x150: {  	s5 =	sor.u32 $0x400, s4;
	v1 =	vld [tilespmem:s1+$0xFFFFFF00];
	[tilespmem:s3+$0x0] =	vst v2  }
0x151: {  	v2 =	vld [tilespmem:s25+$0xFFFFFF00];
	[tilespmem:s5+$0x1C780] =	vst v0  }
0x152: {  	v0 =	vld [tilespmem:s1+$0x90]  }
0x153: {  	v3 =	vld [tilespmem:s25+$0x90]  }
0x154: {  	p2 =	por $0x0, $0x0;
	s5 =	simm.s32 $0x1  }
0x155: {  	v4 =	vld [tilespmem:s1+$0xFFFFFF80];
	s5 =	simm.s32 @!p2 $0x0  }
0x156: {  	s7 =	sand.u32 $0x200, s9;
	v5 =	vld [tilespmem:s25+$0xFFFFFF80];
	s5 =	sshll.u32 s5, $0x9;
	v6 =	vadd.f32 v2, v1  }
0x157: {  	s10 =	sadd.s32 $0x0, s5;
	s5 =	sadd.s32 s7, s6;
	v1 =	vsub.f32 v1, v2  }
0x158: {  	v7 =	vld [tilespmem:s25+$0x0];
	s16 =	sor.u32 $0x400, s10;
	[tilespmem:s5+$0x0] =	vst v6;
	v6 =	vadd.f32 v3, v0  }
0x159: {  	v2 =	vld [tilespmem:s1+$0x0];
	v0 =	vsub.f32 v0, v3;
	[tilespmem:s16+$0x1C780] =	vst v1  }
0x15a: {  	s18 =	sor.u32 $0x410, s4;
	s8 =	simm.s32 $0x80;
	v3 =	vld [tilespmem:s1+$0xFFFFFF10];
	[tilespmem:s3+$0x10] =	vst v6  }
0x15b: {  	s17 =	sand.u32 $0x280, s8;
	v1 =	vadd.f32 v5, v4;
	v4 =	vsub.f32 v4, v5;
	v5 =	vld [tilespmem:s25+$0xFFFFFF10];
	[tilespmem:s18+$0x1C780] =	vst v0  }
0x15c: {  	s11 =	sadd.s32 $0x80, s2;
	s20 =	sadd.s32 s17, s6;
	s0 =	sand.u32 $0x3, s9;
	v0 =	vld [tilespmem:s1+$0xA0]  }
0x15d: {  	s19 =	simm.s32 $0x100;
	s2 =	sor.u32 $0x400, s11;
	s0 =	sshll.u32 s0, $0x8;
	[tilespmem:s20+$0x0] =	vst v1;
	v1 =	vld [tilespmem:s25+$0xA0]  }
0x15e: {  	s0 =	sadd.s32 $0x0, s0;
	s7 =	sand.u32 $0x300, s19;
	[tilespmem:s2+$0x1C780] =	vst v4;
	v4 =	vadd.f32 v7, v2  }
0x15f: {  	s24 =	sadd.s32 s7, s6;
	s2 =	sadd.s32 $0x100, s0;
	v2 =	vsub.f32 v2, v7;
	v6 =	vld [tilespmem:s1+$0xFFFFFF90]  }
0x160: {  	v7 =	vld [tilespmem:s25+$0xFFFFFF90];
	s0 =	sor.u32 $0x400, s2;
	[tilespmem:s24+$0x0] =	vst v4;
	v4 =	vadd.f32 v5, v3  }
0x161: {  	[tilespmem:s0+$0x1C780] =	vst v2;
	v2 =	vsub.f32 v3, v5  }
0x162: {  	s21 =	sor.u32 $0x410, s10;
	v3 =	vld [tilespmem:s1+$0x10];
	[tilespmem:s5+$0x10] =	vst v4;
	v4 =	vadd.f32 v1, v0  }
0x163: {  	v5 =	vld [tilespmem:s25+$0x10];
	v0 =	vsub.f32 v0, v1;
	[tilespmem:s21+$0x1C780] =	vst v2  }
0x164: {  	s22 =	sor.u32 $0x420, s4;
	v1 =	vld [tilespmem:s1+$0xFFFFFF20];
	[tilespmem:s3+$0x20] =	vst v4  }
0x165: {  	v2 =	vadd.f32 v7, v6;
	v4 =	vld [tilespmem:s25+$0xFFFFFF20];
	[tilespmem:s22+$0x1C780] =	vst v0  }
0x166: {  	v6 =	vsub.f32 v6, v7;
	v0 =	vld [tilespmem:s1+$0xB0]  }
0x167: {  	s23 =	sor.u32 $0x410, s11;
	[tilespmem:s20+$0x10] =	vst v2;
	v2 =	vld [tilespmem:s25+$0xB0]  }
0x168: {  	[tilespmem:s23+$0x1C780] =	vst v6;
	v6 =	vadd.f32 v5, v3  }
0x169: {  	v3 =	vsub.f32 v3, v5;
	v7 =	vld [tilespmem:s1+$0xFFFFFFA0]  }
0x16a: {  	s26 =	sor.u32 $0x410, s2;
	v5 =	vld [tilespmem:s25+$0xFFFFFFA0];
	[tilespmem:s24+$0x10] =	vst v6;
	v6 =	vadd.f32 v4, v1  }
0x16b: {  	v1 =	vsub.f32 v1, v4;
	[tilespmem:s26+$0x1C780] =	vst v3  }
0x16c: {  	s30 =	sor.u32 $0x420, s10;
	v3 =	vld [tilespmem:s1+$0x20];
	[tilespmem:s5+$0x20] =	vst v6;
	v4 =	vadd.f32 v2, v0  }
0x16d: {  	v6 =	vld [tilespmem:s25+$0x20];
	v0 =	vsub.f32 v0, v2;
	[tilespmem:s30+$0x1C780] =	vst v1  }
0x16e: {  	s6 =	sor.u32 $0x430, s4;
	v1 =	vld [tilespmem:s1+$0xFFFFFF30];
	[tilespmem:s3+$0x30] =	vst v4  }
0x16f: {  	v2 =	vadd.f32 v5, v7;
	v4 =	vld [tilespmem:s25+$0xFFFFFF30];
	[tilespmem:s6+$0x1C780] =	vst v0  }
0x170: {  	v5 =	vsub.f32 v7, v5;
	v0 =	vld [tilespmem:s1+$0xC0]  }
0x171: {  	s7 =	sor.u32 $0x420, s11;
	[tilespmem:s20+$0x20] =	vst v2;
	v2 =	vld [tilespmem:s25+$0xC0]  }
0x172: {  	[tilespmem:s7+$0x1C780] =	vst v5;
	v5 =	vadd.f32 v6, v3  }
0x173: {  	v7 =	vld [tilespmem:s1+$0xFFFFFFB0];
	v3 =	vsub.f32 v3, v6  }
0x174: {  	s8 =	sor.u32 $0x420, s2;
	v6 =	vld [tilespmem:s25+$0xFFFFFFB0];
	[tilespmem:s24+$0x20] =	vst v5;
	v5 =	vadd.f32 v4, v1  }
0x175: {  	v1 =	vsub.f32 v1, v4;
	[tilespmem:s8+$0x1C780] =	vst v3  }
0x176: {  	s9 =	sor.u32 $0x430, s10;
	v3 =	vld [tilespmem:s1+$0x30];
	[tilespmem:s5+$0x30] =	vst v5;
	v4 =	vadd.f32 v2, v0  }
0x177: {  	v5 =	vld [tilespmem:s25+$0x30];
	v0 =	vsub.f32 v0, v2;
	[tilespmem:s9+$0x1C780] =	vst v1  }
0x178: {  	s12 =	sor.u32 $0x440, s4;
	v1 =	vld [tilespmem:s1+$0xFFFFFF40];
	[tilespmem:s3+$0x40] =	vst v4  }
0x179: {  	v2 =	vadd.f32 v6, v7;
	v4 =	vld [tilespmem:s25+$0xFFFFFF40];
	[tilespmem:s12+$0x1C780] =	vst v0  }
0x17a: {  	v6 =	vsub.f32 v7, v6;
	v0 =	vld [tilespmem:s1+$0xD0]  }
0x17b: {  	s13 =	sor.u32 $0x430, s11;
	[tilespmem:s20+$0x30] =	vst v2;
	v2 =	vld [tilespmem:s25+$0xD0]  }
0x17c: {  	[tilespmem:s13+$0x1C780] =	vst v6  }
0x17d: {  	v6 =	vadd.f32 v5, v3;
	v7 =	vld [tilespmem:s1+$0xFFFFFFC0]  }
0x17e: {  	v3 =	vsub.f32 v3, v5;
	v5 =	vld [tilespmem:s25+$0xFFFFFFC0]  }
0x17f: {  	s14 =	sor.u32 $0x430, s2;
	[tilespmem:s24+$0x30] =	vst v6;
	v6 =	vadd.f32 v4, v1  }
0x180: {  	s7 =	simm.s32 $0x19280;
	v1 =	vsub.f32 v1, v4;
	[tilespmem:s14+$0x1C780] =	vst v3;
	v4 =	vadd.f32 v2, v0  }
0x181: {  	v8 =	vld [tilespmem:s7+$0x80];
	[tilespmem:s5+$0x40] =	vst v6;
	v0 =	vsub.f32 v0, v2  }
0x182: {  	s16 =	sor.u32 $0x450, s4;
	v3 =	vld [tilespmem:s1+$0x40];
	[tilespmem:s3+$0x50] =	vst v4  }
0x183: {  	v6 =	vld [tilespmem:s25+$0x40];
	v2 =	vadd.f32 v5, v7;
	[tilespmem:s16+$0x1C780] =	vst v0  }
0x184: {  	v0 =	vld [tilespmem:s1+$0xE0]  }
0x185: {  	s15 =	sor.u32 $0x440, s10;
	[tilespmem:s20+$0x40] =	vst v2;
	v2 =	vld [tilespmem:s25+$0xE0]  }
0x186: {  	v11 =	vld [tilespmem:s7+$0xFFFFFF00];
	[tilespmem:s15+$0x1C780] =	vst v1  }
0x187: {  	v1 =	vld [tilespmem:s1+$0xFFFFFF50]  }
0x188: {  	s12 =	simm.s32 $0x1AA80;
	v5 =	vsub.f32 v7, v5;
	v4 =	vld [tilespmem:s25+$0xFFFFFF50]  }
0x189: {  	s17 =	sor.u32 $0x440, s11;
	v10 =	vld [tilespmem:s12+$0x80];
	v9 =	vadd.f32 v6, v3  }
0x18a: {  	v59 =	vld [tilespmem:s12+$0xFFFFFF80];
	[tilespmem:s17+$0x1C780] =	vst v5;
	v12 =	vadd.f32 v2, v0  }
0x18b: {  	s18 =	sor.u32 $0x440, s2;
	s21 =	simm.s32 $0x4;
	v5 =	vld [tilespmem:s1+$0xFFFFFFD0];
	[tilespmem:s24+$0x40] =	vst v9;
	v0 =	vsub.f32 v0, v2  }
0x18c: {  	s19 =	sand.u32 $0x7, s21;
	s6 =	simm.s32 $0x400;
	s9 =	sor.u32 $0x460, s4;
	v7 =	vld [tilespmem:s25+$0xFFFFFFD0];
	v2 =	vsub.f32 v3, v6;
	[tilespmem:s3+$0x60] =	vst v12  }
0x18d: {  	s8 =	sshll.u32 s19, $0x7;
	s13 =	sand.u32 $0x800, s6;
	s14 =	simm.s32 $0x380;
	v9 =	vld [tilespmem:s12+$0xFFFFFF00];
	v6 =	vadd.f32 v4, v1;
	[tilespmem:s9+$0x1C780] =	vst v0  }
0x18e: {  	s8 =	sadd.s32 $0x400, s8;
	s13 =	sor.u32 $0x1C780, s13;
	s22 =	sand.u32 $0x380, s14;
	[tilespmem:s18+$0x1C780] =	vst v2;
	v0 =	vadd.f32 v10, v8;
	v2 =	vld [tilespmem:s1+$0xF0]  }
0x18f: {  	s0 =	sadd.s32 s22, s13;
	s22 =	sadd.s32 $0x180, s8;
	[tilespmem:s5+$0x50] =	vst v6;
	v6 =	vsub.f32 v8, v10;
	v8 =	vld [tilespmem:s25+$0xF0]  }
0x190: {  	s23 =	sor.u32 $0x400, s22;
	v3 =	vld [tilespmem:s7+$0xFFFFFF80];
	v1 =	vsub.f32 v1, v4;
	[tilespmem:s0+$0x0] =	vst v0  }
0x191: {  	s26 =	sor.u32 $0x450, s10;
	v4 =	vld [tilespmem:s7+$0x0];
	v0 =	vadd.f32 v7, v5;
	[tilespmem:s23+$0x1C780] =	vst v6  }
0x192: {  	p2 =	por !p2, !p2;
	s14 =	simm.s32 $0x1;
	s16 =	simm.s32 $0x200;
	[tilespmem:s26+$0x1C780] =	vst v1;
	v1 =	vsub.f32 v5, v7;
	v5 =	vld [tilespmem:s7+$0x90]  }
0x193: {  	s30 =	sor.u32 $0x450, s11;
	s14 =	simm.s32 @!p2 $0x0;
	s15 =	sand.u32 $0x200, s16;
	[tilespmem:s20+$0x50] =	vst v0;
	v0 =	vadd.f32 v9, v11;
	v6 =	vld [tilespmem:s12+$0x90]  }
0x194: {  	s17 =	sshll.u32 s14, $0x9;
	s19 =	sadd.s32 s15, s13;
	v10 =	vld [tilespmem:s12+$0x0];
	[tilespmem:s30+$0x1C780] =	vst v1;
	v7 =	vadd.f32 v8, v2  }
0x195: {  	s9 =	sadd.s32 $0x400, s17;
	v1 =	vld [tilespmem:s1+$0x50];
	[tilespmem:s19+$0x0] =	vst v0;
	v2 =	vsub.f32 v2, v8;
	v8 =	vsub.f32 v11, v9  }
0x196: {  	s18 =	simm.s32 $0x280;
	s30 =	sor.u32 $0x400, s9;
	v0 =	vld [tilespmem:s25+$0x50];
	[tilespmem:s3+$0x70] =	vst v7  }
0x197: {  	s26 =	sand.u32 $0x280, s18;
	s23 =	sor.u32 $0x470, s4;
	v9 =	vld [tilespmem:s1+$0xFFFFFF60];
	v7 =	vadd.f32 v59, v3;
	[tilespmem:s30+$0x1C780] =	vst v8  }
0x198: {  	s28 =	sadd.s32 s26, s13;
	v11 =	vld [tilespmem:s25+$0xFFFFFF60];
	[tilespmem:s23+$0x1C780] =	vst v2;
	v2 =	vadd.f32 v6, v5  }
0x199: {  	s8 =	sadd.s32 $0x80, s8;
	s14 =	simm.s32 $0x2;
	s18 =	simm.s32 $0x300;
	v5 =	vsub.f32 v5, v6;
	v6 =	vld [tilespmem:s12+$0xFFFFFF10];
	[tilespmem:s28+$0x0] =	vst v7  }
0x19a: {  	s17 =	sand.u32 $0x3, s14;
	s4 =	sand.u32 $0x300, s18;
	v3 =	vsub.f32 v3, v59;
	s23 =	sor.u32 $0x410, s22;
	v7 =	vld [tilespmem:s7+$0xFFFFFF10];
	[tilespmem:s0+$0x10] =	vst v2  }
0x19b: {  	s26 =	sadd.s32 s4, s13;
	v8 =	vld [tilespmem:s1+$0xFFFFFFE0];
	s3 =	sshll.u32 s17, $0x8;
	s17 =	sor.u32 $0x400, s8;
	v2 =	vadd.f32 v10, v4;
	[tilespmem:s23+$0x1C780] =	vst v5  }
0x19c: {  	s3 =	sadd.s32 $0x400, s3;
	v4 =	vsub.f32 v4, v10;
	[tilespmem:s17+$0x1C780] =	vst v3;
	s17 =	smov.u32 s26;
	v10 =	vadd.f32 v0, v1;
	v3 =	vld [tilespmem:s7+$0xA0]  }
0x19d: {  	s15 =	sadd.s32 $0x100, s3;
	[tilespmem:s17+$0x0] =	vst v2;
	v2 =	vld [tilespmem:s12+$0xA0]  }
0x19e: {  	s30 =	sor.u32 $0x400, s15;
	v0 =	vsub.f32 v1, v0;
	v1 =	vld [tilespmem:s7+$0xFFFFFF90];
	[tilespmem:s24+$0x50] =	vst v10  }
0x19f: {  	s4 =	sor.u32 $0x450, s2;
	v60 =	vld [tilespmem:s12+$0xFFFFFF90];
	[tilespmem:s30+$0x1C780] =	vst v4;
	v4 =	vadd.f32 v6, v7  }
0x1a0: {  	[tilespmem:s4+$0x1C780] =	vst v0;
	v6 =	vsub.f32 v7, v6;
	v7 =	vld [tilespmem:s7+$0x10]  }
0x1a1: {  	s13 =	sor.u32 $0x410, s9;
	v0 =	vadd.f32 v11, v9;
	[tilespmem:s19+$0x10] =	vst v4;
	v4 =	vld [tilespmem:s12+$0x10]  }
0x1a2: {  	v5 =	vld [tilespmem:s25+$0xFFFFFFE0];
	[tilespmem:s13+$0x1C780] =	vst v6;
	v6 =	vadd.f32 v2, v3  }
0x1a3: {  	[tilespmem:s5+$0x60] =	vst v0;
	v2 =	vsub.f32 v3, v2;
	v3 =	vld [tilespmem:s7+$0xFFFFFF20]  }
0x1a4: {  	s18 =	sor.u32 $0x420, s22;
	v0 =	vld [tilespmem:s12+$0xFFFFFF20];
	[tilespmem:s0+$0x20] =	vst v6;
	v6 =	vadd.f32 v60, v1  }
0x1a5: {  	v10 =	vld [tilespmem:s1+$0x60];
	v1 =	vsub.f32 v1, v60;
	[tilespmem:s18+$0x1C780] =	vst v2  }
0x1a6: {  	s23 =	sor.u32 $0x410, s8;
	v2 =	vld [tilespmem:s25+$0x60];
	[tilespmem:s28+$0x10] =	vst v6;
	v6 =	vadd.f32 v4, v7  }
0x1a7: {  	v61 =	vld [tilespmem:s7+$0xB0];
	v4 =	vsub.f32 v7, v4;
	v7 =	vsub.f32 v9, v11;
	[tilespmem:s23+$0x1C780] =	vst v1  }
0x1a8: {  	s30 =	sor.u32 $0x460, s10;
	v1 =	vld [tilespmem:s12+$0xB0];
	[tilespmem:s17+$0x10] =	vst v6  }
0x1a9: {  	s26 =	sor.u32 $0x410, s15;
	v9 =	vld [tilespmem:s7+$0xFFFFFFA0];
	v6 =	vadd.f32 v0, v3;
	[tilespmem:s30+$0x1C780] =	vst v7  }
0x1aa: {  	v11 =	vld [tilespmem:s12+$0xFFFFFFA0];
	v0 =	vsub.f32 v3, v0;
	[tilespmem:s26+$0x1C780] =	vst v4  }
0x1ab: {  	s13 =	sor.u32 $0x420, s9;
	v4 =	vadd.f32 v5, v8;
	v3 =	vld [tilespmem:s7+$0x20];
	[tilespmem:s19+$0x20] =	vst v6  }
0x1ac: {  	v5 =	vsub.f32 v8, v5;
	v6 =	vld [tilespmem:s12+$0x20];
	[tilespmem:s13+$0x1C780] =	vst v0  }
0x1ad: {  	s30 =	sor.u32 $0x460, s11;
	v7 =	vld [tilespmem:s1+$0xFFFFFF70];
	[tilespmem:s20+$0x60] =	vst v4;
	v0 =	vadd.f32 v1, v61  }
0x1ae: {  	v1 =	vsub.f32 v61, v1;
	v62 =	vld [tilespmem:s7+$0xFFFFFF30];
	[tilespmem:s30+$0x1C780] =	vst v5  }
0x1af: {  	s18 =	sor.u32 $0x430, s22;
	v4 =	vld [tilespmem:s12+$0xFFFFFF30];
	[tilespmem:s0+$0x30] =	vst v0;
	v0 =	vadd.f32 v11, v9  }
0x1b0: {  	v63 =	vld [tilespmem:s1+$0xFFFFFFF0];
	v9 =	vsub.f32 v9, v11;
	[tilespmem:s18+$0x1C780] =	vst v1  }
0x1b1: {  	s23 =	sor.u32 $0x420, s8;
	[tilespmem:s28+$0x20] =	vst v0;
	v0 =	vadd.f32 v6, v3;
	v1 =	vld [tilespmem:s7+$0xC0]  }
0x1b2: {  	v3 =	vsub.f32 v3, v6;
	v6 =	vld [tilespmem:s12+$0xC0];
	[tilespmem:s23+$0x1C780] =	vst v9  }
0x1b3: {  	s26 =	sor.u32 $0x420, s15;
	v8 =	vld [tilespmem:s7+$0xFFFFFFB0];
	[tilespmem:s17+$0x20] =	vst v0  }
0x1b4: {  	v0 =	vadd.f32 v4, v62;
	v9 =	vld [tilespmem:s12+$0xFFFFFFB0];
	[tilespmem:s26+$0x1C780] =	vst v3  }
0x1b5: {  	v3 =	vsub.f32 v62, v4;
	v4 =	vld [tilespmem:s7+$0x30]  }
0x1b6: {  	s13 =	sor.u32 $0x430, s9;
	v5 =	vadd.f32 v2, v10;
	[tilespmem:s19+$0x30] =	vst v0;
	v0 =	vld [tilespmem:s12+$0x30]  }
0x1b7: {  	v11 =	vld [tilespmem:s25+$0xFFFFFF70];
	[tilespmem:s13+$0x1C780] =	vst v3;
	v3 =	vadd.f32 v6, v1  }
0x1b8: {  	[tilespmem:s24+$0x60] =	vst v5;
	v1 =	vsub.f32 v1, v6;
	v6 =	vld [tilespmem:s7+$0xFFFFFF40]  }
0x1b9: {  	s18 =	sor.u32 $0x440, s22;
	v5 =	vld [tilespmem:s12+$0xFFFFFF40];
	[tilespmem:s0+$0x40] =	vst v3;
	v3 =	vadd.f32 v9, v8  }
0x1ba: {  	v8 =	vsub.f32 v8, v9;
	v9 =	vld [tilespmem:s25+$0xFFFFFFF0];
	[tilespmem:s18+$0x1C780] =	vst v1  }
0x1bb: {  	s23 =	sor.u32 $0x430, s8;
	[tilespmem:s28+$0x30] =	vst v3;
	v1 =	vadd.f32 v0, v4;
	v3 =	vld [tilespmem:s7+$0xD0]  }
0x1bc: {  	v0 =	vsub.f32 v4, v0;
	v4 =	vld [tilespmem:s12+$0xD0];
	[tilespmem:s23+$0x1C780] =	vst v8  }
0x1bd: {  	v2 =	vsub.f32 v10, v2;
	s26 =	sor.u32 $0x430, s15;
	v8 =	vld [tilespmem:s7+$0xFFFFFFC0];
	[tilespmem:s17+$0x30] =	vst v1  }
0x1be: {  	s30 =	sor.u32 $0x460, s2;
	v1 =	vadd.f32 v5, v6;
	v10 =	vld [tilespmem:s12+$0xFFFFFFC0];
	[tilespmem:s26+$0x1C780] =	vst v0  }
0x1bf: {  	[tilespmem:s30+$0x1C780] =	vst v2;
	v0 =	vsub.f32 v6, v5;
	v6 =	vld [tilespmem:s7+$0x40]  }
0x1c0: {  	s4 =	sor.u32 $0x440, s9;
	v2 =	vadd.f32 v11, v7;
	[tilespmem:s19+$0x40] =	vst v1;
	v13 =	vld [tilespmem:s12+$0x40]  }
0x1c1: {  	v1 =	vld [tilespmem:s1+$0x70];
	[tilespmem:s4+$0x1C780] =	vst v0;
	v0 =	vadd.f32 v4, v3  }
0x1c2: {  	s31 =	sor.u32 $0x450, s8;
	s3 =	sor.u32 $0x450, s9;
	[tilespmem:s5+$0x70] =	vst v2;
	v3 =	vsub.f32 v3, v4;
	v14 =	vld [tilespmem:s7+$0xFFFFFF50]  }
0x1c3: {  	s29 =	sor.u32 $0x450, s15;
	s30 =	sor.u32 $0x440, s15;
	s18 =	sor.u32 $0x450, s22;
	v15 =	vld [tilespmem:s12+$0xFFFFFF50];
	[tilespmem:s0+$0x50] =	vst v0;
	v0 =	vadd.f32 v10, v8  }
0x1c4: {  	s13 =	sor.u32 $0x470, s2;
	s5 =	simm.s32 $0x4;
	s2 =	simm.s32 $0x19480;
	v4 =	vld [tilespmem:s25+$0x70];
	v2 =	vsub.f32 v8, v10;
	[tilespmem:s18+$0x1C780] =	vst v3  }
0x1c5: {  	s23 =	sor.u32 $0x470, s10;
	s10 =	sor.u32 $0x460, s15;
	s26 =	sor.u32 $0x440, s8;
	[tilespmem:s28+$0x40] =	vst v0;
	v8 =	vadd.f32 v13, v6;
	v5 =	vld [tilespmem:s7+$0xE0]  }
0x1c6: {  	s15 =	sor.u32 $0x470, s15;
	s4 =	sor.u32 $0x470, s11;
	s25 =	smov.u32 s13;
	v3 =	vadd.f32 v9, v63;
	v10 =	vsub.f32 v6, v13;
	v6 =	vld [tilespmem:s12+$0xE0];
	[tilespmem:s26+$0x1C780] =	vst v2  }
0x1c7: {  	s11 =	sor.u32 $0x460, s8;
	s13 =	sor.u32 $0x460, s9;
	s18 =	sor.u32 $0x470, s8;
	v0 =	vsub.f32 v63, v9;
	v2 =	vsub.f32 v7, v11;
	v7 =	vld [tilespmem:s7+$0xFFFFFFD0];
	[tilespmem:s17+$0x40] =	vst v8  }
0x1c8: {  	s26 =	sor.u32 $0x470, s9;
	s9 =	smov.u32 s20;
	s20 =	simm.s32 $0x1AA80;
	v9 =	vsub.f32 v14, v15;
	v8 =	vld [tilespmem:s12+$0xFFFFFFD0];
	[tilespmem:s30+$0x1C780] =	vst v10;
	v10 =	vadd.f32 v15, v14  }
.LBB2_6:
0x1c9: {  	[smem:$0x7DE] =	sst s19  }
0x1ca: {  	[smem:$0x7DD] =	sst s15  }
0x1cb: {  	[smem:$0x7E0] =	sst s13;
	[tilespmem:s9+$0x70] =	vst v3  }
0x1cc: {  	[dreg:$0x11] =	wrdreg s11;
	v11 =	vld [tilespmem:s2+$0x80];
	s12 =	sadd.s32 $0x200, s12;
	[tilespmem:s23+$0x1C780] =	vst v2  }
0x1cd: {  	[dreg:$0xa] =	wrdreg s10;
	p2 =	por !p2, !p2;
	v2 =	vadd.f32 v4, v1;
	v1 =	vsub.f32 v1, v4;
	v4 =	vld [tilespmem:s12+$0x80];
	[tilespmem:s19+$0x50] =	vst v10  }
0x1ce: {  	s14 =	sadd.s32 $0x2, s14;
	s21 =	sadd.s32 $0x4, s21;
	s6 =	sadd.s32 $0x400, s6;
	v10 =	vld [tilespmem:s2+$0xFFFFFF00];
	[tilespmem:s3+$0x1C780] =	vst v9;
	v9 =	vadd.f32 v6, v5  }
0x1cf: {  	s13 =	sor.u32 $0x460, s22;
	s16 =	sadd.s32 $0x200, s16;
	[dreg:$0x6] =	wrdreg s14;
	v3 =	vld [tilespmem:s2+$0xFFFFFF80];
	v5 =	vsub.f32 v5, v6  }
0x1d0: {  	s8 =	sand.u32 $0x3, s14;
	s11 =	sand.u32 $0x7, s21;
	s14 =	sand.u32 $0x800, s6;
	v6 =	vadd.f32 v8, v7;
	v7 =	vsub.f32 v7, v8;
	v8 =	vld [tilespmem:s12+$0xFFFFFF80];
	[tilespmem:s0+$0x60] =	vst v9  }
0x1d1: {  	s15 =	sadd.s32 $0x180, s16;
	s30 =	sshll.u32 s8, $0x8;
	s8 =	sshll.u32 s11, $0x7;
	v12 =	vld [tilespmem:s12+$0xFFFFFF00];
	[tilespmem:s13+$0x1C780] =	vst v5  }
0x1d2: {  	s9 =	sor.u32 $0x1C780, s14;
	s8 =	sadd.s32 s6, s8;
	s19 =	sand.u32 $0x380, s15;
	[tilespmem:s28+$0x50] =	vst v6;
	v5 =	vadd.f32 v4, v11;
	v6 =	vld [tilespmem:s7+$0xF0]  }
0x1d3: {  	s1 =	smov.u32 s26;
	s15 =	sadd.s32 s19, s9;
	s10 =	sadd.s32 $0x180, s8;
	[tilespmem:s31+$0x1C780] =	vst v7;
	v4 =	vsub.f32 v11, v4;
	v7 =	vld [tilespmem:s20+$0xF0]  }
0x1d4: {  	[smem:$0x7DC] =	sst s1;
	s1 =	simm.s32 $0x1;
	s23 =	sor.u32 $0x400, s10;
	v11 =	vld [tilespmem:s2+$0x0];
	[tilespmem:s15+$0x0] =	vst v5  }
0x1d5: {  	s22 =	sor.u32 $0x470, s22;
	s1 =	simm.s32 @!p2 $0x0;
	v5 =	vld [tilespmem:s12+$0x0];
	[tilespmem:s23+$0x1C780] =	vst v4  }
0x1d6: {  	s11 =	sadd.s32 $0x80, s16;
	s14 =	smov.u32 s18;
	s3 =	sadd.s32 s6, s30;
	[tilespmem:s4+$0x1C780] =	vst v0;
	v4 =	vadd.f32 v8, v3;
	v3 =	vsub.f32 v3, v8;
	v8 =	vld [tilespmem:s2+$0x90]  }
0x1d7: {  	s18 =	smov.u32 s17;
	s13 =	sadd.s32 $0x100, s3;
	s3 =	sand.u32 $0x200, s16;
	v9 =	vadd.f32 v12, v10;
	[tilespmem:s24+$0x70] =	vst v2;
	v0 =	vld [tilespmem:s12+$0x90]  }
0x1d8: {  	s17 =	sadd.s32 $0x100, s16;
	s1 =	sshll.u32 s1, $0x9;
	s31 =	sadd.s32 s3, s9;
	v2 =	vld [tilespmem:s7+$0x50];
	[tilespmem:s25+$0x1C780] =	vst v1;
	v59 =	vadd.f32 v7, v6  }
0x1d9: {  	s26 =	sadd.s32 s1, s6;
	s30 =	sadd.s32 $0x80, s8;
	s8 =	sand.u32 $0x280, s11;
	v10 =	vsub.f32 v10, v12;
	[tilespmem:s31+$0x0] =	vst v9;
	v1 =	vld [tilespmem:s20+$0x50]  }
0x1da: {  	s11 =	sand.u32 $0x300, s17;
	s19 =	sor.u32 $0x400, s26;
	s17 =	sor.u32 $0x400, s13;
	v6 =	vsub.f32 v6, v7;
	v9 =	vld [tilespmem:s7+$0xFFFFFF60];
	[tilespmem:s0+$0x70] =	vst v59  }
0x1db: {  	s4 =	sadd.s32 s11, s9;
	s24 =	sadd.s32 s8, s9;
	s9 =	sor.u32 $0x420, s13;
	v7 =	vadd.f32 v5, v11;
	v5 =	vsub.f32 v11, v5;
	v11 =	vld [tilespmem:s20+$0xFFFFFF60];
	[tilespmem:s19+$0x1C780] =	vst v10  }
0x1dc: {  	s3 =	sor.u32 $0x420, s30;
	s25 =	sor.u32 $0x410, s13;
	[smem:$0x7E2] =	sst s9;
	v10 =	vld [tilespmem:s7+$0xFFFFFFE0];
	[tilespmem:s22+$0x1C780] =	vst v6;
	v6 =	vadd.f32 v0, v8  }
0x1dd: {  	s8 =	sor.u32 $0x410, s30;
	s9 =	sor.u32 $0x430, s13;
	[smem:$0x7DF] =	sst s25;
	[tilespmem:s24+$0x0] =	vst v4;
	v60 =	vld [tilespmem:s2+$0xFFFFFF10];
	v0 =	vsub.f32 v8, v0  }
0x1de: {  	s25 =	sor.u32 $0x430, s30;
	[dreg:$0x1b] =	wrdreg s9;
	s0 =	sor.u32 $0x410, s10;
	v4 =	vld [tilespmem:s12+$0xFFFFFF10];
	[tilespmem:s15+$0x10] =	vst v6  }
0x1df: {  	s23 =	smov.u32 s29;
	s9 =	sor.u32 $0x450, s30;
	[smem:$0x7E5] =	sst s25;
	[tilespmem:s0+$0x1C780] =	vst v0;
	v0 =	vld [tilespmem:s20+$0xFFFFFFE0]  }
0x1e0: {  	s29 =	sor.u32 $0x400, s30;
	[dreg:$0x19] =	wrdreg s9;
	s19 =	sor.u32 $0x430, s26;
	[tilespmem:s4+$0x0] =	vst v7;
	v6 =	vadd.f32 v1, v2;
	v1 =	vsub.f32 v2, v1;
	v2 =	vld [tilespmem:s2+$0xA0]  }
0x1e1: {  	s25 =	sor.u32 $0x440, s26;
	[smem:$0x7E4] =	sst s19;
	s22 =	sor.u32 $0x440, s30;
	[tilespmem:s29+$0x1C780] =	vst v3;
	v7 =	vld [tilespmem:s12+$0xA0]  }
0x1e2: {  	s19 =	sor.u32 $0x460, s30;
	s29 =	sor.u32 $0x470, s30;
	v3 =	vadd.f32 v11, v9;
	v8 =	vsub.f32 v9, v11;
	s30 =	sld [smem:$0x7DD];
	v9 =	vld [tilespmem:s2+$0xFFFFFF90]  }
0x1e3: {  	s9 =	smov.u32 s28;
	s28 =	smov.u32 s24;
	s24 =	smov.u32 s18;
	[tilespmem:s17+$0x1C780] =	vst v5;
	v11 =	vld [tilespmem:s12+$0xFFFFFF90]  }
0x1e4: {  	[dreg:$0x1e] =	wrdreg s25;
	s25 =	sor.u32 $0x450, s13;
	v5 =	vadd.f32 v4, v60;
	[tilespmem:s24+$0x50] =	vst v6;
	s18 =	smov.u32 s29  }
0x1e5: {  	v4 =	vsub.f32 v60, v4;
	s29 =	smov.u32 s25;
	v6 =	vld [tilespmem:s2+$0x10];
	[tilespmem:s23+$0x1C780] =	vst v1;
	s25 =	smov.u32 s30;
	s30 =	sld [smem:$0x7DE]  }
0x1e6: {  	s11 =	sor.u32 $0x410, s26;
	[tilespmem:s31+$0x10] =	vst v5;
	v1 =	vld [tilespmem:s12+$0x10];
	v61 =	vadd.f32 v0, v10  }
0x1e7: {  	[smem:$0x7E1] =	sst s3;
	s3 =	sor.u32 $0x440, s13;
	[tilespmem:s11+$0x1C780] =	vst v4;
	v0 =	vsub.f32 v10, v0;
	v4 =	vadd.f32 v7, v2  }
0x1e8: {  	[dreg:$0x16] =	wrdreg s22;
	s22 =	sor.u32 $0x460, s13;
	s0 =	smov.u32 s15;
	v10 =	vld [tilespmem:s2+$0xFFFFFF20];
	v2 =	vsub.f32 v2, v7;
	[tilespmem:s30+$0x60] =	vst v3;
	v7 =	vadd.f32 v11, v9  }
0x1e9: {  	s13 =	sor.u32 $0x470, s13;
	[smem:$0x7E6] =	sst s22;
	s22 =	smov.u32 s10;
	v3 =	vld [tilespmem:s12+$0xFFFFFF20];
	[tilespmem:s0+$0x20] =	vst v4  }
0x1ea: {  	s15 =	smov.u32 s13;
	s13 =	sor.u32 $0x420, s22;
	v5 =	vld [tilespmem:s7+$0x60];
	v9 =	vsub.f32 v9, v11;
	[tilespmem:s28+$0x10] =	vst v7  }
0x1eb: {  	s11 =	sld [smem:$0x7DF];
	v4 =	vadd.f32 v1, v6;
	[tilespmem:s13+$0x1C780] =	vst v2;
	v2 =	vld [tilespmem:s20+$0x60]  }
0x1ec: {  	s17 =	smov.u32 s4;
	v1 =	vsub.f32 v6, v1;
	[tilespmem:s8+$0x1C780] =	vst v9;
	s13 =	sld [smem:$0x7E0];
	v6 =	vld [tilespmem:s2+$0xB0]  }
0x1ed: {  	v7 =	vld [tilespmem:s12+$0xB0];
	[tilespmem:s17+$0x10] =	vst v4  }
0x1ee: {  	v9 =	vld [tilespmem:s2+$0xFFFFFFA0];
	[tilespmem:s11+$0x1C780] =	vst v1;
	v4 =	vadd.f32 v3, v10  }
0x1ef: {  	v3 =	vsub.f32 v10, v3;
	v10 =	vld [tilespmem:s12+$0xFFFFFFA0];
	[tilespmem:s13+$0x1C780] =	vst v8  }
0x1f0: {  	s1 =	sor.u32 $0x420, s26;
	v1 =	vld [tilespmem:s2+$0x20];
	[tilespmem:s31+$0x20] =	vst v4  }
0x1f1: {  	v8 =	vadd.f32 v2, v5;
	v5 =	vsub.f32 v5, v2;
	v2 =	vld [tilespmem:s12+$0x20];
	[tilespmem:s1+$0x1C780] =	vst v3  }
0x1f2: {  	v3 =	vadd.f32 v7, v6;
	v4 =	vld [tilespmem:s7+$0xFFFFFF70]  }
0x1f3: {  	[tilespmem:s9+$0x60] =	vst v61;
	v6 =	vsub.f32 v6, v7;
	v11 =	vld [tilespmem:s2+$0xFFFFFF30]  }
0x1f4: {  	s10 =	sld [smem:$0x7E1];
	s1 =	sor.u32 $0x430, s22;
	v7 =	vld [tilespmem:s12+$0xFFFFFF30];
	v62 =	vadd.f32 v10, v9;
	[tilespmem:s0+$0x30] =	vst v3  }
0x1f5: {  	v9 =	vsub.f32 v9, v10;
	v3 =	vld [tilespmem:s20+$0xFFFFFF70];
	[tilespmem:s1+$0x1C780] =	vst v6  }
0x1f6: {  	s11 =	sld [smem:$0x7E2];
	[tilespmem:s28+$0x20] =	vst v62;
	v6 =	vadd.f32 v2, v1;
	v10 =	vld [tilespmem:s2+$0xC0]  }
0x1f7: {  	[smem:$0x7E3] =	sst s19;
	s19 =	sor.u32 $0x460, s26;
	v1 =	vsub.f32 v1, v2;
	[tilespmem:s10+$0x1C780] =	vst v9;
	v9 =	vld [tilespmem:s12+$0xC0]  }
0x1f8: {  	s13 =	smov.u32 s19;
	s19 =	rddreg [dreg:$0x11];
	v12 =	vld [tilespmem:s2+$0xFFFFFFB0];
	[tilespmem:s17+$0x20] =	vst v6  }
0x1f9: {  	s10 =	sld [smem:$0x7E4];
	v6 =	vadd.f32 v7, v11;
	v7 =	vsub.f32 v11, v7;
	v11 =	vld [tilespmem:s12+$0xFFFFFFB0];
	[tilespmem:s11+$0x1C780] =	vst v1  }
0x1fa: {  	[tilespmem:s19+$0x1C780] =	vst v0;
	v1 =	vld [tilespmem:s2+$0x30]  }
0x1fb: {  	s8 =	sld [smem:$0x7E3];
	v13 =	vadd.f32 v3, v4;
	[tilespmem:s31+$0x30] =	vst v6;
	v0 =	vld [tilespmem:s12+$0x30]  }
0x1fc: {  	v2 =	vsub.f32 v4, v3;
	v4 =	vld [tilespmem:s7+$0xFFFFFFF0];
	[tilespmem:s10+$0x1C780] =	vst v7;
	v3 =	vadd.f32 v9, v10  }
0x1fd: {  	[tilespmem:s24+$0x60] =	vst v8;
	v6 =	vld [tilespmem:s2+$0xFFFFFF40];
	v7 =	vsub.f32 v10, v9  }
0x1fe: {  	s19 =	sor.u32 $0x440, s22;
	s11 =	smov.u32 s8;
	s8 =	sld [smem:$0x7E5];
	v8 =	vld [tilespmem:s12+$0xFFFFFF40];
	v9 =	vadd.f32 v11, v12;
	[tilespmem:s0+$0x40] =	vst v3  }
0x1ff: {  	v10 =	vsub.f32 v12, v11;
	[tilespmem:s19+$0x1C780] =	vst v7;
	v7 =	vld [tilespmem:s20+$0xFFFFFFF0]  }
0x200: {  	[tilespmem:s28+$0x30] =	vst v9;
	v3 =	vadd.f32 v0, v1;
	v9 =	vld [tilespmem:s2+$0xD0]  }
0x201: {  	v0 =	vsub.f32 v1, v0;
	[tilespmem:s8+$0x1C780] =	vst v10;
	v10 =	vld [tilespmem:s12+$0xD0]  }
0x202: {  	s10 =	rddreg [dreg:$0x1b];
	v11 =	vld [tilespmem:s2+$0xFFFFFFC0];
	[tilespmem:s17+$0x30] =	vst v3  }
0x203: {  	s19 =	rddreg [dreg:$0xa];
	v1 =	vadd.f32 v8, v6;
	v6 =	vsub.f32 v6, v8;
	v8 =	vld [tilespmem:s12+$0xFFFFFFC0];
	[tilespmem:s10+$0x1C780] =	vst v0  }
0x204: {  	v63 =	vld [tilespmem:s2+$0x40];
	[tilespmem:s19+$0x1C780] =	vst v5  }
0x205: {  	[tilespmem:s31+$0x40] =	vst v1;
	s19 =	rddreg [dreg:$0x1e];
	v3 =	vadd.f32 v7, v4;
	v5 =	vld [tilespmem:s12+$0x40]  }
0x206: {  	v0 =	vsub.f32 v4, v7;
	[tilespmem:s19+$0x1C780] =	vst v6;
	v1 =	vld [tilespmem:s7+$0x70];
	v4 =	vadd.f32 v10, v9  }
0x207: {  	s5 =	sadd.s32 $0x4, s5;
	s8 =	sld [smem:$0x7E6];
	v14 =	vld [tilespmem:s2+$0xFFFFFF50];
	v6 =	vsub.f32 v9, v10;
	[tilespmem:s30+$0x70] =	vst v13  }
0x208: {  	p3 =	slt.u32 s5, $0xC;
	[dreg:$0x13] =	wrdreg s3;
	s30 =	sor.u32 $0x450, s22;
	v9 =	vld [tilespmem:s12+$0xFFFFFF50];
	v7 =	vadd.f32 v8, v11;
	[tilespmem:s0+$0x50] =	vst v4  }
.Ltmp4:
0x209: {  	s4 =	smov.u32 s14;
	s14 =	rddreg [dreg:$0x6];
	v8 =	vsub.f32 v11, v8;
	v4 =	vld [tilespmem:s20+$0x70];
	[tilespmem:s30+$0x1C780] =	vst v6;
	(pc) =	sbr.rel @p3 .LBB2_6-.Ltmp4, $4  }
0x20a: {  	s10 =	smov.u32 s8;
	s8 =	rddreg [dreg:$0x16];
	[tilespmem:s28+$0x40] =	vst v7;
	v10 =	vadd.f32 v5, v63;
	v11 =	vsub.f32 v63, v5;
	v5 =	vld [tilespmem:s2+$0xE0]  }
0x20b: {  	s3 =	sor.u32 $0x450, s26;
	s26 =	sor.u32 $0x470, s26;
	s23 =	sld [smem:$0x7DC];
	[tilespmem:s8+$0x1C780] =	vst v8;
	v6 =	vld [tilespmem:s12+$0xE0]  }
0x20c: {  	s7 =	smov.u32 s2;
	s19 =	smov.u32 s31;
	s30 =	rddreg [dreg:$0x13];
	v7 =	vld [tilespmem:s2+$0xFFFFFFD0];
	[tilespmem:s17+$0x40] =	vst v10  }
0x20d: {  	s31 =	rddreg [dreg:$0x19];
	s20 =	smov.u32 s12;
	v8 =	vld [tilespmem:s12+$0xFFFFFFD0];
	s2 =	sadd.s32 $0x200, s2;
	v10 =	vadd.f32 v9, v14;
	v9 =	vsub.f32 v14, v9;
	[tilespmem:s30+$0x1C780] =	vst v11  }
0x20e: {  	v11 =	vld [tilespmem:s7+$0x50]  }
0x20f: {  	v12 =	vld [tilespmem:s20+$0x50];
	_ =	sdelay $0x1  }
0x210: {  	[tilespmem:s23+$0x1C780] =	vst v2  }
0x211: {  	[tilespmem:s19+$0x50] =	vst v10;
	v2 =	vadd.f32 v8, v7  }
0x212: {  	[tilespmem:s3+$0x1C780] =	vst v9;
	v7 =	vsub.f32 v7, v8  }
0x213: {  	v8 =	vadd.f32 v12, v11;
	[tilespmem:s28+$0x50] =	vst v2;
	v2 =	vld [tilespmem:s7+$0xFFFFFF60]  }
0x214: {  	v9 =	vsub.f32 v11, v12;
	[tilespmem:s31+$0x1C780] =	vst v7;
	v7 =	vld [tilespmem:s20+$0xFFFFFF60]  }
0x215: {  	[tilespmem:s17+$0x50] =	vst v8;
	v10 =	vld [tilespmem:s7+$0xFFFFFFE0]  }
0x216: {  	v8 =	vadd.f32 v6, v5;
	v11 =	vld [tilespmem:s20+$0xFFFFFFE0];
	[tilespmem:s29+$0x1C780] =	vst v9  }
0x217: {  	[tilespmem:s9+$0x70] =	vst v3;
	v5 =	vsub.f32 v5, v6;
	v3 =	vld [tilespmem:s7+$0x60]  }
0x218: {  	s1 =	sor.u32 $0x460, s22;
	[tilespmem:s0+$0x60] =	vst v8;
	v6 =	vld [tilespmem:s20+$0x60]  }
0x219: {  	[tilespmem:s1+$0x1C780] =	vst v5;
	v5 =	vadd.f32 v7, v2  }
0x21a: {  	[tilespmem:s4+$0x1C780] =	vst v0;
	v0 =	vsub.f32 v2, v7  }
0x21b: {  	v2 =	vld [tilespmem:s7+$0xF0];
	v7 =	vadd.f32 v11, v10;
	[tilespmem:s19+$0x60] =	vst v5  }
0x21c: {  	v8 =	vsub.f32 v10, v11;
	v5 =	vld [tilespmem:s20+$0xF0];
	[tilespmem:s13+$0x1C780] =	vst v0  }
0x21d: {  	v0 =	vadd.f32 v6, v3;
	[tilespmem:s28+$0x60] =	vst v7;
	v9 =	vld [tilespmem:s7+$0xFFFFFF70]  }
0x21e: {  	v3 =	vsub.f32 v3, v6;
	v7 =	vadd.f32 v4, v1;
	v6 =	vld [tilespmem:s20+$0xFFFFFF70];
	[tilespmem:s11+$0x1C780] =	vst v8  }
0x21f: {  	[tilespmem:s17+$0x60] =	vst v0  }
0x220: {  	v0 =	vsub.f32 v1, v4;
	[tilespmem:s24+$0x70] =	vst v7  }
0x221: {  	v8 =	vld [tilespmem:s7+$0xFFFFFFF0];
	[tilespmem:s10+$0x1C780] =	vst v3;
	v3 =	vadd.f32 v5, v2  }
0x222: {  	v1 =	vld [tilespmem:s20+$0xFFFFFFF0];
	[tilespmem:s25+$0x1C780] =	vst v0;
	v0 =	vsub.f32 v2, v5  }
0x223: {  	s21 =	sor.u32 $0x470, s22;
	[tilespmem:s0+$0x70] =	vst v3;
	v3 =	vadd.f32 v6, v9  }
0x224: {  	[tilespmem:s21+$0x1C780] =	vst v0;
	v0 =	vsub.f32 v9, v6  }
0x225: {  	v4 =	vld [tilespmem:s7+$0x70];
	[tilespmem:s19+$0x70] =	vst v3  }
0x226: {  	v2 =	vld [tilespmem:s20+$0x70];
	[tilespmem:s26+$0x1C780] =	vst v0  }
0x227: {  	v5 =	vadd.f32 v1, v8;
	s3 =	sld [smem:$0x7F1]  }
0x228: {  	v1 =	vsub.f32 v8, v1  }
0x229: {  	[tilespmem:s28+$0x70] =	vst v5  }
0x22a: {  	[tilespmem:s18+$0x1C780] =	vst v1;
	s22 =	smul.u32 $0x3000, s3  }
0x22b: {  	v0 =	vadd.f32 v2, v4;
	s0 =	sld [smem:$0x7F8]  }
0x22c: {  	v2 =	vsub.f32 v4, v2;
	[smem:$0x7DB] =	sst s22  }
0x22d: {  	[tilespmem:s17+$0x70] =	vst v0  }
0x22e: {  	s23 =	rddreg [dreg:$0x2];
	s2 =	simm.s32 $0x1C780;
	s0 =	sadd.s32 s0, s22;
	[tilespmem:s15+$0x1C780] =	vst v2  }
0x22f: {  	s24 =	simm.s32 $0x0;
	s0 =	sshrl.u32 s0, $0x3;
	s4 =	sld [smem:$0x7E7]  }
0x230: {  	p2 =	sgt.u32 s3, $0xCE;
	s3 =	rddreg [dreg:$0x3];
	s0 =	sadd.s32 s23, s0  }
0x231: {  	[hbm4b:s0+s24] =	stream.linear.scatter [tilespmem:s2], [sflag:$0x5], $0x1000, $0x38;
	[tilespmem:$0x1E780] =	vst v63  }
0x232: {  	s1 =	simm.s32 @!p2 $0x10;
	s2 =	simm.s32 @!p2 $0x18F80;
	s0 =	sadd.s32 @!p2 $0x138C0, s4  }
0x233: {  	[tilespmem:s2], [sflag:$0x2] =	stream.indirect.gather @!p2 [spmem:s3], $0x80, s0, s1, $0xb8;
	[tilespmem:$0x1E780] =	vst v63  }
0x234: {  	s25 =	simm.s32 $0x3;
	s0 =	sadd.s32 @!p2 $0x16040, s4;
	s2 =	simm.s32 @!p2 $0x1A780  }
0x235: {  	[tilespmem:s2], [sflag:$0x2] =	stream.indirect.gather @!p2 [spmem:s3], $0x80, s0, s1, $0xb8;
	[tilespmem:$0x1E780] =	vst v63  }
0x236: {  	_ =	swait.ge [sflag:s25], $0x800  }
0x237: {  	[sflag:s25] =	ssyncset.done $0x0  }
0x238: {  	[sflag:s25] =	ssyncadd.s32 $0xFFFFF800  }
0x239: {  	_ =	swait.ge [sflag:s25], $0x800  }
0x23a: {  	[sflag:s25] =	ssyncset.done $0x0  }
0x23b: {  	s0 =	simm.s32 @!p1 $0x6;
	[sflag:s25] =	ssyncadd.s32 $0xFFFFF800  }
0x23c: {  	_ =	swait.ge @!p1 [sflag:s0], $0x1000  }
0x23d: {  	[sflag:s0] =	ssyncset.done @!p1 $0x0  }
0x23e: {  	s1 =	simm.s32 $0x19880;
	[sflag:s0] =	ssyncadd.s32 @!p1 $0xFFFFF000  }
0x23f: {  	s25 =	simm.s32 $0x1B080;
	v0 =	vld [tilespmem:s1+$0x80]  }
0x240: {  	v1 =	vld [tilespmem:s25+$0x80];
	_ =	sdelay $0x1  }
0x241: {  	s26 =	simm.s32 $0x0  }
0x242: {  	s6 =	sand.u32 $0x7, s26  }
0x243: {  	s8 =	simm.s32 $0x180;
	s7 =	sand.u32 $0x800, s26;
	s0 =	sshll.u32 s6, $0x7  }
0x244: {  	s10 =	sand.u32 $0x380, s8;
	s9 =	sor.u32 $0x1D780, s7;
	s6 =	sadd.s32 $0x0, s0;
	v2 =	vadd.f32 v1, v0  }
0x245: {  	s0 =	sadd.s32 s10, s9;
	s3 =	sadd.s32 $0x180, s6;
	v0 =	vsub.f32 v0, v1  }
0x246: {  	s11 =	sor.u32 $0x400, s3;
	v1 =	vld [tilespmem:s1+$0xFFFFFF00];
	[tilespmem:s0+$0x0] =	vst v2  }
0x247: {  	v2 =	vld [tilespmem:s25+$0xFFFFFF00];
	[tilespmem:s11+$0x1D780] =	vst v0  }
0x248: {  	v0 =	vld [tilespmem:s1+$0x90]  }
0x249: {  	v3 =	vld [tilespmem:s25+$0x90]  }
0x24a: {  	s4 =	simm.s32 $0x1;
	p1 =	por $0x0, $0x0  }
0x24b: {  	v4 =	vld [tilespmem:s1+$0xFFFFFF80];
	s4 =	simm.s32 @!p1 $0x0  }
0x24c: {  	s5 =	sand.u32 $0x200, s26;
	v5 =	vld [tilespmem:s25+$0xFFFFFF80];
	s4 =	sshll.u32 s4, $0x9;
	v6 =	vadd.f32 v2, v1  }
0x24d: {  	s5 =	sadd.s32 s5, s9;
	s10 =	sadd.s32 $0x0, s4;
	v1 =	vsub.f32 v1, v2  }
0x24e: {  	v7 =	vld [tilespmem:s25+$0x0];
	s4 =	sor.u32 $0x400, s10;
	[tilespmem:s5+$0x0] =	vst v6;
	v6 =	vadd.f32 v3, v0  }
0x24f: {  	v2 =	vld [tilespmem:s1+$0x0];
	v0 =	vsub.f32 v0, v3;
	[tilespmem:s4+$0x1D780] =	vst v1  }
0x250: {  	s8 =	simm.s32 $0x80;
	s13 =	sor.u32 $0x410, s3;
	v3 =	vld [tilespmem:s1+$0xFFFFFF10];
	[tilespmem:s0+$0x10] =	vst v6  }
0x251: {  	s12 =	sand.u32 $0x280, s8;
	v1 =	vadd.f32 v5, v4;
	v4 =	vsub.f32 v4, v5;
	v5 =	vld [tilespmem:s25+$0xFFFFFF10];
	[tilespmem:s13+$0x1D780] =	vst v0  }
0x252: {  	s30 =	sadd.s32 s12, s9;
	s2 =	sand.u32 $0x3, s26;
	s11 =	sadd.s32 $0x80, s6;
	v0 =	vld [tilespmem:s1+$0xA0]  }
0x253: {  	s15 =	simm.s32 $0x100;
	s2 =	sshll.u32 s2, $0x8;
	s14 =	sor.u32 $0x400, s11;
	[tilespmem:s30+$0x0] =	vst v1;
	v1 =	vld [tilespmem:s25+$0xA0]  }
0x254: {  	s16 =	sand.u32 $0x300, s15;
	s2 =	sadd.s32 $0x0, s2;
	[tilespmem:s14+$0x1D780] =	vst v4;
	v4 =	vadd.f32 v7, v2  }
0x255: {  	s21 =	sadd.s32 s16, s9;
	s2 =	sadd.s32 $0x100, s2;
	v2 =	vsub.f32 v2, v7;
	v6 =	vld [tilespmem:s1+$0xFFFFFF90]  }
0x256: {  	s17 =	sor.u32 $0x400, s2;
	v7 =	vld [tilespmem:s25+$0xFFFFFF90];
	[tilespmem:s21+$0x0] =	vst v4;
	v4 =	vadd.f32 v5, v3  }
0x257: {  	[tilespmem:s17+$0x1D780] =	vst v2;
	v2 =	vsub.f32 v3, v5  }
0x258: {  	s18 =	sor.u32 $0x410, s10;
	v3 =	vld [tilespmem:s1+$0x10];
	[tilespmem:s5+$0x10] =	vst v4;
	v4 =	vadd.f32 v1, v0  }
0x259: {  	v5 =	vld [tilespmem:s25+$0x10];
	v0 =	vsub.f32 v0, v1;
	[tilespmem:s18+$0x1D780] =	vst v2  }
0x25a: {  	s19 =	sor.u32 $0x420, s3;
	v1 =	vld [tilespmem:s1+$0xFFFFFF20];
	[tilespmem:s0+$0x20] =	vst v4  }
0x25b: {  	v2 =	vadd.f32 v7, v6;
	v4 =	vld [tilespmem:s25+$0xFFFFFF20];
	[tilespmem:s19+$0x1D780] =	vst v0  }
0x25c: {  	v6 =	vsub.f32 v6, v7;
	v0 =	vld [tilespmem:s1+$0xB0]  }
0x25d: {  	s20 =	sor.u32 $0x410, s11;
	[tilespmem:s30+$0x10] =	vst v2;
	v2 =	vld [tilespmem:s25+$0xB0]  }
0x25e: {  	[tilespmem:s20+$0x1D780] =	vst v6;
	v6 =	vadd.f32 v5, v3  }
0x25f: {  	v3 =	vsub.f32 v3, v5;
	v7 =	vld [tilespmem:s1+$0xFFFFFFA0]  }
0x260: {  	s22 =	sor.u32 $0x410, s2;
	v5 =	vld [tilespmem:s25+$0xFFFFFFA0];
	[tilespmem:s21+$0x10] =	vst v6;
	v6 =	vadd.f32 v4, v1  }
0x261: {  	v1 =	vsub.f32 v1, v4;
	[tilespmem:s22+$0x1D780] =	vst v3  }
0x262: {  	s23 =	sor.u32 $0x420, s10;
	v3 =	vld [tilespmem:s1+$0x20];
	[tilespmem:s5+$0x20] =	vst v6;
	v4 =	vadd.f32 v2, v0  }
0x263: {  	v6 =	vld [tilespmem:s25+$0x20];
	v0 =	vsub.f32 v0, v2;
	[tilespmem:s23+$0x1D780] =	vst v1  }
0x264: {  	s24 =	sor.u32 $0x430, s3;
	v1 =	vld [tilespmem:s1+$0xFFFFFF30];
	[tilespmem:s0+$0x30] =	vst v4  }
0x265: {  	v2 =	vadd.f32 v5, v7;
	v4 =	vld [tilespmem:s25+$0xFFFFFF30];
	[tilespmem:s24+$0x1D780] =	vst v0  }
0x266: {  	v5 =	vsub.f32 v7, v5;
	v0 =	vld [tilespmem:s1+$0xC0]  }
0x267: {  	s26 =	sor.u32 $0x420, s11;
	[tilespmem:s30+$0x20] =	vst v2;
	v2 =	vld [tilespmem:s25+$0xC0]  }
0x268: {  	[tilespmem:s26+$0x1D780] =	vst v5;
	v5 =	vadd.f32 v6, v3  }
0x269: {  	v7 =	vld [tilespmem:s1+$0xFFFFFFB0];
	v3 =	vsub.f32 v3, v6  }
0x26a: {  	s6 =	sor.u32 $0x420, s2;
	v6 =	vld [tilespmem:s25+$0xFFFFFFB0];
	[tilespmem:s21+$0x20] =	vst v5;
	v5 =	vadd.f32 v4, v1  }
0x26b: {  	v1 =	vsub.f32 v1, v4;
	[tilespmem:s6+$0x1D780] =	vst v3  }
0x26c: {  	s7 =	sor.u32 $0x430, s10;
	v3 =	vld [tilespmem:s1+$0x30];
	[tilespmem:s5+$0x30] =	vst v5;
	v4 =	vadd.f32 v2, v0  }
0x26d: {  	v5 =	vld [tilespmem:s25+$0x30];
	v0 =	vsub.f32 v0, v2;
	[tilespmem:s7+$0x1D780] =	vst v1  }
0x26e: {  	s8 =	sor.u32 $0x440, s3;
	v1 =	vld [tilespmem:s1+$0xFFFFFF40];
	[tilespmem:s0+$0x40] =	vst v4  }
0x26f: {  	v2 =	vadd.f32 v6, v7;
	v4 =	vld [tilespmem:s25+$0xFFFFFF40];
	[tilespmem:s8+$0x1D780] =	vst v0  }
0x270: {  	v6 =	vsub.f32 v7, v6;
	v0 =	vld [tilespmem:s1+$0xD0]  }
0x271: {  	s9 =	sor.u32 $0x430, s11;
	[tilespmem:s30+$0x30] =	vst v2;
	v2 =	vld [tilespmem:s25+$0xD0]  }
0x272: {  	[tilespmem:s9+$0x1D780] =	vst v6  }
0x273: {  	v6 =	vadd.f32 v5, v3;
	v7 =	vld [tilespmem:s1+$0xFFFFFFC0]  }
0x274: {  	v3 =	vsub.f32 v3, v5;
	v5 =	vld [tilespmem:s25+$0xFFFFFFC0]  }
0x275: {  	s12 =	sor.u32 $0x430, s2;
	[tilespmem:s21+$0x30] =	vst v6;
	v6 =	vadd.f32 v4, v1  }
0x276: {  	s17 =	simm.s32 $0x1B280;
	v1 =	vsub.f32 v1, v4;
	[tilespmem:s12+$0x1D780] =	vst v3;
	v4 =	vadd.f32 v2, v0  }
0x277: {  	v10 =	vld [tilespmem:s17+$0x80];
	[tilespmem:s5+$0x40] =	vst v6;
	v0 =	vsub.f32 v0, v2  }
0x278: {  	s14 =	sor.u32 $0x450, s3;
	v3 =	vld [tilespmem:s1+$0x40];
	[tilespmem:s0+$0x50] =	vst v4  }
0x279: {  	v6 =	vld [tilespmem:s25+$0x40];
	v2 =	vadd.f32 v5, v7;
	[tilespmem:s14+$0x1D780] =	vst v0  }
0x27a: {  	v0 =	vld [tilespmem:s1+$0xE0]  }
0x27b: {  	s13 =	sor.u32 $0x440, s10;
	[tilespmem:s30+$0x40] =	vst v2;
	v2 =	vld [tilespmem:s25+$0xE0]  }
0x27c: {  	v59 =	vld [tilespmem:s17+$0xFFFFFF80];
	[tilespmem:s13+$0x1D780] =	vst v1  }
0x27d: {  	v1 =	vld [tilespmem:s1+$0xFFFFFF50]  }
0x27e: {  	s8 =	simm.s32 $0x19A80;
	v5 =	vsub.f32 v7, v5;
	v4 =	vld [tilespmem:s25+$0xFFFFFF50]  }
0x27f: {  	s15 =	sor.u32 $0x440, s11;
	v8 =	vld [tilespmem:s8+$0x80];
	v9 =	vadd.f32 v6, v3  }
0x280: {  	v11 =	vld [tilespmem:s8+$0xFFFFFF00];
	[tilespmem:s15+$0x1D780] =	vst v5;
	v58 =	vadd.f32 v2, v0  }
0x281: {  	s16 =	sor.u32 $0x440, s2;
	s20 =	simm.s32 $0x4;
	v5 =	vld [tilespmem:s1+$0xFFFFFFD0];
	[tilespmem:s21+$0x40] =	vst v9;
	v0 =	vsub.f32 v0, v2  }
0x282: {  	s19 =	sor.u32 $0x460, s3;
	s18 =	sand.u32 $0x7, s20;
	s6 =	simm.s32 $0x400;
	v7 =	vld [tilespmem:s25+$0xFFFFFFD0];
	v2 =	vsub.f32 v3, v6;
	[tilespmem:s0+$0x60] =	vst v58  }
0x283: {  	s22 =	simm.s32 $0x380;
	s7 =	sshll.u32 s18, $0x7;
	s12 =	sand.u32 $0x800, s6;
	v9 =	vld [tilespmem:s17+$0xFFFFFF00];
	v6 =	vadd.f32 v4, v1;
	[tilespmem:s19+$0x1D780] =	vst v0  }
0x284: {  	s23 =	sand.u32 $0x380, s22;
	s7 =	sadd.s32 $0x400, s7;
	s12 =	sor.u32 $0x1D780, s12;
	[tilespmem:s16+$0x1D780] =	vst v2;
	v0 =	vadd.f32 v10, v8;
	v2 =	vld [tilespmem:s1+$0xF0]  }
0x285: {  	s29 =	sadd.s32 s23, s12;
	s23 =	sadd.s32 $0x180, s7;
	[tilespmem:s5+$0x50] =	vst v6;
	v6 =	vsub.f32 v8, v10;
	v8 =	vld [tilespmem:s25+$0xF0]  }
0x286: {  	s24 =	sor.u32 $0x400, s23;
	v3 =	vld [tilespmem:s8+$0xFFFFFF80];
	v1 =	vsub.f32 v1, v4;
	[tilespmem:s29+$0x0] =	vst v0  }
0x287: {  	s26 =	sor.u32 $0x450, s10;
	v4 =	vld [tilespmem:s8+$0x0];
	v0 =	vadd.f32 v7, v5;
	[tilespmem:s24+$0x1D780] =	vst v6  }
0x288: {  	p1 =	por !p1, !p1;
	s9 =	simm.s32 $0x1;
	s14 =	simm.s32 $0x200;
	[tilespmem:s26+$0x1D780] =	vst v1;
	v1 =	vsub.f32 v5, v7;
	v5 =	vld [tilespmem:s8+$0x90]  }
0x289: {  	s9 =	simm.s32 @!p1 $0x0;
	s13 =	sor.u32 $0x450, s11;
	s15 =	sand.u32 $0x200, s14;
	[tilespmem:s30+$0x50] =	vst v0;
	v0 =	vadd.f32 v9, v11;
	v6 =	vld [tilespmem:s17+$0x90]  }
0x28a: {  	s16 =	sshll.u32 s9, $0x9;
	v10 =	vld [tilespmem:s17+$0x0];
	s19 =	sadd.s32 s15, s12;
	[tilespmem:s13+$0x1D780] =	vst v1;
	v7 =	vadd.f32 v8, v2  }
0x28b: {  	s4 =	sadd.s32 $0x400, s16;
	v1 =	vld [tilespmem:s1+$0x50];
	[tilespmem:s19+$0x0] =	vst v0;
	v2 =	vsub.f32 v2, v8;
	v8 =	vsub.f32 v11, v9  }
0x28c: {  	s18 =	simm.s32 $0x280;
	s26 =	sor.u32 $0x400, s4;
	v0 =	vld [tilespmem:s25+$0x50];
	[tilespmem:s0+$0x70] =	vst v7  }
0x28d: {  	s22 =	sor.u32 $0x470, s3;
	s24 =	sand.u32 $0x280, s18;
	v9 =	vld [tilespmem:s1+$0xFFFFFF60];
	v7 =	vadd.f32 v59, v3;
	[tilespmem:s26+$0x1D780] =	vst v8  }
0x28e: {  	s16 =	sadd.s32 s24, s12;
	v11 =	vld [tilespmem:s25+$0xFFFFFF60];
	[tilespmem:s22+$0x1D780] =	vst v2;
	v2 =	vadd.f32 v6, v5  }
0x28f: {  	s28 =	simm.s32 $0x2;
	s7 =	sadd.s32 $0x80, s7;
	v5 =	vsub.f32 v5, v6;
	v6 =	vld [tilespmem:s17+$0xFFFFFF10];
	[tilespmem:s16+$0x0] =	vst v7  }
0x290: {  	s18 =	simm.s32 $0x300;
	s0 =	sand.u32 $0x3, s28;
	v3 =	vsub.f32 v3, v59;
	s22 =	sor.u32 $0x410, s23;
	v7 =	vld [tilespmem:s8+$0xFFFFFF10];
	[tilespmem:s29+$0x10] =	vst v2  }
0x291: {  	s24 =	sand.u32 $0x300, s18;
	v8 =	vld [tilespmem:s1+$0xFFFFFFE0];
	s26 =	sor.u32 $0x400, s7;
	s15 =	sshll.u32 s0, $0x8;
	v2 =	vadd.f32 v10, v4;
	[tilespmem:s22+$0x1D780] =	vst v5  }
0x292: {  	s0 =	sadd.s32 s24, s12;
	s3 =	sadd.s32 $0x400, s15;
	v4 =	vsub.f32 v4, v10;
	[tilespmem:s26+$0x1D780] =	vst v3;
	v10 =	vadd.f32 v0, v1;
	v3 =	vld [tilespmem:s8+$0xA0]  }
0x293: {  	s9 =	sadd.s32 $0x100, s3;
	[tilespmem:s0+$0x0] =	vst v2;
	v2 =	vld [tilespmem:s17+$0xA0]  }
0x294: {  	v0 =	vsub.f32 v1, v0;
	s3 =	sor.u32 $0x400, s9;
	v1 =	vld [tilespmem:s8+$0xFFFFFF90];
	[tilespmem:s21+$0x50] =	vst v10  }
0x295: {  	s12 =	sor.u32 $0x450, s2;
	v60 =	vld [tilespmem:s17+$0xFFFFFF90];
	[tilespmem:s3+$0x1D780] =	vst v4;
	v4 =	vadd.f32 v6, v7  }
0x296: {  	[tilespmem:s12+$0x1D780] =	vst v0;
	v6 =	vsub.f32 v7, v6;
	v7 =	vld [tilespmem:s8+$0x10]  }
0x297: {  	s13 =	sor.u32 $0x410, s4;
	v0 =	vadd.f32 v11, v9;
	[tilespmem:s19+$0x10] =	vst v4;
	v4 =	vld [tilespmem:s17+$0x10]  }
0x298: {  	v5 =	vld [tilespmem:s25+$0xFFFFFFE0];
	[tilespmem:s13+$0x1D780] =	vst v6;
	v6 =	vadd.f32 v2, v3  }
0x299: {  	[tilespmem:s5+$0x60] =	vst v0;
	v2 =	vsub.f32 v3, v2;
	v3 =	vld [tilespmem:s8+$0xFFFFFF20]  }
0x29a: {  	s15 =	sor.u32 $0x420, s23;
	v0 =	vld [tilespmem:s17+$0xFFFFFF20];
	[tilespmem:s29+$0x20] =	vst v6;
	v6 =	vadd.f32 v60, v1  }
0x29b: {  	v10 =	vld [tilespmem:s1+$0x60];
	v1 =	vsub.f32 v1, v60;
	[tilespmem:s15+$0x1D780] =	vst v2  }
0x29c: {  	s22 =	sor.u32 $0x410, s7;
	v2 =	vld [tilespmem:s25+$0x60];
	[tilespmem:s16+$0x10] =	vst v6;
	v6 =	vadd.f32 v4, v7  }
0x29d: {  	v61 =	vld [tilespmem:s8+$0xB0];
	v4 =	vsub.f32 v7, v4;
	v7 =	vsub.f32 v9, v11;
	[tilespmem:s22+$0x1D780] =	vst v1  }
0x29e: {  	s26 =	sor.u32 $0x460, s10;
	v1 =	vld [tilespmem:s17+$0xB0];
	[tilespmem:s0+$0x10] =	vst v6  }
0x29f: {  	s24 =	sor.u32 $0x410, s9;
	v9 =	vld [tilespmem:s8+$0xFFFFFFA0];
	v6 =	vadd.f32 v0, v3;
	[tilespmem:s26+$0x1D780] =	vst v7  }
0x2a0: {  	v11 =	vld [tilespmem:s17+$0xFFFFFFA0];
	v0 =	vsub.f32 v3, v0;
	[tilespmem:s24+$0x1D780] =	vst v4  }
0x2a1: {  	s13 =	sor.u32 $0x420, s4;
	v4 =	vadd.f32 v5, v8;
	v3 =	vld [tilespmem:s8+$0x20];
	[tilespmem:s19+$0x20] =	vst v6  }
0x2a2: {  	v5 =	vsub.f32 v8, v5;
	v6 =	vld [tilespmem:s17+$0x20];
	[tilespmem:s13+$0x1D780] =	vst v0  }
0x2a3: {  	s26 =	sor.u32 $0x460, s11;
	v7 =	vld [tilespmem:s1+$0xFFFFFF70];
	[tilespmem:s30+$0x60] =	vst v4;
	v0 =	vadd.f32 v1, v61  }
0x2a4: {  	v1 =	vsub.f32 v61, v1;
	v62 =	vld [tilespmem:s8+$0xFFFFFF30];
	[tilespmem:s26+$0x1D780] =	vst v5  }
0x2a5: {  	s15 =	sor.u32 $0x430, s23;
	v4 =	vld [tilespmem:s17+$0xFFFFFF30];
	[tilespmem:s29+$0x30] =	vst v0;
	v0 =	vadd.f32 v11, v9  }
0x2a6: {  	v63 =	vld [tilespmem:s1+$0xFFFFFFF0];
	v9 =	vsub.f32 v9, v11;
	[tilespmem:s15+$0x1D780] =	vst v1  }
0x2a7: {  	s22 =	sor.u32 $0x420, s7;
	[tilespmem:s16+$0x20] =	vst v0;
	v0 =	vadd.f32 v6, v3;
	v1 =	vld [tilespmem:s8+$0xC0]  }
0x2a8: {  	v3 =	vsub.f32 v3, v6;
	v6 =	vld [tilespmem:s17+$0xC0];
	[tilespmem:s22+$0x1D780] =	vst v9  }
0x2a9: {  	s24 =	sor.u32 $0x420, s9;
	v5 =	vadd.f32 v2, v10;
	v8 =	vld [tilespmem:s8+$0xFFFFFFB0];
	[tilespmem:s0+$0x20] =	vst v0  }
0x2aa: {  	v0 =	vadd.f32 v4, v62;
	v9 =	vld [tilespmem:s17+$0xFFFFFFB0];
	[tilespmem:s24+$0x1D780] =	vst v3  }
0x2ab: {  	[tilespmem:s21+$0x60] =	vst v5;
	v3 =	vsub.f32 v62, v4;
	v4 =	vld [tilespmem:s8+$0x30]  }
0x2ac: {  	s13 =	sor.u32 $0x430, s4;
	v2 =	vsub.f32 v10, v2;
	[tilespmem:s19+$0x30] =	vst v0;
	v0 =	vld [tilespmem:s17+$0x30]  }
0x2ad: {  	v11 =	vld [tilespmem:s25+$0xFFFFFF70];
	s24 =	sor.u32 $0x460, s2;
	[tilespmem:s13+$0x1D780] =	vst v3;
	v3 =	vadd.f32 v6, v1  }
0x2ae: {  	[tilespmem:s24+$0x1D780] =	vst v2;
	v1 =	vsub.f32 v1, v6;
	v6 =	vld [tilespmem:s8+$0xFFFFFF40]  }
0x2af: {  	s15 =	sor.u32 $0x440, s23;
	v5 =	vld [tilespmem:s17+$0xFFFFFF40];
	[tilespmem:s29+$0x40] =	vst v3;
	v3 =	vadd.f32 v9, v8  }
0x2b0: {  	v8 =	vsub.f32 v8, v9;
	v9 =	vld [tilespmem:s25+$0xFFFFFFF0];
	[tilespmem:s15+$0x1D780] =	vst v1  }
0x2b1: {  	s26 =	smov.u32 s21;
	s21 =	sor.u32 $0x430, s7;
	[tilespmem:s16+$0x30] =	vst v3;
	v1 =	vadd.f32 v0, v4;
	v3 =	vld [tilespmem:s8+$0xD0]  }
0x2b2: {  	v0 =	vsub.f32 v4, v0;
	v4 =	vld [tilespmem:s17+$0xD0];
	[tilespmem:s21+$0x1D780] =	vst v8  }
0x2b3: {  	s22 =	sor.u32 $0x430, s9;
	v2 =	vadd.f32 v11, v7;
	v8 =	vld [tilespmem:s8+$0xFFFFFFC0];
	[tilespmem:s0+$0x30] =	vst v1  }
0x2b4: {  	v1 =	vadd.f32 v5, v6;
	v10 =	vld [tilespmem:s17+$0xFFFFFFC0];
	[tilespmem:s22+$0x1D780] =	vst v0  }
0x2b5: {  	[tilespmem:s5+$0x70] =	vst v2;
	v0 =	vsub.f32 v6, v5;
	v6 =	vld [tilespmem:s8+$0x40]  }
0x2b6: {  	s18 =	smov.u32 s0;
	s0 =	sor.u32 $0x440, s4;
	[tilespmem:s19+$0x40] =	vst v1;
	v13 =	vld [tilespmem:s17+$0x40]  }
0x2b7: {  	s12 =	sor.u32 $0x470, s2;
	v1 =	vld [tilespmem:s1+$0x70];
	[tilespmem:s0+$0x1D780] =	vst v0;
	v0 =	vadd.f32 v4, v3  }
0x2b8: {  	v3 =	vsub.f32 v3, v4;
	v14 =	vld [tilespmem:s8+$0xFFFFFF50];
	[dreg:$0xe] =	wrdreg s12  }
0x2b9: {  	s13 =	sor.u32 $0x450, s23;
	[tilespmem:s29+$0x50] =	vst v0;
	v0 =	vadd.f32 v10, v8  }
0x2ba: {  	v2 =	vsub.f32 v8, v10;
	[tilespmem:s13+$0x1D780] =	vst v3  }
0x2bb: {  	s31 =	sor.u32 $0x470, s4;
	s15 =	sor.u32 $0x440, s7;
	v15 =	vld [tilespmem:s17+$0xFFFFFF50];
	[tilespmem:s16+$0x40] =	vst v0  }
0x2bc: {  	s10 =	sor.u32 $0x470, s10;
	s3 =	sor.u32 $0x460, s7;
	s22 =	sor.u32 $0x470, s7;
	v4 =	vld [tilespmem:s25+$0x70];
	[tilespmem:s15+$0x1D780] =	vst v2  }
0x2bd: {  	s24 =	sor.u32 $0x470, s11;
	s21 =	sor.u32 $0x440, s9;
	v8 =	vadd.f32 v13, v6;
	v5 =	vld [tilespmem:s8+$0xE0];
	[dreg:$0xd] =	wrdreg s22  }
0x2be: {  	s0 =	sor.u32 $0x460, s9;
	s12 =	sor.u32 $0x450, s7;
	s7 =	sor.u32 $0x470, s9;
	v3 =	vadd.f32 v9, v63;
	v10 =	vsub.f32 v6, v13;
	v6 =	vld [tilespmem:s17+$0xE0]  }
0x2bf: {  	s25 =	sor.u32 $0x450, s9;
	s9 =	sor.u32 $0x460, s4;
	s13 =	sor.u32 $0x450, s4;
	v0 =	vsub.f32 v63, v9;
	v2 =	vsub.f32 v7, v11;
	v7 =	vld [tilespmem:s8+$0xFFFFFFD0];
	[tilespmem:s18+$0x40] =	vst v8  }
0x2c0: {  	s4 =	simm.s32 $0x19C80;
	s22 =	simm.s32 $0x4;
	v9 =	vsub.f32 v14, v15;
	v8 =	vld [tilespmem:s17+$0xFFFFFFD0];
	[tilespmem:s21+$0x1D780] =	vst v10;
	v10 =	vadd.f32 v15, v14;
	s21 =	simm.s32 $0x1B280  }
.LBB2_8:
0x2c1: {  	[smem:$0x7D1] =	sst s25  }
0x2c2: {  	[smem:$0x7D3] =	sst s19  }
0x2c3: {  	[smem:$0x7D2] =	sst s7  }
0x2c4: {  	[smem:$0x7D4] =	sst s9  }
0x2c5: {  	[dreg:$0xf] =	wrdreg s0  }
0x2c6: {  	[dreg:$0xc] =	wrdreg s3;
	p1 =	por !p1, !p1;
	[tilespmem:s10+$0x1D780] =	vst v2  }
0x2c7: {  	v11 =	vld [tilespmem:s4+$0x80];
	s17 =	sadd.s32 $0x200, s17;
	s1 =	smov.u32 s31;
	s28 =	sadd.s32 $0x2, s28;
	[tilespmem:s30+$0x70] =	vst v3  }
0x2c8: {  	s20 =	sadd.s32 $0x4, s20;
	s6 =	sadd.s32 $0x400, s6;
	s14 =	sadd.s32 $0x200, s14;
	[tilespmem:s19+$0x50] =	vst v10;
	v2 =	vadd.f32 v4, v1;
	v1 =	vsub.f32 v1, v4;
	v4 =	vld [tilespmem:s17+$0x80]  }
0x2c9: {  	[dreg:$0x18] =	wrdreg s1;
	s1 =	simm.s32 $0x1;
	s5 =	sand.u32 $0x3, s28;
	v10 =	vld [tilespmem:s4+$0xFFFFFF00];
	[tilespmem:s13+$0x1D780] =	vst v9;
	v9 =	vadd.f32 v6, v5  }
0x2ca: {  	s11 =	sand.u32 $0x7, s20;
	v3 =	vld [tilespmem:s4+$0xFFFFFF80];
	[dreg:$0xb] =	wrdreg s14;
	s15 =	sand.u32 $0x800, s6;
	v5 =	vsub.f32 v5, v6  }
0x2cb: {  	s19 =	sadd.s32 $0x180, s14;
	s0 =	sadd.s32 $0x80, s14;
	s13 =	sor.u32 $0x460, s23;
	v12 =	vld [tilespmem:s17+$0xFFFFFF00];
	v6 =	vadd.f32 v8, v7;
	[tilespmem:s29+$0x60] =	vst v9  }
0x2cc: {  	s1 =	simm.s32 @!p1 $0x0;
	s2 =	sshll.u32 s5, $0x8;
	s5 =	sshll.u32 s11, $0x7;
	v7 =	vsub.f32 v7, v8;
	v8 =	vld [tilespmem:s17+$0xFFFFFF80];
	[tilespmem:s13+$0x1D780] =	vst v5  }
0x2cd: {  	s9 =	sor.u32 $0x1D780, s15;
	s25 =	sand.u32 $0x380, s19;
	s1 =	sshll.u32 s1, $0x9;
	[tilespmem:s16+$0x50] =	vst v6;
	v5 =	vadd.f32 v4, v11;
	v6 =	vld [tilespmem:s8+$0xF0]  }
0x2ce: {  	s5 =	sadd.s32 s6, s5;
	s3 =	sadd.s32 s6, s2;
	s7 =	sadd.s32 s25, s9;
	[tilespmem:s12+$0x1D780] =	vst v7;
	v7 =	vld [tilespmem:s21+$0xF0]  }
0x2cf: {  	s2 =	sadd.s32 $0x100, s14;
	s11 =	sadd.s32 $0x180, s5;
	s31 =	sadd.s32 s1, s6;
	v4 =	vsub.f32 v11, v4;
	v11 =	vld [tilespmem:s4+$0x0];
	[tilespmem:s7+$0x0] =	vst v5  }
0x2d0: {  	s30 =	sadd.s32 $0x80, s5;
	s2 =	sand.u32 $0x300, s2;
	s15 =	sor.u32 $0x400, s11;
	v5 =	vld [tilespmem:s17+$0x0];
	[tilespmem:s26+$0x70] =	vst v2  }
0x2d1: {  	s5 =	sand.u32 $0x200, s14;
	s14 =	sand.u32 $0x280, s0;
	s2 =	sadd.s32 s2, s9;
	v9 =	vadd.f32 v12, v10;
	[tilespmem:s15+$0x1D780] =	vst v4;
	v2 =	vld [tilespmem:s8+$0x50]  }
0x2d2: {  	[tilespmem:s24+$0x1D780] =	vst v0;
	s26 =	sadd.s32 s14, s9;
	v4 =	vadd.f32 v8, v3;
	v3 =	vsub.f32 v3, v8;
	s15 =	sadd.s32 s5, s9;
	s9 =	rddreg [dreg:$0xe];
	v8 =	vld [tilespmem:s4+$0x90]  }
0x2d3: {  	s0 =	smov.u32 s18;
	s19 =	sor.u32 $0x400, s31;
	s13 =	sadd.s32 $0x100, s3;
	v0 =	vld [tilespmem:s17+$0x90];
	[tilespmem:s9+$0x1D780] =	vst v1;
	v59 =	vadd.f32 v7, v6  }
0x2d4: {  	s25 =	sor.u32 $0x400, s30;
	s10 =	sor.u32 $0x420, s30;
	v10 =	vsub.f32 v10, v12;
	s12 =	sor.u32 $0x420, s13;
	[tilespmem:s15+$0x0] =	vst v9;
	v1 =	vld [tilespmem:s21+$0x50]  }
0x2d5: {  	s3 =	smov.u32 s28;
	s24 =	sor.u32 $0x430, s13;
	[smem:$0x7D6] =	sst s12;
	v6 =	vsub.f32 v6, v7;
	v9 =	vld [tilespmem:s8+$0xFFFFFF60];
	[tilespmem:s29+$0x70] =	vst v59  }
0x2d6: {  	s18 =	sor.u32 $0x400, s13;
	[dreg:$0x1c] =	wrdreg s24;
	s12 =	sor.u32 $0x430, s31;
	v7 =	vadd.f32 v5, v11;
	v5 =	vsub.f32 v11, v5;
	v11 =	vld [tilespmem:s21+$0xFFFFFF60];
	[tilespmem:s19+$0x1D780] =	vst v10  }
0x2d7: {  	s24 =	sor.u32 $0x460, s30;
	s14 =	sor.u32 $0x470, s23;
	[smem:$0x7D8] =	sst s12;
	v10 =	vld [tilespmem:s8+$0xFFFFFFE0];
	[tilespmem:s26+$0x0] =	vst v4  }
0x2d8: {  	s1 =	sor.u32 $0x410, s13;
	s23 =	sor.u32 $0x430, s30;
	[smem:$0x7D7] =	sst s24;
	[tilespmem:s14+$0x1D780] =	vst v6;
	v6 =	vadd.f32 v0, v8  }
0x2d9: {  	s28 =	sor.u32 $0x450, s13;
	[smem:$0x7D9] =	sst s23;
	s19 =	sor.u32 $0x440, s31;
	v60 =	vld [tilespmem:s4+$0xFFFFFF10];
	v0 =	vsub.f32 v8, v0;
	[tilespmem:s2+$0x0] =	vst v7  }
0x2da: {  	s23 =	sor.u32 $0x440, s13;
	[dreg:$0x1f] =	wrdreg s19;
	v4 =	vld [tilespmem:s17+$0xFFFFFF10];
	s19 =	sor.u32 $0x410, s11;
	[tilespmem:s7+$0x10] =	vst v6  }
0x2db: {  	s24 =	sor.u32 $0x460, s13;
	[dreg:$0x14] =	wrdreg s23;
	s23 =	smov.u32 s11;
	[tilespmem:s19+$0x1D780] =	vst v0;
	v0 =	vld [tilespmem:s21+$0xFFFFFFE0]  }
0x2dc: {  	s11 =	smov.u32 s16;
	s16 =	smov.u32 s26;
	s26 =	rddreg [dreg:$0xd];
	[tilespmem:s18+$0x1D780] =	vst v5;
	v6 =	vadd.f32 v1, v2;
	v1 =	vsub.f32 v2, v1;
	v2 =	vld [tilespmem:s4+$0xA0]  }
0x2dd: {  	s18 =	smov.u32 s2;
	s2 =	smov.u32 s26;
	s26 =	sld [smem:$0x7D1];
	[tilespmem:s25+$0x1D780] =	vst v3;
	v7 =	vld [tilespmem:s17+$0xA0]  }
0x2de: {  	s12 =	sor.u32 $0x450, s30;
	[smem:$0x7DA] =	sst s24;
	s24 =	smov.u32 s0;
	v3 =	vadd.f32 v11, v9;
	v8 =	vsub.f32 v9, v11;
	v9 =	vld [tilespmem:s4+$0xFFFFFF90]  }
0x2df: {  	s5 =	sor.u32 $0x410, s31;
	s0 =	sld [smem:$0x7D2];
	s9 =	sor.u32 $0x410, s30;
	v5 =	vadd.f32 v4, v60;
	v11 =	vld [tilespmem:s17+$0xFFFFFF90];
	[tilespmem:s24+$0x50] =	vst v6  }
0x2e0: {  	s14 =	sor.u32 $0x440, s30;
	s25 =	sor.u32 $0x470, s30;
	s30 =	sld [smem:$0x7D3];
	v4 =	vsub.f32 v60, v4;
	v6 =	vld [tilespmem:s4+$0x10];
	[tilespmem:s26+$0x1D780] =	vst v1  }
0x2e1: {  	s13 =	sor.u32 $0x470, s13;
	s29 =	smov.u32 s7;
	s26 =	sld [smem:$0x7D4];
	[tilespmem:s15+$0x10] =	vst v5  }
0x2e2: {  	[dreg:$0x17] =	wrdreg s14;
	s14 =	smov.u32 s8;
	s7 =	smov.u32 s25;
	v1 =	vld [tilespmem:s17+$0x10];
	[tilespmem:s5+$0x1D780] =	vst v4;
	v61 =	vadd.f32 v0, v10  }
0x2e3: {  	s8 =	smov.u32 s6;
	[dreg:$0xd] =	wrdreg s7;
	s7 =	smov.u32 s0;
	v0 =	vsub.f32 v10, v0;
	v10 =	vld [tilespmem:s4+$0xFFFFFF20];
	[tilespmem:s30+$0x60] =	vst v3;
	v4 =	vadd.f32 v7, v2  }
0x2e4: {  	s6 =	sor.u32 $0x450, s31;
	[dreg:$0xe] =	wrdreg s7;
	s7 =	smov.u32 s13;
	v2 =	vsub.f32 v2, v7;
	v3 =	vld [tilespmem:s17+$0xFFFFFF20];
	[tilespmem:s26+$0x1D780] =	vst v8  }
0x2e5: {  	s13 =	smov.u32 s6;
	s6 =	smov.u32 s8;
	v5 =	vld [tilespmem:s14+$0x60];
	s8 =	sor.u32 $0x420, s23;
	v7 =	vadd.f32 v11, v9;
	[tilespmem:s29+$0x20] =	vst v4  }
0x2e6: {  	v9 =	vsub.f32 v9, v11;
	[tilespmem:s8+$0x1D780] =	vst v2;
	v2 =	vld [tilespmem:s21+$0x60]  }
0x2e7: {  	[tilespmem:s16+$0x10] =	vst v7;
	v4 =	vadd.f32 v1, v6;
	v1 =	vsub.f32 v6, v1;
	v6 =	vld [tilespmem:s4+$0xB0]  }
0x2e8: {  	[tilespmem:s9+$0x1D780] =	vst v9;
	v7 =	vld [tilespmem:s17+$0xB0]  }
0x2e9: {  	v9 =	vld [tilespmem:s4+$0xFFFFFFA0];
	[tilespmem:s18+$0x10] =	vst v4;
	v4 =	vadd.f32 v3, v10  }
0x2ea: {  	v3 =	vsub.f32 v10, v3;
	v10 =	vld [tilespmem:s17+$0xFFFFFFA0];
	[tilespmem:s1+$0x1D780] =	vst v1  }
0x2eb: {  	[smem:$0x7D5] =	sst s10;
	s10 =	sor.u32 $0x420, s31;
	v1 =	vld [tilespmem:s4+$0x20];
	[tilespmem:s15+$0x20] =	vst v4  }
0x2ec: {  	v8 =	vadd.f32 v2, v5;
	v5 =	vsub.f32 v5, v2;
	v2 =	vld [tilespmem:s17+$0x20];
	[tilespmem:s10+$0x1D780] =	vst v3  }
0x2ed: {  	v3 =	vadd.f32 v7, v6;
	v4 =	vld [tilespmem:s14+$0xFFFFFF70]  }
0x2ee: {  	s25 =	smov.u32 s28;
	[tilespmem:s11+$0x60] =	vst v61;
	v11 =	vld [tilespmem:s4+$0xFFFFFF30];
	v6 =	vsub.f32 v6, v7  }
0x2ef: {  	s28 =	smov.u32 s3;
	s3 =	sld [smem:$0x7D5];
	s1 =	sor.u32 $0x430, s23;
	v7 =	vld [tilespmem:s17+$0xFFFFFF30];
	v62 =	vadd.f32 v10, v9;
	[tilespmem:s29+$0x30] =	vst v3  }
0x2f0: {  	v9 =	vsub.f32 v9, v10;
	v3 =	vld [tilespmem:s21+$0xFFFFFF70];
	[tilespmem:s1+$0x1D780] =	vst v6  }
0x2f1: {  	s5 =	sld [smem:$0x7D6];
	[tilespmem:s16+$0x20] =	vst v62;
	v6 =	vadd.f32 v2, v1;
	v10 =	vld [tilespmem:s4+$0xC0]  }
0x2f2: {  	v1 =	vsub.f32 v1, v2;
	[tilespmem:s3+$0x1D780] =	vst v9;
	v9 =	vld [tilespmem:s17+$0xC0]  }
0x2f3: {  	s26 =	sld [smem:$0x7D8];
	v12 =	vld [tilespmem:s4+$0xFFFFFFB0];
	[tilespmem:s18+$0x20] =	vst v6  }
0x2f4: {  	s8 =	rddreg [dreg:$0xc];
	v6 =	vadd.f32 v7, v11;
	v7 =	vsub.f32 v11, v7;
	v11 =	vld [tilespmem:s17+$0xFFFFFFB0];
	[tilespmem:s5+$0x1D780] =	vst v1  }
0x2f5: {  	[tilespmem:s8+$0x1D780] =	vst v0;
	v1 =	vld [tilespmem:s4+$0x30]  }
0x2f6: {  	v13 =	vadd.f32 v3, v4;
	[tilespmem:s15+$0x30] =	vst v6;
	v0 =	vld [tilespmem:s17+$0x30]  }
0x2f7: {  	v2 =	vsub.f32 v4, v3;
	v4 =	vld [tilespmem:s14+$0xFFFFFFF0];
	[tilespmem:s26+$0x1D780] =	vst v7;
	v3 =	vadd.f32 v9, v10  }
0x2f8: {  	s0 =	sor.u32 $0x440, s23;
	[tilespmem:s24+$0x60] =	vst v8;
	v7 =	vsub.f32 v10, v9;
	v6 =	vld [tilespmem:s4+$0xFFFFFF40]  }
0x2f9: {  	s26 =	smov.u32 s24;
	s24 =	smov.u32 s2;
	s2 =	sld [smem:$0x7D9];
	v8 =	vld [tilespmem:s17+$0xFFFFFF40];
	v9 =	vadd.f32 v11, v12;
	[tilespmem:s29+$0x40] =	vst v3  }
0x2fa: {  	v10 =	vsub.f32 v12, v11;
	[tilespmem:s0+$0x1D780] =	vst v7;
	v7 =	vld [tilespmem:s21+$0xFFFFFFF0]  }
0x2fb: {  	[tilespmem:s16+$0x30] =	vst v9;
	v3 =	vadd.f32 v0, v1;
	v9 =	vld [tilespmem:s4+$0xD0]  }
0x2fc: {  	v0 =	vsub.f32 v1, v0;
	[tilespmem:s2+$0x1D780] =	vst v10;
	v10 =	vld [tilespmem:s17+$0xD0]  }
0x2fd: {  	s5 =	rddreg [dreg:$0x1c];
	v11 =	vld [tilespmem:s4+$0xFFFFFFC0];
	[tilespmem:s18+$0x30] =	vst v3  }
0x2fe: {  	s19 =	sor.u32 $0x460, s31;
	s8 =	rddreg [dreg:$0xf];
	v1 =	vadd.f32 v8, v6;
	v6 =	vsub.f32 v6, v8;
	v8 =	vld [tilespmem:s17+$0xFFFFFFC0];
	[tilespmem:s5+$0x1D780] =	vst v0  }
0x2ff: {  	s9 =	smov.u32 s19;
	s19 =	sld [smem:$0x7D7];
	v63 =	vld [tilespmem:s4+$0x40];
	[tilespmem:s8+$0x1D780] =	vst v5  }
0x300: {  	s2 =	rddreg [dreg:$0x1f];
	v3 =	vadd.f32 v7, v4;
	[tilespmem:s15+$0x40] =	vst v1;
	v5 =	vld [tilespmem:s17+$0x40]  }
0x301: {  	s22 =	sadd.s32 $0x4, s22;
	v0 =	vsub.f32 v4, v7;
	[tilespmem:s2+$0x1D780] =	vst v6;
	v1 =	vld [tilespmem:s14+$0x70];
	v4 =	vadd.f32 v10, v9  }
0x302: {  	p3 =	slt.u32 s22, $0xC;
	v14 =	vld [tilespmem:s4+$0xFFFFFF50];
	v6 =	vsub.f32 v9, v10;
	[tilespmem:s30+$0x70] =	vst v13  }
0x303: {  	s3 =	smov.u32 s19;
	s19 =	sld [smem:$0x7DA];
	s5 =	sor.u32 $0x450, s23;
	v9 =	vld [tilespmem:s17+$0xFFFFFF50];
	v7 =	vadd.f32 v8, v11;
	[tilespmem:s29+$0x50] =	vst v4  }
.Ltmp5:
0x304: {  	v8 =	vsub.f32 v11, v8;
	v4 =	vld [tilespmem:s21+$0x70];
	[tilespmem:s5+$0x1D780] =	vst v6;
	(pc) =	sbr.rel @p3 .LBB2_8-.Ltmp5, $4  }
0x305: {  	s30 =	smov.u32 s11;
	s11 =	rddreg [dreg:$0x17];
	[tilespmem:s16+$0x40] =	vst v7;
	v10 =	vadd.f32 v5, v63;
	v11 =	vsub.f32 v63, v5;
	v5 =	vld [tilespmem:s4+$0xE0]  }
0x306: {  	s31 =	sor.u32 $0x470, s31;
	s10 =	rddreg [dreg:$0x18];
	s0 =	smov.u32 s19;
	[tilespmem:s11+$0x1D780] =	vst v8;
	v6 =	vld [tilespmem:s17+$0xE0]  }
0x307: {  	s19 =	smov.u32 s15;
	s8 =	smov.u32 s4;
	s15 =	rddreg [dreg:$0x14];
	v7 =	vld [tilespmem:s4+$0xFFFFFFD0];
	[tilespmem:s18+$0x40] =	vst v10  }
0x308: {  	s14 =	rddreg [dreg:$0xb];
	s21 =	smov.u32 s17;
	v8 =	vld [tilespmem:s17+$0xFFFFFFD0];
	s4 =	sadd.s32 $0x200, s4;
	v10 =	vadd.f32 v9, v14;
	v9 =	vsub.f32 v14, v9;
	[tilespmem:s15+$0x1D780] =	vst v11  }
0x309: {  	_ = 	snop  }
0x30a: {  	v11 =	vld [tilespmem:s8+$0x50]  }
0x30b: {  	v12 =	vld [tilespmem:s21+$0x50]  }
0x30c: {  	[tilespmem:s10+$0x1D780] =	vst v2  }
0x30d: {  	[tilespmem:s19+$0x50] =	vst v10;
	v31 =	vadd.f32 v8, v7  }
0x30e: {  	[tilespmem:s13+$0x1D780] =	vst v9;
	v32 =	vsub.f32 v7, v8  }
0x30f: {  	v33 =	vld [tilespmem:s8+$0xFFFFFF60];
	[tilespmem:s16+$0x50] =	vst v31  }
0x310: {  	v35 =	vld [tilespmem:s21+$0xFFFFFF60];
	v34 =	vadd.f32 v12, v11;
	[tilespmem:s12+$0x1D780] =	vst v32  }
0x311: {  	[tilespmem:s30+$0x70] =	vst v3;
	v36 =	vsub.f32 v11, v12;
	v37 =	vld [tilespmem:s8+$0xFFFFFFE0]  }
0x312: {  	v38 =	vadd.f32 v6, v5;
	[tilespmem:s18+$0x50] =	vst v34;
	v39 =	vld [tilespmem:s21+$0xFFFFFFE0]  }
0x313: {  	v40 =	vsub.f32 v5, v6;
	[tilespmem:s25+$0x1D780] =	vst v36  }
0x314: {  	s1 =	sor.u32 $0x460, s23;
	[tilespmem:s29+$0x60] =	vst v38;
	v41 =	vld [tilespmem:s8+$0x60]  }
0x315: {  	[tilespmem:s1+$0x1D780] =	vst v40;
	v43 =	vadd.f32 v35, v33;
	v42 =	vld [tilespmem:s21+$0x60]  }
0x316: {  	[tilespmem:s24+$0x1D780] =	vst v0;
	v45 =	vld [tilespmem:s8+$0xF0];
	v44 =	vsub.f32 v33, v35  }
0x317: {  	v47 =	vld [tilespmem:s21+$0xF0];
	[tilespmem:s19+$0x60] =	vst v43;
	v46 =	vadd.f32 v39, v37  }
0x318: {  	[tilespmem:s9+$0x1D780] =	vst v44;
	v48 =	vsub.f32 v37, v39  }
0x319: {  	v52 =	vadd.f32 v4, v1;
	v50 =	vld [tilespmem:s8+$0xFFFFFF70];
	[tilespmem:s16+$0x60] =	vst v46  }
0x31a: {  	v51 =	vld [tilespmem:s21+$0xFFFFFF70];
	v49 =	vadd.f32 v42, v41;
	[tilespmem:s3+$0x1D780] =	vst v48  }
0x31b: {  	[tilespmem:s26+$0x70] =	vst v52;
	v3 =	vsub.f32 v41, v42;
	v7 =	vld [tilespmem:s8+$0xFFFFFFF0]  }
0x31c: {  	v56 =	vadd.f32 v47, v45;
	[tilespmem:s18+$0x60] =	vst v49;
	v54 =	vld [tilespmem:s21+$0xFFFFFFF0]  }
0x31d: {  	v53 =	vsub.f32 v1, v4;
	[tilespmem:s0+$0x1D780] =	vst v3  }
0x31e: {  	v0 =	vsub.f32 v45, v47;
	s0 =	rddreg [dreg:$0xe];
	[tilespmem:s29+$0x70] =	vst v56  }
0x31f: {  	s28 =	sor.u32 $0x470, s23;
	v58 =	vadd.f32 v51, v50;
	[tilespmem:s0+$0x1D780] =	vst v53  }
0x320: {  	v59 =	vsub.f32 v50, v51;
	[tilespmem:s28+$0x1D780] =	vst v0  }
0x321: {  	v55 =	vld [tilespmem:s8+$0x70];
	[tilespmem:s19+$0x70] =	vst v58;
	v60 =	vadd.f32 v54, v7  }
0x322: {  	v57 =	vld [tilespmem:s21+$0x70];
	[tilespmem:s31+$0x1D780] =	vst v59  }
0x323: {  	v61 =	vsub.f32 v7, v54;
	[tilespmem:s16+$0x70] =	vst v60  }
0x324: {  	s0 =	rddreg [dreg:$0xd]  }
0x325: {  	[tilespmem:s0+$0x1D780] =	vst v61  }
0x326: {  	s0 =	sld [smem:$0x7F9]  }
0x327: {  	v62 =	vadd.f32 v57, v55;
	s1 =	sld [smem:$0x7DB]  }
0x328: {  	v63 =	vsub.f32 v55, v57  }
0x329: {  	s3 =	rddreg [dreg:$0x3];
	[tilespmem:s18+$0x70] =	vst v62  }
0x32a: {  	s29 =	rddreg [dreg:$0x2];
	[tilespmem:s7+$0x1D780] =	vst v63;
	s0 =	sadd.s32 s0, s1  }
0x32b: {  	s30 =	simm.s32 $0x0;
	s4 =	sld [smem:$0x7E7];
	s0 =	sshrl.u32 s0, $0x3  }
0x32c: {  	s2 =	simm.s32 $0x1D780;
	s31 =	sld [smem:$0x7F1];
	s0 =	sadd.s32 s29, s0  }
0x32d: {  	[hbm4b:s0+s30] =	stream.linear.scatter [tilespmem:s2], [sflag:$0x6], $0x1000, $0x38;
	[tilespmem:$0x1E780] =	vst v63  }
0x32e: {  	s1 =	simm.s32 @!p2 $0x10;
	s0 =	sadd.s32 @!p2 $0x138D0, s4;
	s2 =	simm.s32 @!p2 $0x19780  }
0x32f: {  	[tilespmem:s2], [sflag:$0x3] =	stream.indirect.gather @!p2 [spmem:s3], $0x80, s0, s1, $0xb8;
	[tilespmem:$0x1E780] =	vst v63  }
0x330: {  	s0 =	sadd.s32 @!p2 $0x16050, s4;
	s2 =	simm.s32 @!p2 $0x1AF80  }
0x331: {  	[tilespmem:s2], [sflag:$0x3] =	stream.indirect.gather @!p2 [spmem:s3], $0x80, s0, s1, $0xb8;
	[tilespmem:$0x1E780] =	vst v63  }
0x332: {  	s1 =	sadd.s32 $0x1, s31  }
0x333: {  	p1 =	sne.s32 s1, $0xD1  }
.Ltmp6:
0x334: {  	_ = 	snop;
	(pc) =	sbr.rel @p1 .LBB2_2-.Ltmp6, $4  }
.Ltmp7:
0x335: {  	_ = 	snop;
	(pc) =	sbr.rel @!p1 .LBB2_10-.Ltmp7, $4  }
0x336: {  	_ = 	snop  }
0x337: {  	_ = 	snop  }
0x338: {  	_ = 	snop  }
0x339: {  	_ = 	snop  }
.LBB2_11:
0x33a: {  	_ =	sfence.sel $0x180000  }
0x33b: {  	[bflag:$0x0] =	sbarrier.arrive $0xFFFF  }
0x33c: {  	_ =	strace $0x90000047  }
0x33d: {  	s0 =	stileid.u32;
	[bflag:$0x2] =	sbarrier.arrive $0xFFFF  }
0x33e: {  	p0 =	sne.s32 s0, $0x0;
	s0 =	rddreg [dreg:$0x4]  }
0x33f: {  	s0 =	sadd.s32 @!p0 $0x100000, s0  }
0x340: {  	[sflag:s0] =	ssyncadd.tile.s32 @!p0 $0x1;
	_ =	shalt  }
.Lfunc_end2:
_tile_overlayer_lowered:
.L_overlay_start_2:
0x341: {  	(tag) =	ssettag $0x2  }
0x342: {  	s0 =	rddreg [dreg:$0x0];
	s2 =	stileid.u32  }
0x343: {  	s1 =	rddreg [dreg:$0x1];
	p0 =	sne.s32 s2, $0x0  }
0x344: {  	s3 =	rddreg [dreg:$0x2];
	[bflag:$0x3] =	sbarrier.arrive $0xFFFF;
	s2 =	simm.s32 @!p0 $0x1C07  }
0x345: {  	[timem:s3], [sflag:s2] =	dma.local @!p0 [hbm:s0], s1  }
0x346: {  	s0 =	simm.s32 @!p0 $0x7  }
0x347: {  	_ =	swait.ge @!p0 [sflag:s0], s1  }
0x348: {  	s1 =	ssub.s32 @!p0 $0x0, s1;
	[sflag:s0] =	ssyncset.done @!p0 $0x0  }
0x349: {  	[sflag:s0] =	ssyncadd.s32 @!p0 s1  }
0x34a: {  	[bflag:$0x3] =	sbarrier.arrive $0xFFFF  }
0x34b: {  	_ =	shalt  }

</sc_bundles>
